<compile_context>
chip_gen: v7x
topology: tpu7x:2x2x1
jax: 0.10.2.dev20260603
libtpu: 0.0.44.dev20260713+nightly
codegen_flags: <defaults>
</compile_context>

<pallas_src>
import functools

import jax
import jax.numpy as jnp
from jax import lax
from jax.experimental import pallas as pl
from jax.experimental.pallas import tpu as pltpu
from jax.experimental.pallas import tpu_sc as plsc

N_NODES = 10000
D = 128
DH = D // 2
N_EDGES = 320000

NUM_CORES = 2
NUM_SUBCORES = 16
NUM_TILES = NUM_CORES * NUM_SUBCORES

NPAD = 10112
ROWS_PER_TILE = NPAD // NUM_SUBCORES
DUMMY_DST = N_NODES

EPAD = 327680
E_PER_TILE = EPAD // NUM_TILES
CHUNK = 128
N_CHUNKS = E_PER_TILE // CHUNK
NBUF = 3
N_STEPS = N_CHUNKS + 1
N_ITERS = N_STEPS // NBUF


def _make_seg_body(compute_deg, in_rows):
    def body(*refs):
        if compute_deg:
            (x_hbm, src_hbm, dst_hbm, z2d_hbm, z1d_hbm, ones_hbm,
             s_out, deg_out,
             src_idx, dst_idx, rv0, rv1, rv2, ones_v,
             xsp_sh, acc_sh, deg_sh, gsem, ssem, dsem) = refs
        else:
            (x_hbm, src_hbm, dst_hbm, z2d_hbm, s_out,
             src_idx, dst_idx, rv0, rv1, rv2,
             xsp_sh, acc_sh, gsem, ssem) = refs
        rv = (rv0, rv1, rv2)
        c = lax.axis_index("c")
        s = lax.axis_index("s")
        tid = c * NUM_SUBCORES + s
        rbase = s * ROWS_PER_TILE

        pltpu.sync_copy(src_hbm.at[pl.ds(tid * N_CHUNKS, N_CHUNKS)], src_idx)
        pltpu.sync_copy(dst_hbm.at[pl.ds(tid * N_CHUNKS, N_CHUNKS)], dst_idx)
        if compute_deg:
            pltpu.sync_copy(z1d_hbm, deg_sh.at[pl.ds(rbase, ROWS_PER_TILE)])
            pltpu.sync_copy(ones_hbm, ones_v)

        last_rows = in_rows - (NUM_SUBCORES - 1) * ROWS_PER_TILE

        for p in range(2):
            deg_pass = compute_deg and p == 0
            if last_rows == ROWS_PER_TILE:
                pltpu.sync_copy(
                    x_hbm.at[pl.ds(rbase, ROWS_PER_TILE), pl.ds(p * DH, DH)],
                    xsp_sh.at[pl.ds(rbase, ROWS_PER_TILE)])
            else:
                @pl.when(s < NUM_SUBCORES - 1)
                def _():
                    pltpu.sync_copy(
                        x_hbm.at[pl.ds(rbase, ROWS_PER_TILE),
                                 pl.ds(p * DH, DH)],
                        xsp_sh.at[pl.ds(rbase, ROWS_PER_TILE)])
                @pl.when(s == NUM_SUBCORES - 1)
                def _():
                    lb = (NUM_SUBCORES - 1) * ROWS_PER_TILE
                    pltpu.sync_copy(
                        x_hbm.at[pl.ds(lb, last_rows), pl.ds(p * DH, DH)],
                        xsp_sh.at[pl.ds(lb, last_rows)])
            pltpu.sync_copy(z2d_hbm, acc_sh.at[pl.ds(rbase, ROWS_PER_TILE)])
            plsc.subcore_barrier()

            def step(k, u):
                j = k * NBUF + u
                b = rv[u]
                up = (u - 1) % NBUF

                @pl.when(k > 0)
                def _():
                    pltpu.make_async_copy(b, acc_sh.at[dst_idx.at[0]],
                                          ssem.at[u]).wait()
                @pl.when(j < N_CHUNKS)
                def _():
                    pltpu.async_copy(xsp_sh.at[src_idx.at[j]], b, gsem.at[u])

                i = j - 1
                bp = rv[up]
                @pl.when(i >= 0)
                def _():
                    pltpu.make_async_copy(xsp_sh.at[src_idx.at[i]], bp,
                                          gsem.at[up]).wait()
                    pltpu.async_copy(bp, acc_sh.at[dst_idx.at[i]],
                                     ssem.at[up], add=True)
                    if deg_pass:
                        pltpu.async_copy(ones_v, deg_sh.at[dst_idx.at[i]],
                                         dsem, add=True)

            def it(k, carry):
                for u in range(NBUF):
                    step(k, u)
                return carry

            lax.fori_loop(0, N_ITERS, it, 0)
            for u in range(NBUF):
                if sum(1 for i in range(N_CHUNKS) if i % NBUF == u) > N_ITERS - 1:
                    pltpu.make_async_copy(rv[u], acc_sh.at[dst_idx.at[0]],
                                          ssem.at[u]).wait()
            if compute_deg and p == 1:
                def dwait(i, carry):
                    pltpu.make_async_copy(ones_v, deg_sh.at[dst_idx.at[0]],
                                          dsem).wait()
                    return carry
                lax.fori_loop(0, N_CHUNKS, dwait, 0)
            plsc.subcore_barrier()

            pltpu.sync_copy(acc_sh.at[pl.ds(rbase, ROWS_PER_TILE)],
                            s_out.at[c, p, pl.ds(rbase, ROWS_PER_TILE)])
            if compute_deg and p == 1:
                pltpu.sync_copy(deg_sh.at[pl.ds(rbase, ROWS_PER_TILE)],
                                deg_out.at[c, pl.ds(rbase, ROWS_PER_TILE)])
            plsc.subcore_barrier()

    return body


def _make_seg(compute_deg, in_rows):
    out_type = [jax.ShapeDtypeStruct((NUM_CORES, 2, NPAD, DH), jnp.float32)]
    if compute_deg:
        out_type.append(jax.ShapeDtypeStruct((NUM_CORES, NPAD), jnp.float32))
    scratch = [
        pltpu.VMEM((N_CHUNKS, CHUNK), jnp.int32),
        pltpu.VMEM((N_CHUNKS, CHUNK), jnp.int32),
        pltpu.VMEM((CHUNK, DH), jnp.float32),
        pltpu.VMEM((CHUNK, DH), jnp.float32),
        pltpu.VMEM((CHUNK, DH), jnp.float32),
    ]
    if compute_deg:
        scratch.append(pltpu.VMEM((CHUNK,), jnp.float32))
    scratch.append(pltpu.VMEM_SHARED((NPAD, DH), jnp.float32))
    scratch.append(pltpu.VMEM_SHARED((NPAD, DH), jnp.float32))
    if compute_deg:
        scratch.append(pltpu.VMEM_SHARED((NPAD,), jnp.float32))
    scratch += [
        pltpu.SemaphoreType.DMA((NBUF,)),
        pltpu.SemaphoreType.DMA((NBUF,)),
    ]
    if compute_deg:
        scratch.append(pltpu.SemaphoreType.DMA)
    return pl.kernel(
        _make_seg_body(compute_deg, in_rows),
        out_type=out_type,
        scratch_types=scratch,
        mesh=plsc.VectorSubcoreMesh(core_axis_name="c", subcore_axis_name="s"),
        compiler_params=pltpu.CompilerParams(use_tc_tiling_on_sc=False,
                                             needs_layout_passes=False),
    )


_seg_sum_deg = _make_seg(True, N_NODES)
_seg_sum = _make_seg(False, N_NODES)


def _dense_body(relu, s_ref, degt_ref, x_ref, wl_ref, b_ref, wr_ref, o_ref):
    deg = degt_ref[:, 0:1] + degt_ref[:, 1:2]
    inv = 1.0 / jnp.maximum(deg, 1.0)
    agg = jnp.concatenate(
        [s_ref[0, 0] + s_ref[1, 0], s_ref[0, 1] + s_ref[1, 1]],
        axis=1) * inv
    y = (jnp.dot(agg, wl_ref[...], preferred_element_type=jnp.float32)
         + b_ref[...]
         + jnp.dot(x_ref[...], wr_ref[...], preferred_element_type=jnp.float32))
    o_ref[...] = jnp.maximum(y, 0.0) if relu else y


def _dense(s, degt, x, w_l, b, w_r, relu, bm, rows):
    grid = (rows // bm,)
    out_shape = jax.ShapeDtypeStruct((rows, D), jnp.float32)
    out_specs = pl.BlockSpec((bm, D), lambda i: (i, 0))
    return pl.pallas_call(
        functools.partial(_dense_body, relu),
        grid=grid,
        in_specs=[
            pl.BlockSpec((NUM_CORES, 2, bm, DH), lambda i: (0, 0, i, 0)),
            pl.BlockSpec((bm, NUM_CORES), lambda i: (i, 0)),
            pl.BlockSpec((bm, D), lambda i: (i, 0)),
            pl.BlockSpec((D, D), lambda i: (0, 0)),
            pl.BlockSpec((1, D), lambda i: (0, 0)),
            pl.BlockSpec((D, D), lambda i: (0, 0)),
        ],
        out_specs=out_specs,
        out_shape=out_shape,
        compiler_params=pltpu.CompilerParams(
            dimension_semantics=("arbitrary",)),
    )(s, degt, x, w_l, b.reshape(1, D), w_r)


def kernel(x, edge_index, W1_l, b1, W1_r, W2_l, b2, W2_r):
    src = edge_index[0].astype(jnp.int32)
    dst = edge_index[1].astype(jnp.int32)
    src = jnp.concatenate([src, jnp.zeros((EPAD - N_EDGES,), jnp.int32)])
    dst = jnp.concatenate([dst, jnp.full((EPAD - N_EDGES,), DUMMY_DST, jnp.int32)])
    src2d = src.reshape(NUM_TILES * N_CHUNKS, CHUNK)
    dst2d = dst.reshape(NUM_TILES * N_CHUNKS, CHUNK)

    z2d = jnp.zeros((ROWS_PER_TILE, DH), jnp.float32)
    z1d = jnp.zeros((ROWS_PER_TILE,), jnp.float32)
    ones = jnp.ones((CHUNK,), jnp.float32)

    s1, degp = _seg_sum_deg(x, src2d, dst2d, z2d, z1d, ones)
    degt = degp.T
    h = _dense(s1, degt, x, W1_l, b1, W1_r, relu=True, bm=2000, rows=N_NODES)
    (s2,) = _seg_sum(h, src2d, dst2d, z2d)
    return _dense(s2, degt, h, W2_l, b2, W2_r, relu=False, bm=2000,
                  rows=N_NODES)

# --- scband reference (transcript-rebuilt; emitter-appended) ---
"""Pipeline reference for scband-magg-module-88433376624847 (READ-ONLY COPY).

The authoritative reference and input builder live on the scoring server;
editing this copy changes nothing except your own understanding.
"""

import jax, jax.numpy as jnp
import numpy as np

N_NODES = 10000
N_EDGES = 320000
D_IN = 128
D_HID = 128


def setup_inputs(seed: int = 0) -> dict:
    key = jax.random.key(seed)
    ks = jax.random.split(key, 9)
    x = jax.random.normal(ks[0], (N_NODES, D_IN), dtype=jnp.float32)
    edge_index = jax.random.randint(ks[1], (2, N_EDGES), 0, N_NODES, dtype=jnp.int64)
    s1 = 1.0 / np.sqrt(D_IN)
    s2 = 1.0 / np.sqrt(D_HID)
    # SAGEConv 1: in=D_IN, out=D_HID. lin_l applied to aggregated neighbors (with bias), lin_r to root (no bias)
    W1_l = jax.random.uniform(ks[2], (D_IN, D_HID), minval=-s1, maxval=s1, dtype=jnp.float32)
    b1 = jax.random.uniform(ks[3], (D_HID,), minval=-s1, maxval=s1, dtype=jnp.float32)
    W1_r = jax.random.uniform(ks[4], (D_IN, D_HID), minval=-s1, maxval=s1, dtype=jnp.float32)
    # SAGEConv 2: in=D_HID, out=D_IN
    W2_l = jax.random.uniform(ks[5], (D_HID, D_IN), minval=-s2, maxval=s2, dtype=jnp.float32)
    b2 = jax.random.uniform(ks[6], (D_IN,), minval=-s2, maxval=s2, dtype=jnp.float32)
    W2_r = jax.random.uniform(ks[7], (D_HID, D_IN), minval=-s2, maxval=s2, dtype=jnp.float32)
    return {"x": x, "edge_index": edge_index, "W1_l": W1_l, "b1": b1, "W1_r": W1_r,
            "W2_l": W2_l, "b2": b2, "W2_r": W2_r}


def _sage_conv(x, src, dst, W_l, b, W_r, num_nodes):
    # message = x[src]; mean-aggregate at dst; out = lin_l(agg) + lin_r(x)
    msgs = jnp.take(x, src, axis=0)
    agg = jax.ops.segment_sum(msgs, dst, num_segments=num_nodes)
    deg = jax.ops.segment_sum(jnp.ones((src.shape[0],), dtype=x.dtype), dst, num_segments=num_nodes)
    agg = agg / jnp.clip(deg, 1.0, None)[:, None]
    return agg @ W_l + b + x @ W_r


def reference(x, edge_index, W1_l, b1, W1_r, W2_l, b2, W2_r):
    src = edge_index[0]
    dst = edge_index[1]
    n = x.shape[0]
    h = _sage_conv(x, src, dst, W1_l, b1, W1_r, n)
    h = jax.nn.relu(h)
    # dropout is identity in eval/reference mode
    out = _sage_conv(h, src, dst, W2_l, b2, W2_r, n)
    return out

if __name__ == "__main__":
    import jax
    _d = setup_inputs()
    print(jax.jit(kernel)(*tuple(_d.values())))

</pallas_src>

<mosaic_0001>
#map = affine_map<(d0, d1) -> (0, 0)>
#map1 = affine_map<(d0, d1) -> (0)>
#map2 = affine_map<(d0, d1) -> (0, 0, 0, 0)>
module attributes {stable_mosaic.version = 14 : i64} {
  func.func @body(%arg0: i32, %arg1: i32, %arg2: memref<10000x128xf32, #tpu.memory_space<hbm>>, %arg3: memref<2560x128xi32, #tpu.memory_space<hbm>>, %arg4: memref<2560x128xi32, #tpu.memory_space<hbm>>, %arg5: memref<632x64xf32, #tpu.memory_space<hbm>>, %arg6: memref<632xf32, #tpu.memory_space<hbm>>, %arg7: memref<128xf32, #tpu.memory_space<hbm>>, %arg8: memref<2x2x10112x64xf32, #tpu.memory_space<hbm>>, %arg9: memref<2x10112xf32, #tpu.memory_space<hbm>>, %arg10: memref<80x128xi32, #tpu.memory_space<vmem>>, %arg11: memref<80x128xi32, #tpu.memory_space<vmem>>, %arg12: memref<128x64xf32, #tpu.memory_space<vmem>>, %arg13: memref<128x64xf32, #tpu.memory_space<vmem>>, %arg14: memref<128x64xf32, #tpu.memory_space<vmem>>, %arg15: memref<128xf32, #tpu.memory_space<vmem>>, %arg16: memref<10112x64xf32, #tpu.memory_space<vmem_shared>>, %arg17: memref<10112x64xf32, #tpu.memory_space<vmem_shared>>, %arg18: memref<10112xf32, #tpu.memory_space<vmem_shared>>, %arg19: memref<3x!tpu.dma_semaphore, #tpu.memory_space<semaphore_mem>>, %arg20: memref<3x!tpu.dma_semaphore, #tpu.memory_space<semaphore_mem>>, %arg21: memref<!tpu.dma_semaphore, #tpu.memory_space<semaphore_mem>>) attributes {dimension_semantics = [#tpu.dimension_semantics<core_parallel>, #tpu.dimension_semantics<subcore_parallel>], iteration_bounds = array<i64: 2, 16>, scalar_prefetch = 0 : i64, scratch_operands = 12 : i64, tpu.core_type = #tpu.core_type<sc_vector_subcore>, window_params = [{transform_indices = #map}, {transform_indices = #map}, {transform_indices = #map}, {transform_indices = #map}, {transform_indices = #map1}, {transform_indices = #map1}, {transform_indices = #map2}, {transform_indices = #map}]} {
    %mul3A = arith.constant 16 : i32
    %mul3A_0 = arith.muli %arg0, %mul3A : i32
    %add3A = arith.addi %mul3A_0, %arg1 : i32
    %mul3A_1 = arith.constant 632 : i32
    %mul3A_2 = arith.muli %arg1, %mul3A_1 : i32
    %mul3A_3 = arith.constant 80 : i32
    %mul3A_4 = arith.muli %add3A, %mul3A_3 : i32
    "tpu.region"() ({
      %run_scoped3A_85 = tpu.sem_alloc : memref<!tpu.dma_semaphore, #tpu.memory_space<semaphore_mem>>
      %dma_start3A = arith.constant 0 : i32
      %dma_start3A_86 = tpu.memref_slice %arg3[%mul3A_4, %dma_start3A] : memref<2560x128xi32, #tpu.memory_space<hbm>> -> memref<80x128xi32, #tpu.memory_space<hbm>>
      %dma_start3A_87 = arith.constant 0 : i32
      %dma_start3A_88 = tpu.memref_slice %arg3[%mul3A_4, %dma_start3A_87] : memref<2560x128xi32, #tpu.memory_space<hbm>> -> memref<80x128xi32, #tpu.memory_space<hbm>>
      tpu.enqueue_dma source(%dma_start3A_88 : memref<80x128xi32, #tpu.memory_space<hbm>>) target(%arg10 : memref<80x128xi32, #tpu.memory_space<vmem>>) target_semaphore(%run_scoped3A_85 : memref<!tpu.dma_semaphore, #tpu.memory_space<semaphore_mem>>)
      %dma_wait3A_89 = arith.constant 0 : i32
      %dma_wait3A_90 = tpu.memref_slice %arg3[%mul3A_4, %dma_wait3A_89] : memref<2560x128xi32, #tpu.memory_space<hbm>> -> memref<80x128xi32, #tpu.memory_space<hbm>>
      %dma_wait3A_91 = arith.constant 0 : i32
      %dma_wait3A_92 = tpu.memref_slice %arg3[%mul3A_4, %dma_wait3A_91] : memref<2560x128xi32, #tpu.memory_space<hbm>> -> memref<80x128xi32, #tpu.memory_space<hbm>>
      tpu.wait_dma2 semaphore(%run_scoped3A_85 : memref<!tpu.dma_semaphore, #tpu.memory_space<semaphore_mem>>) src(%dma_wait3A_92 : memref<80x128xi32, #tpu.memory_space<hbm>>) dst(%arg10 : memref<80x128xi32, #tpu.memory_space<vmem>>)
      tpu.yield
    }) : () -> ()
    %mul3A_5 = arith.constant 80 : i32
    %mul3A_6 = arith.muli %add3A, %mul3A_5 : i32
    "tpu.region"() ({
      %run_scoped3A_85 = tpu.sem_alloc : memref<!tpu.dma_semaphore, #tpu.memory_space<semaphore_mem>>
      %dma_start3A = arith.constant 0 : i32
      %dma_start3A_86 = tpu.memref_slice %arg4[%mul3A_6, %dma_start3A] : memref<2560x128xi32, #tpu.memory_space<hbm>> -> memref<80x128xi32, #tpu.memory_space<hbm>>
      %dma_start3A_87 = arith.constant 0 : i32
      %dma_start3A_88 = tpu.memref_slice %arg4[%mul3A_6, %dma_start3A_87] : memref<2560x128xi32, #tpu.memory_space<hbm>> -> memref<80x128xi32, #tpu.memory_space<hbm>>
      tpu.enqueue_dma source(%dma_start3A_88 : memref<80x128xi32, #tpu.memory_space<hbm>>) target(%arg11 : memref<80x128xi32, #tpu.memory_space<vmem>>) target_semaphore(%run_scoped3A_85 : memref<!tpu.dma_semaphore, #tpu.memory_space<semaphore_mem>>)
      %dma_wait3A_89 = arith.constant 0 : i32
      %dma_wait3A_90 = tpu.memref_slice %arg4[%mul3A_6, %dma_wait3A_89] : memref<2560x128xi32, #tpu.memory_space<hbm>> -> memref<80x128xi32, #tpu.memory_space<hbm>>
      %dma_wait3A_91 = arith.constant 0 : i32
      %dma_wait3A_92 = tpu.memref_slice %arg4[%mul3A_6, %dma_wait3A_91] : memref<2560x128xi32, #tpu.memory_space<hbm>> -> memref<80x128xi32, #tpu.memory_space<hbm>>
      tpu.wait_dma2 semaphore(%run_scoped3A_85 : memref<!tpu.dma_semaphore, #tpu.memory_space<semaphore_mem>>) src(%dma_wait3A_92 : memref<80x128xi32, #tpu.memory_space<hbm>>) dst(%arg11 : memref<80x128xi32, #tpu.memory_space<vmem>>)
      tpu.yield
    }) : () -> ()
    "tpu.region"() ({
      %run_scoped3A_85 = tpu.sem_alloc : memref<!tpu.dma_semaphore, #tpu.memory_space<semaphore_mem>>
      %dma_start3A = tpu.memref_slice %arg18[%mul3A_2] : memref<10112xf32, #tpu.memory_space<vmem_shared>> -> memref<632xf32, #tpu.memory_space<vmem_shared>>
      tpu.enqueue_dma source(%arg6 : memref<632xf32, #tpu.memory_space<hbm>>) target(%dma_start3A : memref<632xf32, #tpu.memory_space<vmem_shared>>) target_semaphore(%run_scoped3A_85 : memref<!tpu.dma_semaphore, #tpu.memory_space<semaphore_mem>>)
      %dma_wait3A_86 = tpu.memref_slice %arg18[%mul3A_2] : memref<10112xf32, #tpu.memory_space<vmem_shared>> -> memref<632xf32, #tpu.memory_space<vmem_shared>>
      tpu.wait_dma2 semaphore(%run_scoped3A_85 : memref<!tpu.dma_semaphore, #tpu.memory_space<semaphore_mem>>) src(%arg6 : memref<632xf32, #tpu.memory_space<hbm>>) dst(%dma_wait3A_86 : memref<632xf32, #tpu.memory_space<vmem_shared>>)
      tpu.yield
    }) : () -> ()
    "tpu.region"() ({
      %run_scoped3A_85 = tpu.sem_alloc : memref<!tpu.dma_semaphore, #tpu.memory_space<semaphore_mem>>
      tpu.enqueue_dma source(%arg7 : memref<128xf32, #tpu.memory_space<hbm>>) target(%arg15 : memref<128xf32, #tpu.memory_space<vmem>>) target_semaphore(%run_scoped3A_85 : memref<!tpu.dma_semaphore, #tpu.memory_space<semaphore_mem>>)
      tpu.wait_dma2 semaphore(%run_scoped3A_85 : memref<!tpu.dma_semaphore, #tpu.memory_space<semaphore_mem>>) src(%arg7 : memref<128xf32, #tpu.memory_space<hbm>>) dst(%arg15 : memref<128xf32, #tpu.memory_space<vmem>>)
      tpu.yield
    }) : () -> ()
    %lt3A = arith.constant 15 : i32
    %lt3A_7 = arith.cmpi slt, %arg1, %lt3A : i32
    %convert_element_type3A = arith.extui %lt3A_7 : i1 to i32
    %cond3A = arith.constant 0 : i32
    %cond3A_8 = arith.cmpi ne, %convert_element_type3A, %cond3A : i32
    scf.if %cond3A_8 {
      "tpu.region"() ({
        %run_scoped3A_85 = tpu.sem_alloc : memref<!tpu.dma_semaphore, #tpu.memory_space<semaphore_mem>>
        %dma_start3A = arith.constant 0 : i32
        %dma_start3A_86 = tpu.memref_slice %arg16[%mul3A_2, %dma_start3A] : memref<10112x64xf32, #tpu.memory_space<vmem_shared>> -> memref<632x64xf32, #tpu.memory_space<vmem_shared>>
        %dma_start3A_87 = arith.constant 0 : i32
        %dma_start3A_88 = tpu.memref_slice %arg2[%mul3A_2, %dma_start3A_87] : memref<10000x128xf32, #tpu.memory_space<hbm>> -> memref<632x64xf32, #tpu.memory_space<hbm>>
        tpu.enqueue_dma source(%dma_start3A_88 : memref<632x64xf32, #tpu.memory_space<hbm>>) target(%dma_start3A_86 : memref<632x64xf32, #tpu.memory_space<vmem_shared>>) target_semaphore(%run_scoped3A_85 : memref<!tpu.dma_semaphore, #tpu.memory_space<semaphore_mem>>)
        %dma_wait3A_89 = arith.constant 0 : i32
        %dma_wait3A_90 = tpu.memref_slice %arg16[%mul3A_2, %dma_wait3A_89] : memref<10112x64xf32, #tpu.memory_space<vmem_shared>> -> memref<632x64xf32, #tpu.memory_space<vmem_shared>>
        %dma_wait3A_91 = arith.constant 0 : i32
        %dma_wait3A_92 = tpu.memref_slice %arg2[%mul3A_2, %dma_wait3A_91] : memref<10000x128xf32, #tpu.memory_space<hbm>> -> memref<632x64xf32, #tpu.memory_space<hbm>>
        tpu.wait_dma2 semaphore(%run_scoped3A_85 : memref<!tpu.dma_semaphore, #tpu.memory_space<semaphore_mem>>) src(%dma_wait3A_92 : memref<632x64xf32, #tpu.memory_space<hbm>>) dst(%dma_wait3A_90 : memref<632x64xf32, #tpu.memory_space<vmem_shared>>)
        tpu.yield
      }) : () -> ()
    } else {
    }
    %eq3A = arith.constant 15 : i32
    %eq3A_9 = arith.cmpi eq, %arg1, %eq3A : i32
    %convert_element_type3A_10 = arith.extui %eq3A_9 : i1 to i32
    %cond3A_11 = arith.constant 0 : i32
    %cond3A_12 = arith.cmpi ne, %convert_element_type3A_10, %cond3A_11 : i32
    scf.if %cond3A_12 {
      "tpu.region"() ({
        %run_scoped3A_85 = tpu.sem_alloc : memref<!tpu.dma_semaphore, #tpu.memory_space<semaphore_mem>>
        %dma_start3A = arith.constant 9480 : i32
        %dma_start3A_86 = arith.constant 0 : i32
        %dma_start3A_87 = tpu.memref_slice %arg16[%dma_start3A, %dma_start3A_86] : memref<10112x64xf32, #tpu.memory_space<vmem_shared>> -> memref<520x64xf32, #tpu.memory_space<vmem_shared>>
        %dma_start3A_88 = arith.constant 9480 : i32
        %dma_start3A_89 = arith.constant 0 : i32
        %dma_start3A_90 = tpu.memref_slice %arg2[%dma_start3A_88, %dma_start3A_89] : memref<10000x128xf32, #tpu.memory_space<hbm>> -> memref<520x64xf32, #tpu.memory_space<hbm>>
        tpu.enqueue_dma source(%dma_start3A_90 : memref<520x64xf32, #tpu.memory_space<hbm>>) target(%dma_start3A_87 : memref<520x64xf32, #tpu.memory_space<vmem_shared>>) target_semaphore(%run_scoped3A_85 : memref<!tpu.dma_semaphore, #tpu.memory_space<semaphore_mem>>)
        %dma_wait3A_91 = arith.constant 9480 : i32
        %dma_wait3A_92 = arith.constant 0 : i32
        %dma_wait3A_93 = tpu.memref_slice %arg16[%dma_wait3A_91, %dma_wait3A_92] : memref<10112x64xf32, #tpu.memory_space<vmem_shared>> -> memref<520x64xf32, #tpu.memory_space<vmem_shared>>
        %dma_wait3A_94 = arith.constant 9480 : i32
        %dma_wait3A_95 = arith.constant 0 : i32
        %dma_wait3A_96 = tpu.memref_slice %arg2[%dma_wait3A_94, %dma_wait3A_95] : memref<10000x128xf32, #tpu.memory_space<hbm>> -> memref<520x64xf32, #tpu.memory_space<hbm>>
        tpu.wait_dma2 semaphore(%run_scoped3A_85 : memref<!tpu.dma_semaphore, #tpu.memory_space<semaphore_mem>>) src(%dma_wait3A_96 : memref<520x64xf32, #tpu.memory_space<hbm>>) dst(%dma_wait3A_93 : memref<520x64xf32, #tpu.memory_space<vmem_shared>>)
        tpu.yield
      }) : () -> ()
    } else {
    }
    "tpu.region"() ({
      %run_scoped3A_85 = tpu.sem_alloc : memref<!tpu.dma_semaphore, #tpu.memory_space<semaphore_mem>>
      %dma_start3A = arith.constant 0 : i32
      %dma_start3A_86 = tpu.memref_slice %arg17[%mul3A_2, %dma_start3A] : memref<10112x64xf32, #tpu.memory_space<vmem_shared>> -> memref<632x64xf32, #tpu.memory_space<vmem_shared>>
      tpu.enqueue_dma source(%arg5 : memref<632x64xf32, #tpu.memory_space<hbm>>) target(%dma_start3A_86 : memref<632x64xf32, #tpu.memory_space<vmem_shared>>) target_semaphore(%run_scoped3A_85 : memref<!tpu.dma_semaphore, #tpu.memory_space<semaphore_mem>>)
      %dma_wait3A_87 = arith.constant 0 : i32
      %dma_wait3A_88 = tpu.memref_slice %arg17[%mul3A_2, %dma_wait3A_87] : memref<10112x64xf32, #tpu.memory_space<vmem_shared>> -> memref<632x64xf32, #tpu.memory_space<vmem_shared>>
      tpu.wait_dma2 semaphore(%run_scoped3A_85 : memref<!tpu.dma_semaphore, #tpu.memory_space<semaphore_mem>>) src(%arg5 : memref<632x64xf32, #tpu.memory_space<hbm>>) dst(%dma_wait3A_88 : memref<632x64xf32, #tpu.memory_space<vmem_shared>>)
      tpu.yield
    }) : () -> ()
    %barrier3A = arith.constant 0 : index
    tpu.barrier barrier_id(%barrier3A)
    %scan3A = arith.constant 0 : i32
    %scan3A_13 = arith.constant 0 : i32
    %scan3A_14 = arith.constant 27 : i32
    %scan3A_15 = arith.addi %scan3A_13, %scan3A_14 : i32
    %scan3A_16 = arith.constant 1 : i32
    scf.for %scan3A_85 = %scan3A_13 to %scan3A_15 step %scan3A_16  : i32 {
      %mul3A_86 = arith.constant 3 : i32
      %mul3A_87 = arith.muli %scan3A_85, %mul3A_86 : i32
      %add3A_88 = arith.constant 0 : i32
      %add3A_89 = arith.addi %mul3A_87, %add3A_88 : i32
      %gt3A = arith.constant 0 : i32
      %gt3A_90 = arith.cmpi sgt, %scan3A_85, %gt3A : i32
      %convert_element_type3A_91 = arith.extui %gt3A_90 : i1 to i32
      %cond3A_92 = arith.constant 0 : i32
      %cond3A_93 = arith.cmpi ne, %convert_element_type3A_91, %cond3A_92 : i32
      scf.if %cond3A_93 {
        %dma_wait3A_146 = arith.constant 0 : i32
        %dma_wait3A_147 = arith.constant 0 : i32
        %dma_wait3A_148 = arith.constant 0 : i32
        %dma_wait3A_149 = tpu.memref_slice %arg11[%dma_wait3A_146, %dma_wait3A_148] : memref<80x128xi32, #tpu.memory_space<vmem>> -> memref<1x128xi32, #tpu.memory_space<vmem>>
        %dma_wait3A_150 = tpu.memref_squeeze %dma_wait3A_149 : memref<1x128xi32, #tpu.memory_space<vmem>> -> memref<128xi32, #tpu.memory_space<vmem>>
        %dma_wait3A_151 = arith.constant 0 : i32
        %dma_wait3A_152 = arith.constant 0 : i32
        %dma_wait3A_153 = tpu.memref_slice %arg17[%dma_wait3A_151, %dma_wait3A_152] : memref<10112x64xf32, #tpu.memory_space<vmem_shared>> -> memref<10112x64xf32, #tpu.memory_space<vmem_shared>>
        %dma_wait3A_154 = tpu.memref_slice %arg20[%dma_wait3A_147] : memref<3x!tpu.dma_semaphore, #tpu.memory_space<semaphore_mem>> -> memref<1x!tpu.dma_semaphore, #tpu.memory_space<semaphore_mem>>
        %dma_wait3A_155 = tpu.memref_squeeze %dma_wait3A_154 : memref<1x!tpu.dma_semaphore, #tpu.memory_space<semaphore_mem>> -> memref<!tpu.dma_semaphore, #tpu.memory_space<semaphore_mem>>
        tpu.wait_indirect_dma semaphore(%dma_wait3A_155 : memref<!tpu.dma_semaphore, #tpu.memory_space<semaphore_mem>>) src(%arg12 : memref<128x64xf32, #tpu.memory_space<vmem>>) dst(%dma_wait3A_153 : memref<10112x64xf32, #tpu.memory_space<vmem_shared>>)
      } else {
      }
      %lt3A_94 = arith.constant 80 : i32
      %lt3A_95 = arith.cmpi slt, %add3A_89, %lt3A_94 : i32
      %convert_element_type3A_96 = arith.extui %lt3A_95 : i1 to i32
      %cond3A_97 = arith.constant 0 : i32
      %cond3A_98 = arith.cmpi ne, %convert_element_type3A_96, %cond3A_97 : i32
      scf.if %cond3A_98 {
        %dma_start3A = arith.constant 0 : i32
        %dma_start3A_146 = arith.constant 0 : i32
        %dma_start3A_147 = tpu.memref_slice %arg10[%add3A_89, %dma_start3A_146] : memref<80x128xi32, #tpu.memory_space<vmem>> -> memref<1x128xi32, #tpu.memory_space<vmem>>
        %dma_start3A_148 = tpu.memref_squeeze %dma_start3A_147 : memref<1x128xi32, #tpu.memory_space<vmem>> -> memref<128xi32, #tpu.memory_space<vmem>>
        %dma_start3A_149 = arith.constant 0 : i32
        %dma_start3A_150 = arith.constant 0 : i32
        %dma_start3A_151 = tpu.memref_slice %arg16[%dma_start3A_149, %dma_start3A_150] : memref<10112x64xf32, #tpu.memory_space<vmem_shared>> -> memref<10112x64xf32, #tpu.memory_space<vmem_shared>>
        %dma_start3A_152 = tpu.memref_slice %arg19[%dma_start3A] : memref<3x!tpu.dma_semaphore, #tpu.memory_space<semaphore_mem>> -> memref<1x!tpu.dma_semaphore, #tpu.memory_space<semaphore_mem>>
        %dma_start3A_153 = tpu.memref_squeeze %dma_start3A_152 : memref<1x!tpu.dma_semaphore, #tpu.memory_space<semaphore_mem>> -> memref<!tpu.dma_semaphore, #tpu.memory_space<semaphore_mem>>
        tpu.enqueue_indirect_dma source(%dma_start3A_151 : memref<10112x64xf32, #tpu.memory_space<vmem_shared>>) target(%arg12 : memref<128x64xf32, #tpu.memory_space<vmem>>) offsets(%dma_start3A_148 : memref<128xi32, #tpu.memory_space<vmem>>) semaphore(%dma_start3A_153 : memref<!tpu.dma_semaphore, #tpu.memory_space<semaphore_mem>>)
      } else {
      }
      %sub3A = arith.constant 1 : i32
      %sub3A_99 = arith.subi %add3A_89, %sub3A : i32
      %ge3A = arith.constant 0 : i32
      %ge3A_100 = arith.cmpi sge, %sub3A_99, %ge3A : i32
      %convert_element_type3A_101 = arith.extui %ge3A_100 : i1 to i32
      %cond3A_102 = arith.constant 0 : i32
      %cond3A_103 = arith.cmpi ne, %convert_element_type3A_101, %cond3A_102 : i32
      scf.if %cond3A_103 {
        %dma_wait3A_146 = arith.constant 2 : i32
        %dma_wait3A_147 = arith.constant 0 : i32
        %dma_wait3A_148 = tpu.memref_slice %arg10[%sub3A_99, %dma_wait3A_147] : memref<80x128xi32, #tpu.memory_space<vmem>> -> memref<1x128xi32, #tpu.memory_space<vmem>>
        %dma_wait3A_149 = tpu.memref_squeeze %dma_wait3A_148 : memref<1x128xi32, #tpu.memory_space<vmem>> -> memref<128xi32, #tpu.memory_space<vmem>>
        %dma_wait3A_150 = arith.constant 0 : i32
        %dma_wait3A_151 = arith.constant 0 : i32
        %dma_wait3A_152 = tpu.memref_slice %arg16[%dma_wait3A_150, %dma_wait3A_151] : memref<10112x64xf32, #tpu.memory_space<vmem_shared>> -> memref<10112x64xf32, #tpu.memory_space<vmem_shared>>
        %dma_wait3A_153 = tpu.memref_slice %arg19[%dma_wait3A_146] : memref<3x!tpu.dma_semaphore, #tpu.memory_space<semaphore_mem>> -> memref<1x!tpu.dma_semaphore, #tpu.memory_space<semaphore_mem>>
        %dma_wait3A_154 = tpu.memref_squeeze %dma_wait3A_153 : memref<1x!tpu.dma_semaphore, #tpu.memory_space<semaphore_mem>> -> memref<!tpu.dma_semaphore, #tpu.memory_space<semaphore_mem>>
        tpu.wait_indirect_dma semaphore(%dma_wait3A_154 : memref<!tpu.dma_semaphore, #tpu.memory_space<semaphore_mem>>) src(%dma_wait3A_152 : memref<10112x64xf32, #tpu.memory_space<vmem_shared>>) dst(%arg14 : memref<128x64xf32, #tpu.memory_space<vmem>>)
        %dma_start3A = arith.constant 2 : i32
        %dma_start3A_155 = arith.constant 0 : i32
        %dma_start3A_156 = tpu.memref_slice %arg11[%sub3A_99, %dma_start3A_155] : memref<80x128xi32, #tpu.memory_space<vmem>> -> memref<1x128xi32, #tpu.memory_space<vmem>>
        %dma_start3A_157 = tpu.memref_squeeze %dma_start3A_156 : memref<1x128xi32, #tpu.memory_space<vmem>> -> memref<128xi32, #tpu.memory_space<vmem>>
        %dma_start3A_158 = arith.constant 0 : i32
        %dma_start3A_159 = arith.constant 0 : i32
        %dma_start3A_160 = tpu.memref_slice %arg17[%dma_start3A_158, %dma_start3A_159] : memref<10112x64xf32, #tpu.memory_space<vmem_shared>> -> memref<10112x64xf32, #tpu.memory_space<vmem_shared>>
        %dma_start3A_161 = tpu.memref_slice %arg20[%dma_start3A] : memref<3x!tpu.dma_semaphore, #tpu.memory_space<semaphore_mem>> -> memref<1x!tpu.dma_semaphore, #tpu.memory_space<semaphore_mem>>
        %dma_start3A_162 = tpu.memref_squeeze %dma_start3A_161 : memref<1x!tpu.dma_semaphore, #tpu.memory_space<semaphore_mem>> -> memref<!tpu.dma_semaphore, #tpu.memory_space<semaphore_mem>>
        tpu.enqueue_indirect_dma source(%arg14 : memref<128x64xf32, #tpu.memory_space<vmem>>) target(%dma_start3A_160 : memref<10112x64xf32, #tpu.memory_space<vmem_shared>>) offsets(%dma_start3A_157 : memref<128xi32, #tpu.memory_space<vmem>>) semaphore(%dma_start3A_162 : memref<!tpu.dma_semaphore, #tpu.memory_space<semaphore_mem>>) {add = true}
        %dma_start3A_163 = arith.constant 0 : i32
        %dma_start3A_164 = tpu.memref_slice %arg11[%sub3A_99, %dma_start3A_163] : memref<80x128xi32, #tpu.memory_space<vmem>> -> memref<1x128xi32, #tpu.memory_space<vmem>>
        %dma_start3A_165 = tpu.memref_squeeze %dma_start3A_164 : memref<1x128xi32, #tpu.memory_space<vmem>> -> memref<128xi32, #tpu.memory_space<vmem>>
        %dma_start3A_166 = arith.constant 0 : i32
        %dma_start3A_167 = tpu.memref_slice %arg18[%dma_start3A_166] : memref<10112xf32, #tpu.memory_space<vmem_shared>> -> memref<10112xf32, #tpu.memory_space<vmem_shared>>
        tpu.enqueue_indirect_dma source(%arg15 : memref<128xf32, #tpu.memory_space<vmem>>) target(%dma_start3A_167 : memref<10112xf32, #tpu.memory_space<vmem_shared>>) offsets(%dma_start3A_165 : memref<128xi32, #tpu.memory_space<vmem>>) semaphore(%arg21 : memref<!tpu.dma_semaphore, #tpu.memory_space<semaphore_mem>>) {add = true}
      } else {
      }
      %mul3A_104 = arith.constant 3 : i32
      %mul3A_105 = arith.muli %scan3A_85, %mul3A_104 : i32
      %add3A_106 = arith.constant 1 : i32
      %add3A_107 = arith.addi %mul3A_105, %add3A_106 : i32
      %gt3A_108 = arith.constant 0 : i32
      %gt3A_109 = arith.cmpi sgt, %scan3A_85, %gt3A_108 : i32
      %convert_element_type3A_110 = arith.extui %gt3A_109 : i1 to i32
      %cond3A_111 = arith.constant 0 : i32
      %cond3A_112 = arith.cmpi ne, %convert_element_type3A_110, %cond3A_111 : i32
      scf.if %cond3A_112 {
        %dma_wait3A_146 = arith.constant 0 : i32
        %dma_wait3A_147 = arith.constant 1 : i32
        %dma_wait3A_148 = arith.constant 0 : i32
        %dma_wait3A_149 = tpu.memref_slice %arg11[%dma_wait3A_146, %dma_wait3A_148] : memref<80x128xi32, #tpu.memory_space<vmem>> -> memref<1x128xi32, #tpu.memory_space<vmem>>
        %dma_wait3A_150 = tpu.memref_squeeze %dma_wait3A_149 : memref<1x128xi32, #tpu.memory_space<vmem>> -> memref<128xi32, #tpu.memory_space<vmem>>
        %dma_wait3A_151 = arith.constant 0 : i32
        %dma_wait3A_152 = arith.constant 0 : i32
        %dma_wait3A_153 = tpu.memref_slice %arg17[%dma_wait3A_151, %dma_wait3A_152] : memref<10112x64xf32, #tpu.memory_space<vmem_shared>> -> memref<10112x64xf32, #tpu.memory_space<vmem_shared>>
        %dma_wait3A_154 = tpu.memref_slice %arg20[%dma_wait3A_147] : memref<3x!tpu.dma_semaphore, #tpu.memory_space<semaphore_mem>> -> memref<1x!tpu.dma_semaphore, #tpu.memory_space<semaphore_mem>>
        %dma_wait3A_155 = tpu.memref_squeeze %dma_wait3A_154 : memref<1x!tpu.dma_semaphore, #tpu.memory_space<semaphore_mem>> -> memref<!tpu.dma_semaphore, #tpu.memory_space<semaphore_mem>>
        tpu.wait_indirect_dma semaphore(%dma_wait3A_155 : memref<!tpu.dma_semaphore, #tpu.memory_space<semaphore_mem>>) src(%arg13 : memref<128x64xf32, #tpu.memory_space<vmem>>) dst(%dma_wait3A_153 : memref<10112x64xf32, #tpu.memory_space<vmem_shared>>)
      } else {
      }
      %lt3A_113 = arith.constant 80 : i32
      %lt3A_114 = arith.cmpi slt, %add3A_107, %lt3A_113 : i32
      %convert_element_type3A_115 = arith.extui %lt3A_114 : i1 to i32
      %cond3A_116 = arith.constant 0 : i32
      %cond3A_117 = arith.cmpi ne, %convert_element_type3A_115, %cond3A_116 : i32
      scf.if %cond3A_117 {
        %dma_start3A = arith.constant 1 : i32
        %dma_start3A_146 = arith.constant 0 : i32
        %dma_start3A_147 = tpu.memref_slice %arg10[%add3A_107, %dma_start3A_146] : memref<80x128xi32, #tpu.memory_space<vmem>> -> memref<1x128xi32, #tpu.memory_space<vmem>>
        %dma_start3A_148 = tpu.memref_squeeze %dma_start3A_147 : memref<1x128xi32, #tpu.memory_space<vmem>> -> memref<128xi32, #tpu.memory_space<vmem>>
        %dma_start3A_149 = arith.constant 0 : i32
        %dma_start3A_150 = arith.constant 0 : i32
        %dma_start3A_151 = tpu.memref_slice %arg16[%dma_start3A_149, %dma_start3A_150] : memref<10112x64xf32, #tpu.memory_space<vmem_shared>> -> memref<10112x64xf32, #tpu.memory_space<vmem_shared>>
        %dma_start3A_152 = tpu.memref_slice %arg19[%dma_start3A] : memref<3x!tpu.dma_semaphore, #tpu.memory_space<semaphore_mem>> -> memref<1x!tpu.dma_semaphore, #tpu.memory_space<semaphore_mem>>
        %dma_start3A_153 = tpu.memref_squeeze %dma_start3A_152 : memref<1x!tpu.dma_semaphore, #tpu.memory_space<semaphore_mem>> -> memref<!tpu.dma_semaphore, #tpu.memory_space<semaphore_mem>>
        tpu.enqueue_indirect_dma source(%dma_start3A_151 : memref<10112x64xf32, #tpu.memory_space<vmem_shared>>) target(%arg13 : memref<128x64xf32, #tpu.memory_space<vmem>>) offsets(%dma_start3A_148 : memref<128xi32, #tpu.memory_space<vmem>>) semaphore(%dma_start3A_153 : memref<!tpu.dma_semaphore, #tpu.memory_space<semaphore_mem>>)
      } else {
      }
      %sub3A_118 = arith.constant 1 : i32
      %sub3A_119 = arith.subi %add3A_107, %sub3A_118 : i32
      %ge3A_120 = arith.constant 0 : i32
      %ge3A_121 = arith.cmpi sge, %sub3A_119, %ge3A_120 : i32
      %convert_element_type3A_122 = arith.extui %ge3A_121 : i1 to i32
      %cond3A_123 = arith.constant 0 : i32
      %cond3A_124 = arith.cmpi ne, %convert_element_type3A_122, %cond3A_123 : i32
      scf.if %cond3A_124 {
        %dma_wait3A_146 = arith.constant 0 : i32
        %dma_wait3A_147 = arith.constant 0 : i32
        %dma_wait3A_148 = tpu.memref_slice %arg10[%sub3A_119, %dma_wait3A_147] : memref<80x128xi32, #tpu.memory_space<vmem>> -> memref<1x128xi32, #tpu.memory_space<vmem>>
        %dma_wait3A_149 = tpu.memref_squeeze %dma_wait3A_148 : memref<1x128xi32, #tpu.memory_space<vmem>> -> memref<128xi32, #tpu.memory_space<vmem>>
        %dma_wait3A_150 = arith.constant 0 : i32
        %dma_wait3A_151 = arith.constant 0 : i32
        %dma_wait3A_152 = tpu.memref_slice %arg16[%dma_wait3A_150, %dma_wait3A_151] : memref<10112x64xf32, #tpu.memory_space<vmem_shared>> -> memref<10112x64xf32, #tpu.memory_space<vmem_shared>>
        %dma_wait3A_153 = tpu.memref_slice %arg19[%dma_wait3A_146] : memref<3x!tpu.dma_semaphore, #tpu.memory_space<semaphore_mem>> -> memref<1x!tpu.dma_semaphore, #tpu.memory_space<semaphore_mem>>
        %dma_wait3A_154 = tpu.memref_squeeze %dma_wait3A_153 : memref<1x!tpu.dma_semaphore, #tpu.memory_space<semaphore_mem>> -> memref<!tpu.dma_semaphore, #tpu.memory_space<semaphore_mem>>
        tpu.wait_indirect_dma semaphore(%dma_wait3A_154 : memref<!tpu.dma_semaphore, #tpu.memory_space<semaphore_mem>>) src(%dma_wait3A_152 : memref<10112x64xf32, #tpu.memory_space<vmem_shared>>) dst(%arg12 : memref<128x64xf32, #tpu.memory_space<vmem>>)
        %dma_start3A = arith.constant 0 : i32
        %dma_start3A_155 = arith.constant 0 : i32
        %dma_start3A_156 = tpu.memref_slice %arg11[%sub3A_119, %dma_start3A_155] : memref<80x128xi32, #tpu.memory_space<vmem>> -> memref<1x128xi32, #tpu.memory_space<vmem>>
        %dma_start3A_157 = tpu.memref_squeeze %dma_start3A_156 : memref<1x128xi32, #tpu.memory_space<vmem>> -> memref<128xi32, #tpu.memory_space<vmem>>
        %dma_start3A_158 = arith.constant 0 : i32
        %dma_start3A_159 = arith.constant 0 : i32
        %dma_start3A_160 = tpu.memref_slice %arg17[%dma_start3A_158, %dma_start3A_159] : memref<10112x64xf32, #tpu.memory_space<vmem_shared>> -> memref<10112x64xf32, #tpu.memory_space<vmem_shared>>
        %dma_start3A_161 = tpu.memref_slice %arg20[%dma_start3A] : memref<3x!tpu.dma_semaphore, #tpu.memory_space<semaphore_mem>> -> memref<1x!tpu.dma_semaphore, #tpu.memory_space<semaphore_mem>>
        %dma_start3A_162 = tpu.memref_squeeze %dma_start3A_161 : memref<1x!tpu.dma_semaphore, #tpu.memory_space<semaphore_mem>> -> memref<!tpu.dma_semaphore, #tpu.memory_space<semaphore_mem>>
        tpu.enqueue_indirect_dma source(%arg12 : memref<128x64xf32, #tpu.memory_space<vmem>>) target(%dma_start3A_160 : memref<10112x64xf32, #tpu.memory_space<vmem_shared>>) offsets(%dma_start3A_157 : memref<128xi32, #tpu.memory_space<vmem>>) semaphore(%dma_start3A_162 : memref<!tpu.dma_semaphore, #tpu.memory_space<semaphore_mem>>) {add = true}
        %dma_start3A_163 = arith.constant 0 : i32
        %dma_start3A_164 = tpu.memref_slice %arg11[%sub3A_119, %dma_start3A_163] : memref<80x128xi32, #tpu.memory_space<vmem>> -> memref<1x128xi32, #tpu.memory_space<vmem>>
        %dma_start3A_165 = tpu.memref_squeeze %dma_start3A_164 : memref<1x128xi32, #tpu.memory_space<vmem>> -> memref<128xi32, #tpu.memory_space<vmem>>
        %dma_start3A_166 = arith.constant 0 : i32
        %dma_start3A_167 = tpu.memref_slice %arg18[%dma_start3A_166] : memref<10112xf32, #tpu.memory_space<vmem_shared>> -> memref<10112xf32, #tpu.memory_space<vmem_shared>>
        tpu.enqueue_indirect_dma source(%arg15 : memref<128xf32, #tpu.memory_space<vmem>>) target(%dma_start3A_167 : memref<10112xf32, #tpu.memory_space<vmem_shared>>) offsets(%dma_start3A_165 : memref<128xi32, #tpu.memory_space<vmem>>) semaphore(%arg21 : memref<!tpu.dma_semaphore, #tpu.memory_space<semaphore_mem>>) {add = true}
      } else {
      }
      %mul3A_125 = arith.constant 3 : i32
      %mul3A_126 = arith.muli %scan3A_85, %mul3A_125 : i32
      %add3A_127 = arith.constant 2 : i32
      %add3A_128 = arith.addi %mul3A_126, %add3A_127 : i32
      %gt3A_129 = arith.constant 0 : i32
      %gt3A_130 = arith.cmpi sgt, %scan3A_85, %gt3A_129 : i32
      %convert_element_type3A_131 = arith.extui %gt3A_130 : i1 to i32
      %cond3A_132 = arith.constant 0 : i32
      %cond3A_133 = arith.cmpi ne, %convert_element_type3A_131, %cond3A_132 : i32
      scf.if %cond3A_133 {
        %dma_wait3A_146 = arith.constant 0 : i32
        %dma_wait3A_147 = arith.constant 2 : i32
        %dma_wait3A_148 = arith.constant 0 : i32
        %dma_wait3A_149 = tpu.memref_slice %arg11[%dma_wait3A_146, %dma_wait3A_148] : memref<80x128xi32, #tpu.memory_space<vmem>> -> memref<1x128xi32, #tpu.memory_space<vmem>>
        %dma_wait3A_150 = tpu.memref_squeeze %dma_wait3A_149 : memref<1x128xi32, #tpu.memory_space<vmem>> -> memref<128xi32, #tpu.memory_space<vmem>>
        %dma_wait3A_151 = arith.constant 0 : i32
        %dma_wait3A_152 = arith.constant 0 : i32
        %dma_wait3A_153 = tpu.memref_slice %arg17[%dma_wait3A_151, %dma_wait3A_152] : memref<10112x64xf32, #tpu.memory_space<vmem_shared>> -> memref<10112x64xf32, #tpu.memory_space<vmem_shared>>
        %dma_wait3A_154 = tpu.memref_slice %arg20[%dma_wait3A_147] : memref<3x!tpu.dma_semaphore, #tpu.memory_space<semaphore_mem>> -> memref<1x!tpu.dma_semaphore, #tpu.memory_space<semaphore_mem>>
        %dma_wait3A_155 = tpu.memref_squeeze %dma_wait3A_154 : memref<1x!tpu.dma_semaphore, #tpu.memory_space<semaphore_mem>> -> memref<!tpu.dma_semaphore, #tpu.memory_space<semaphore_mem>>
        tpu.wait_indirect_dma semaphore(%dma_wait3A_155 : memref<!tpu.dma_semaphore, #tpu.memory_space<semaphore_mem>>) src(%arg14 : memref<128x64xf32, #tpu.memory_space<vmem>>) dst(%dma_wait3A_153 : memref<10112x64xf32, #tpu.memory_space<vmem_shared>>)
      } else {
      }
      %lt3A_134 = arith.constant 80 : i32
      %lt3A_135 = arith.cmpi slt, %add3A_128, %lt3A_134 : i32
      %convert_element_type3A_136 = arith.extui %lt3A_135 : i1 to i32
      %cond3A_137 = arith.constant 0 : i32
      %cond3A_138 = arith.cmpi ne, %convert_element_type3A_136, %cond3A_137 : i32
      scf.if %cond3A_138 {
        %dma_start3A = arith.constant 2 : i32
        %dma_start3A_146 = arith.constant 0 : i32
        %dma_start3A_147 = tpu.memref_slice %arg10[%add3A_128, %dma_start3A_146] : memref<80x128xi32, #tpu.memory_space<vmem>> -> memref<1x128xi32, #tpu.memory_space<vmem>>
        %dma_start3A_148 = tpu.memref_squeeze %dma_start3A_147 : memref<1x128xi32, #tpu.memory_space<vmem>> -> memref<128xi32, #tpu.memory_space<vmem>>
        %dma_start3A_149 = arith.constant 0 : i32
        %dma_start3A_150 = arith.constant 0 : i32
        %dma_start3A_151 = tpu.memref_slice %arg16[%dma_start3A_149, %dma_start3A_150] : memref<10112x64xf32, #tpu.memory_space<vmem_shared>> -> memref<10112x64xf32, #tpu.memory_space<vmem_shared>>
        %dma_start3A_152 = tpu.memref_slice %arg19[%dma_start3A] : memref<3x!tpu.dma_semaphore, #tpu.memory_space<semaphore_mem>> -> memref<1x!tpu.dma_semaphore, #tpu.memory_space<semaphore_mem>>
        %dma_start3A_153 = tpu.memref_squeeze %dma_start3A_152 : memref<1x!tpu.dma_semaphore, #tpu.memory_space<semaphore_mem>> -> memref<!tpu.dma_semaphore, #tpu.memory_space<semaphore_mem>>
        tpu.enqueue_indirect_dma source(%dma_start3A_151 : memref<10112x64xf32, #tpu.memory_space<vmem_shared>>) target(%arg14 : memref<128x64xf32, #tpu.memory_space<vmem>>) offsets(%dma_start3A_148 : memref<128xi32, #tpu.memory_space<vmem>>) semaphore(%dma_start3A_153 : memref<!tpu.dma_semaphore, #tpu.memory_space<semaphore_mem>>)
      } else {
      }
      %sub3A_139 = arith.constant 1 : i32
      %sub3A_140 = arith.subi %add3A_128, %sub3A_139 : i32
      %ge3A_141 = arith.constant 0 : i32
      %ge3A_142 = arith.cmpi sge, %sub3A_140, %ge3A_141 : i32
      %convert_element_type3A_143 = arith.extui %ge3A_142 : i1 to i32
      %cond3A_144 = arith.constant 0 : i32
      %cond3A_145 = arith.cmpi ne, %convert_element_type3A_143, %cond3A_144 : i32
      scf.if %cond3A_145 {
        %dma_wait3A_146 = arith.constant 1 : i32
        %dma_wait3A_147 = arith.constant 0 : i32
        %dma_wait3A_148 = tpu.memref_slice %arg10[%sub3A_140, %dma_wait3A_147] : memref<80x128xi32, #tpu.memory_space<vmem>> -> memref<1x128xi32, #tpu.memory_space<vmem>>
        %dma_wait3A_149 = tpu.memref_squeeze %dma_wait3A_148 : memref<1x128xi32, #tpu.memory_space<vmem>> -> memref<128xi32, #tpu.memory_space<vmem>>
        %dma_wait3A_150 = arith.constant 0 : i32
        %dma_wait3A_151 = arith.constant 0 : i32
        %dma_wait3A_152 = tpu.memref_slice %arg16[%dma_wait3A_150, %dma_wait3A_151] : memref<10112x64xf32, #tpu.memory_space<vmem_shared>> -> memref<10112x64xf32, #tpu.memory_space<vmem_shared>>
        %dma_wait3A_153 = tpu.memref_slice %arg19[%dma_wait3A_146] : memref<3x!tpu.dma_semaphore, #tpu.memory_space<semaphore_mem>> -> memref<1x!tpu.dma_semaphore, #tpu.memory_space<semaphore_mem>>
        %dma_wait3A_154 = tpu.memref_squeeze %dma_wait3A_153 : memref<1x!tpu.dma_semaphore, #tpu.memory_space<semaphore_mem>> -> memref<!tpu.dma_semaphore, #tpu.memory_space<semaphore_mem>>
        tpu.wait_indirect_dma semaphore(%dma_wait3A_154 : memref<!tpu.dma_semaphore, #tpu.memory_space<semaphore_mem>>) src(%dma_wait3A_152 : memref<10112x64xf32, #tpu.memory_space<vmem_shared>>) dst(%arg13 : memref<128x64xf32, #tpu.memory_space<vmem>>)
        %dma_start3A = arith.constant 1 : i32
        %dma_start3A_155 = arith.constant 0 : i32
        %dma_start3A_156 = tpu.memref_slice %arg11[%sub3A_140, %dma_start3A_155] : memref<80x128xi32, #tpu.memory_space<vmem>> -> memref<1x128xi32, #tpu.memory_space<vmem>>
        %dma_start3A_157 = tpu.memref_squeeze %dma_start3A_156 : memref<1x128xi32, #tpu.memory_space<vmem>> -> memref<128xi32, #tpu.memory_space<vmem>>
        %dma_start3A_158 = arith.constant 0 : i32
        %dma_start3A_159 = arith.constant 0 : i32
        %dma_start3A_160 = tpu.memref_slice %arg17[%dma_start3A_158, %dma_start3A_159] : memref<10112x64xf32, #tpu.memory_space<vmem_shared>> -> memref<10112x64xf32, #tpu.memory_space<vmem_shared>>
        %dma_start3A_161 = tpu.memref_slice %arg20[%dma_start3A] : memref<3x!tpu.dma_semaphore, #tpu.memory_space<semaphore_mem>> -> memref<1x!tpu.dma_semaphore, #tpu.memory_space<semaphore_mem>>
        %dma_start3A_162 = tpu.memref_squeeze %dma_start3A_161 : memref<1x!tpu.dma_semaphore, #tpu.memory_space<semaphore_mem>> -> memref<!tpu.dma_semaphore, #tpu.memory_space<semaphore_mem>>
        tpu.enqueue_indirect_dma source(%arg13 : memref<128x64xf32, #tpu.memory_space<vmem>>) target(%dma_start3A_160 : memref<10112x64xf32, #tpu.memory_space<vmem_shared>>) offsets(%dma_start3A_157 : memref<128xi32, #tpu.memory_space<vmem>>) semaphore(%dma_start3A_162 : memref<!tpu.dma_semaphore, #tpu.memory_space<semaphore_mem>>) {add = true}
        %dma_start3A_163 = arith.constant 0 : i32
        %dma_start3A_164 = tpu.memref_slice %arg11[%sub3A_140, %dma_start3A_163] : memref<80x128xi32, #tpu.memory_space<vmem>> -> memref<1x128xi32, #tpu.memory_space<vmem>>
        %dma_start3A_165 = tpu.memref_squeeze %dma_start3A_164 : memref<1x128xi32, #tpu.memory_space<vmem>> -> memref<128xi32, #tpu.memory_space<vmem>>
        %dma_start3A_166 = arith.constant 0 : i32
        %dma_start3A_167 = tpu.memref_slice %arg18[%dma_start3A_166] : memref<10112xf32, #tpu.memory_space<vmem_shared>> -> memref<10112xf32, #tpu.memory_space<vmem_shared>>
        tpu.enqueue_indirect_dma source(%arg15 : memref<128xf32, #tpu.memory_space<vmem>>) target(%dma_start3A_167 : memref<10112xf32, #tpu.memory_space<vmem_shared>>) offsets(%dma_start3A_165 : memref<128xi32, #tpu.memory_space<vmem>>) semaphore(%arg21 : memref<!tpu.dma_semaphore, #tpu.memory_space<semaphore_mem>>) {add = true}
      } else {
      }
    }
    %scan3A_17 = arith.constant 27 : i32
    %dma_wait3A = arith.constant 0 : i32
    %dma_wait3A_18 = arith.constant 0 : i32
    %dma_wait3A_19 = arith.constant 0 : i32
    %dma_wait3A_20 = tpu.memref_slice %arg11[%dma_wait3A, %dma_wait3A_19] : memref<80x128xi32, #tpu.memory_space<vmem>> -> memref<1x128xi32, #tpu.memory_space<vmem>>
    %dma_wait3A_21 = tpu.memref_squeeze %dma_wait3A_20 : memref<1x128xi32, #tpu.memory_space<vmem>> -> memref<128xi32, #tpu.memory_space<vmem>>
    %dma_wait3A_22 = arith.constant 0 : i32
    %dma_wait3A_23 = arith.constant 0 : i32
    %dma_wait3A_24 = tpu.memref_slice %arg17[%dma_wait3A_22, %dma_wait3A_23] : memref<10112x64xf32, #tpu.memory_space<vmem_shared>> -> memref<10112x64xf32, #tpu.memory_space<vmem_shared>>
    %dma_wait3A_25 = tpu.memref_slice %arg20[%dma_wait3A_18] : memref<3x!tpu.dma_semaphore, #tpu.memory_space<semaphore_mem>> -> memref<1x!tpu.dma_semaphore, #tpu.memory_space<semaphore_mem>>
    %dma_wait3A_26 = tpu.memref_squeeze %dma_wait3A_25 : memref<1x!tpu.dma_semaphore, #tpu.memory_space<semaphore_mem>> -> memref<!tpu.dma_semaphore, #tpu.memory_space<semaphore_mem>>
    tpu.wait_indirect_dma semaphore(%dma_wait3A_26 : memref<!tpu.dma_semaphore, #tpu.memory_space<semaphore_mem>>) src(%arg12 : memref<128x64xf32, #tpu.memory_space<vmem>>) dst(%dma_wait3A_24 : memref<10112x64xf32, #tpu.memory_space<vmem_shared>>)
    %dma_wait3A_27 = arith.constant 0 : i32
    %dma_wait3A_28 = arith.constant 1 : i32
    %dma_wait3A_29 = arith.constant 0 : i32
    %dma_wait3A_30 = tpu.memref_slice %arg11[%dma_wait3A_27, %dma_wait3A_29] : memref<80x128xi32, #tpu.memory_space<vmem>> -> memref<1x128xi32, #tpu.memory_space<vmem>>
    %dma_wait3A_31 = tpu.memref_squeeze %dma_wait3A_30 : memref<1x128xi32, #tpu.memory_space<vmem>> -> memref<128xi32, #tpu.memory_space<vmem>>
    %dma_wait3A_32 = arith.constant 0 : i32
    %dma_wait3A_33 = arith.constant 0 : i32
    %dma_wait3A_34 = tpu.memref_slice %arg17[%dma_wait3A_32, %dma_wait3A_33] : memref<10112x64xf32, #tpu.memory_space<vmem_shared>> -> memref<10112x64xf32, #tpu.memory_space<vmem_shared>>
    %dma_wait3A_35 = tpu.memref_slice %arg20[%dma_wait3A_28] : memref<3x!tpu.dma_semaphore, #tpu.memory_space<semaphore_mem>> -> memref<1x!tpu.dma_semaphore, #tpu.memory_space<semaphore_mem>>
    %dma_wait3A_36 = tpu.memref_squeeze %dma_wait3A_35 : memref<1x!tpu.dma_semaphore, #tpu.memory_space<semaphore_mem>> -> memref<!tpu.dma_semaphore, #tpu.memory_space<semaphore_mem>>
    tpu.wait_indirect_dma semaphore(%dma_wait3A_36 : memref<!tpu.dma_semaphore, #tpu.memory_space<semaphore_mem>>) src(%arg13 : memref<128x64xf32, #tpu.memory_space<vmem>>) dst(%dma_wait3A_34 : memref<10112x64xf32, #tpu.memory_space<vmem_shared>>)
    %barrier3A_37 = arith.constant 0 : index
    tpu.barrier barrier_id(%barrier3A_37)
    %run_scoped3A = arith.constant 0 : i32
    "tpu.region"() ({
      %run_scoped3A_85 = tpu.sem_alloc : memref<!tpu.dma_semaphore, #tpu.memory_space<semaphore_mem>>
      %dma_start3A = arith.constant 0 : i32
      %dma_start3A_86 = tpu.memref_slice %arg8[%arg0, %run_scoped3A, %mul3A_2, %dma_start3A] : memref<2x2x10112x64xf32, #tpu.memory_space<hbm>> -> memref<1x1x632x64xf32, #tpu.memory_space<hbm>>
      %dma_start3A_87 = tpu.memref_squeeze %dma_start3A_86 : memref<1x1x632x64xf32, #tpu.memory_space<hbm>> -> memref<632x64xf32, #tpu.memory_space<hbm>>
      %dma_start3A_88 = arith.constant 0 : i32
      %dma_start3A_89 = tpu.memref_slice %arg17[%mul3A_2, %dma_start3A_88] : memref<10112x64xf32, #tpu.memory_space<vmem_shared>> -> memref<632x64xf32, #tpu.memory_space<vmem_shared>>
      tpu.enqueue_dma source(%dma_start3A_89 : memref<632x64xf32, #tpu.memory_space<vmem_shared>>) target(%dma_start3A_87 : memref<632x64xf32, #tpu.memory_space<hbm>>) target_semaphore(%run_scoped3A_85 : memref<!tpu.dma_semaphore, #tpu.memory_space<semaphore_mem>>)
      %dma_wait3A_90 = arith.constant 0 : i32
      %dma_wait3A_91 = tpu.memref_slice %arg8[%arg0, %run_scoped3A, %mul3A_2, %dma_wait3A_90] : memref<2x2x10112x64xf32, #tpu.memory_space<hbm>> -> memref<1x1x632x64xf32, #tpu.memory_space<hbm>>
      %dma_wait3A_92 = tpu.memref_squeeze %dma_wait3A_91 : memref<1x1x632x64xf32, #tpu.memory_space<hbm>> -> memref<632x64xf32, #tpu.memory_space<hbm>>
      %dma_wait3A_93 = arith.constant 0 : i32
      %dma_wait3A_94 = tpu.memref_slice %arg17[%mul3A_2, %dma_wait3A_93] : memref<10112x64xf32, #tpu.memory_space<vmem_shared>> -> memref<632x64xf32, #tpu.memory_space<vmem_shared>>
      tpu.wait_dma2 semaphore(%run_scoped3A_85 : memref<!tpu.dma_semaphore, #tpu.memory_space<semaphore_mem>>) src(%dma_wait3A_94 : memref<632x64xf32, #tpu.memory_space<vmem_shared>>) dst(%dma_wait3A_92 : memref<632x64xf32, #tpu.memory_space<hbm>>)
      tpu.yield
    }) : () -> ()
    %barrier3A_38 = arith.constant 0 : index
    tpu.barrier barrier_id(%barrier3A_38)
    %lt3A_39 = arith.constant 15 : i32
    %lt3A_40 = arith.cmpi slt, %arg1, %lt3A_39 : i32
    %convert_element_type3A_41 = arith.extui %lt3A_40 : i1 to i32
    %cond3A_42 = arith.constant 0 : i32
    %cond3A_43 = arith.cmpi ne, %convert_element_type3A_41, %cond3A_42 : i32
    scf.if %cond3A_43 {
      "tpu.region"() ({
        %run_scoped3A_85 = tpu.sem_alloc : memref<!tpu.dma_semaphore, #tpu.memory_space<semaphore_mem>>
        %dma_start3A = arith.constant 0 : i32
        %dma_start3A_86 = tpu.memref_slice %arg16[%mul3A_2, %dma_start3A] : memref<10112x64xf32, #tpu.memory_space<vmem_shared>> -> memref<632x64xf32, #tpu.memory_space<vmem_shared>>
        %dma_start3A_87 = arith.constant 64 : i32
        %dma_start3A_88 = tpu.memref_slice %arg2[%mul3A_2, %dma_start3A_87] : memref<10000x128xf32, #tpu.memory_space<hbm>> -> memref<632x64xf32, #tpu.memory_space<hbm>>
        tpu.enqueue_dma source(%dma_start3A_88 : memref<632x64xf32, #tpu.memory_space<hbm>>) target(%dma_start3A_86 : memref<632x64xf32, #tpu.memory_space<vmem_shared>>) target_semaphore(%run_scoped3A_85 : memref<!tpu.dma_semaphore, #tpu.memory_space<semaphore_mem>>)
        %dma_wait3A_89 = arith.constant 0 : i32
        %dma_wait3A_90 = tpu.memref_slice %arg16[%mul3A_2, %dma_wait3A_89] : memref<10112x64xf32, #tpu.memory_space<vmem_shared>> -> memref<632x64xf32, #tpu.memory_space<vmem_shared>>
        %dma_wait3A_91 = arith.constant 64 : i32
        %dma_wait3A_92 = tpu.memref_slice %arg2[%mul3A_2, %dma_wait3A_91] : memref<10000x128xf32, #tpu.memory_space<hbm>> -> memref<632x64xf32, #tpu.memory_space<hbm>>
        tpu.wait_dma2 semaphore(%run_scoped3A_85 : memref<!tpu.dma_semaphore, #tpu.memory_space<semaphore_mem>>) src(%dma_wait3A_92 : memref<632x64xf32, #tpu.memory_space<hbm>>) dst(%dma_wait3A_90 : memref<632x64xf32, #tpu.memory_space<vmem_shared>>)
        tpu.yield
      }) : () -> ()
    } else {
    }
    %eq3A_44 = arith.constant 15 : i32
    %eq3A_45 = arith.cmpi eq, %arg1, %eq3A_44 : i32
    %convert_element_type3A_46 = arith.extui %eq3A_45 : i1 to i32
    %cond3A_47 = arith.constant 0 : i32
    %cond3A_48 = arith.cmpi ne, %convert_element_type3A_46, %cond3A_47 : i32
    scf.if %cond3A_48 {
      "tpu.region"() ({
        %run_scoped3A_85 = tpu.sem_alloc : memref<!tpu.dma_semaphore, #tpu.memory_space<semaphore_mem>>
        %dma_start3A = arith.constant 9480 : i32
        %dma_start3A_86 = arith.constant 0 : i32
        %dma_start3A_87 = tpu.memref_slice %arg16[%dma_start3A, %dma_start3A_86] : memref<10112x64xf32, #tpu.memory_space<vmem_shared>> -> memref<520x64xf32, #tpu.memory_space<vmem_shared>>
        %dma_start3A_88 = arith.constant 9480 : i32
        %dma_start3A_89 = arith.constant 64 : i32
        %dma_start3A_90 = tpu.memref_slice %arg2[%dma_start3A_88, %dma_start3A_89] : memref<10000x128xf32, #tpu.memory_space<hbm>> -> memref<520x64xf32, #tpu.memory_space<hbm>>
        tpu.enqueue_dma source(%dma_start3A_90 : memref<520x64xf32, #tpu.memory_space<hbm>>) target(%dma_start3A_87 : memref<520x64xf32, #tpu.memory_space<vmem_shared>>) target_semaphore(%run_scoped3A_85 : memref<!tpu.dma_semaphore, #tpu.memory_space<semaphore_mem>>)
        %dma_wait3A_91 = arith.constant 9480 : i32
        %dma_wait3A_92 = arith.constant 0 : i32
        %dma_wait3A_93 = tpu.memref_slice %arg16[%dma_wait3A_91, %dma_wait3A_92] : memref<10112x64xf32, #tpu.memory_space<vmem_shared>> -> memref<520x64xf32, #tpu.memory_space<vmem_shared>>
        %dma_wait3A_94 = arith.constant 9480 : i32
        %dma_wait3A_95 = arith.constant 64 : i32
        %dma_wait3A_96 = tpu.memref_slice %arg2[%dma_wait3A_94, %dma_wait3A_95] : memref<10000x128xf32, #tpu.memory_space<hbm>> -> memref<520x64xf32, #tpu.memory_space<hbm>>
        tpu.wait_dma2 semaphore(%run_scoped3A_85 : memref<!tpu.dma_semaphore, #tpu.memory_space<semaphore_mem>>) src(%dma_wait3A_96 : memref<520x64xf32, #tpu.memory_space<hbm>>) dst(%dma_wait3A_93 : memref<520x64xf32, #tpu.memory_space<vmem_shared>>)
        tpu.yield
      }) : () -> ()
    } else {
    }
    "tpu.region"() ({
      %run_scoped3A_85 = tpu.sem_alloc : memref<!tpu.dma_semaphore, #tpu.memory_space<semaphore_mem>>
      %dma_start3A = arith.constant 0 : i32
      %dma_start3A_86 = tpu.memref_slice %arg17[%mul3A_2, %dma_start3A] : memref<10112x64xf32, #tpu.memory_space<vmem_shared>> -> memref<632x64xf32, #tpu.memory_space<vmem_shared>>
      tpu.enqueue_dma source(%arg5 : memref<632x64xf32, #tpu.memory_space<hbm>>) target(%dma_start3A_86 : memref<632x64xf32, #tpu.memory_space<vmem_shared>>) target_semaphore(%run_scoped3A_85 : memref<!tpu.dma_semaphore, #tpu.memory_space<semaphore_mem>>)
      %dma_wait3A_87 = arith.constant 0 : i32
      %dma_wait3A_88 = tpu.memref_slice %arg17[%mul3A_2, %dma_wait3A_87] : memref<10112x64xf32, #tpu.memory_space<vmem_shared>> -> memref<632x64xf32, #tpu.memory_space<vmem_shared>>
      tpu.wait_dma2 semaphore(%run_scoped3A_85 : memref<!tpu.dma_semaphore, #tpu.memory_space<semaphore_mem>>) src(%arg5 : memref<632x64xf32, #tpu.memory_space<hbm>>) dst(%dma_wait3A_88 : memref<632x64xf32, #tpu.memory_space<vmem_shared>>)
      tpu.yield
    }) : () -> ()
    %barrier3A_49 = arith.constant 0 : index
    tpu.barrier barrier_id(%barrier3A_49)
    %scan3A_50 = arith.constant 0 : i32
    %scan3A_51 = arith.constant 0 : i32
    %scan3A_52 = arith.constant 27 : i32
    %scan3A_53 = arith.addi %scan3A_51, %scan3A_52 : i32
    %scan3A_54 = arith.constant 1 : i32
    scf.for %scan3A_85 = %scan3A_51 to %scan3A_53 step %scan3A_54  : i32 {
      %mul3A_86 = arith.constant 3 : i32
      %mul3A_87 = arith.muli %scan3A_85, %mul3A_86 : i32
      %add3A_88 = arith.constant 0 : i32
      %add3A_89 = arith.addi %mul3A_87, %add3A_88 : i32
      %gt3A = arith.constant 0 : i32
      %gt3A_90 = arith.cmpi sgt, %scan3A_85, %gt3A : i32
      %convert_element_type3A_91 = arith.extui %gt3A_90 : i1 to i32
      %cond3A_92 = arith.constant 0 : i32
      %cond3A_93 = arith.cmpi ne, %convert_element_type3A_91, %cond3A_92 : i32
      scf.if %cond3A_93 {
        %dma_wait3A_146 = arith.constant 0 : i32
        %dma_wait3A_147 = arith.constant 0 : i32
        %dma_wait3A_148 = arith.constant 0 : i32
        %dma_wait3A_149 = tpu.memref_slice %arg11[%dma_wait3A_146, %dma_wait3A_148] : memref<80x128xi32, #tpu.memory_space<vmem>> -> memref<1x128xi32, #tpu.memory_space<vmem>>
        %dma_wait3A_150 = tpu.memref_squeeze %dma_wait3A_149 : memref<1x128xi32, #tpu.memory_space<vmem>> -> memref<128xi32, #tpu.memory_space<vmem>>
        %dma_wait3A_151 = arith.constant 0 : i32
        %dma_wait3A_152 = arith.constant 0 : i32
        %dma_wait3A_153 = tpu.memref_slice %arg17[%dma_wait3A_151, %dma_wait3A_152] : memref<10112x64xf32, #tpu.memory_space<vmem_shared>> -> memref<10112x64xf32, #tpu.memory_space<vmem_shared>>
        %dma_wait3A_154 = tpu.memref_slice %arg20[%dma_wait3A_147] : memref<3x!tpu.dma_semaphore, #tpu.memory_space<semaphore_mem>> -> memref<1x!tpu.dma_semaphore, #tpu.memory_space<semaphore_mem>>
        %dma_wait3A_155 = tpu.memref_squeeze %dma_wait3A_154 : memref<1x!tpu.dma_semaphore, #tpu.memory_space<semaphore_mem>> -> memref<!tpu.dma_semaphore, #tpu.memory_space<semaphore_mem>>
        tpu.wait_indirect_dma semaphore(%dma_wait3A_155 : memref<!tpu.dma_semaphore, #tpu.memory_space<semaphore_mem>>) src(%arg12 : memref<128x64xf32, #tpu.memory_space<vmem>>) dst(%dma_wait3A_153 : memref<10112x64xf32, #tpu.memory_space<vmem_shared>>)
      } else {
      }
      %lt3A_94 = arith.constant 80 : i32
      %lt3A_95 = arith.cmpi slt, %add3A_89, %lt3A_94 : i32
      %convert_element_type3A_96 = arith.extui %lt3A_95 : i1 to i32
      %cond3A_97 = arith.constant 0 : i32
      %cond3A_98 = arith.cmpi ne, %convert_element_type3A_96, %cond3A_97 : i32
      scf.if %cond3A_98 {
        %dma_start3A = arith.constant 0 : i32
        %dma_start3A_146 = arith.constant 0 : i32
        %dma_start3A_147 = tpu.memref_slice %arg10[%add3A_89, %dma_start3A_146] : memref<80x128xi32, #tpu.memory_space<vmem>> -> memref<1x128xi32, #tpu.memory_space<vmem>>
        %dma_start3A_148 = tpu.memref_squeeze %dma_start3A_147 : memref<1x128xi32, #tpu.memory_space<vmem>> -> memref<128xi32, #tpu.memory_space<vmem>>
        %dma_start3A_149 = arith.constant 0 : i32
        %dma_start3A_150 = arith.constant 0 : i32
        %dma_start3A_151 = tpu.memref_slice %arg16[%dma_start3A_149, %dma_start3A_150] : memref<10112x64xf32, #tpu.memory_space<vmem_shared>> -> memref<10112x64xf32, #tpu.memory_space<vmem_shared>>
        %dma_start3A_152 = tpu.memref_slice %arg19[%dma_start3A] : memref<3x!tpu.dma_semaphore, #tpu.memory_space<semaphore_mem>> -> memref<1x!tpu.dma_semaphore, #tpu.memory_space<semaphore_mem>>
        %dma_start3A_153 = tpu.memref_squeeze %dma_start3A_152 : memref<1x!tpu.dma_semaphore, #tpu.memory_space<semaphore_mem>> -> memref<!tpu.dma_semaphore, #tpu.memory_space<semaphore_mem>>
        tpu.enqueue_indirect_dma source(%dma_start3A_151 : memref<10112x64xf32, #tpu.memory_space<vmem_shared>>) target(%arg12 : memref<128x64xf32, #tpu.memory_space<vmem>>) offsets(%dma_start3A_148 : memref<128xi32, #tpu.memory_space<vmem>>) semaphore(%dma_start3A_153 : memref<!tpu.dma_semaphore, #tpu.memory_space<semaphore_mem>>)
      } else {
      }
      %sub3A = arith.constant 1 : i32
      %sub3A_99 = arith.subi %add3A_89, %sub3A : i32
      %ge3A = arith.constant 0 : i32
      %ge3A_100 = arith.cmpi sge, %sub3A_99, %ge3A : i32
      %convert_element_type3A_101 = arith.extui %ge3A_100 : i1 to i32
      %cond3A_102 = arith.constant 0 : i32
      %cond3A_103 = arith.cmpi ne, %convert_element_type3A_101, %cond3A_102 : i32
      scf.if %cond3A_103 {
        %dma_wait3A_146 = arith.constant 2 : i32
        %dma_wait3A_147 = arith.constant 0 : i32
        %dma_wait3A_148 = tpu.memref_slice %arg10[%sub3A_99, %dma_wait3A_147] : memref<80x128xi32, #tpu.memory_space<vmem>> -> memref<1x128xi32, #tpu.memory_space<vmem>>
        %dma_wait3A_149 = tpu.memref_squeeze %dma_wait3A_148 : memref<1x128xi32, #tpu.memory_space<vmem>> -> memref<128xi32, #tpu.memory_space<vmem>>
        %dma_wait3A_150 = arith.constant 0 : i32
        %dma_wait3A_151 = arith.constant 0 : i32
        %dma_wait3A_152 = tpu.memref_slice %arg16[%dma_wait3A_150, %dma_wait3A_151] : memref<10112x64xf32, #tpu.memory_space<vmem_shared>> -> memref<10112x64xf32, #tpu.memory_space<vmem_shared>>
        %dma_wait3A_153 = tpu.memref_slice %arg19[%dma_wait3A_146] : memref<3x!tpu.dma_semaphore, #tpu.memory_space<semaphore_mem>> -> memref<1x!tpu.dma_semaphore, #tpu.memory_space<semaphore_mem>>
        %dma_wait3A_154 = tpu.memref_squeeze %dma_wait3A_153 : memref<1x!tpu.dma_semaphore, #tpu.memory_space<semaphore_mem>> -> memref<!tpu.dma_semaphore, #tpu.memory_space<semaphore_mem>>
        tpu.wait_indirect_dma semaphore(%dma_wait3A_154 : memref<!tpu.dma_semaphore, #tpu.memory_space<semaphore_mem>>) src(%dma_wait3A_152 : memref<10112x64xf32, #tpu.memory_space<vmem_shared>>) dst(%arg14 : memref<128x64xf32, #tpu.memory_space<vmem>>)
        %dma_start3A = arith.constant 2 : i32
        %dma_start3A_155 = arith.constant 0 : i32
        %dma_start3A_156 = tpu.memref_slice %arg11[%sub3A_99, %dma_start3A_155] : memref<80x128xi32, #tpu.memory_space<vmem>> -> memref<1x128xi32, #tpu.memory_space<vmem>>
        %dma_start3A_157 = tpu.memref_squeeze %dma_start3A_156 : memref<1x128xi32, #tpu.memory_space<vmem>> -> memref<128xi32, #tpu.memory_space<vmem>>
        %dma_start3A_158 = arith.constant 0 : i32
        %dma_start3A_159 = arith.constant 0 : i32
        %dma_start3A_160 = tpu.memref_slice %arg17[%dma_start3A_158, %dma_start3A_159] : memref<10112x64xf32, #tpu.memory_space<vmem_shared>> -> memref<10112x64xf32, #tpu.memory_space<vmem_shared>>
        %dma_start3A_161 = tpu.memref_slice %arg20[%dma_start3A] : memref<3x!tpu.dma_semaphore, #tpu.memory_space<semaphore_mem>> -> memref<1x!tpu.dma_semaphore, #tpu.memory_space<semaphore_mem>>
        %dma_start3A_162 = tpu.memref_squeeze %dma_start3A_161 : memref<1x!tpu.dma_semaphore, #tpu.memory_space<semaphore_mem>> -> memref<!tpu.dma_semaphore, #tpu.memory_space<semaphore_mem>>
        tpu.enqueue_indirect_dma source(%arg14 : memref<128x64xf32, #tpu.memory_space<vmem>>) target(%dma_start3A_160 : memref<10112x64xf32, #tpu.memory_space<vmem_shared>>) offsets(%dma_start3A_157 : memref<128xi32, #tpu.memory_space<vmem>>) semaphore(%dma_start3A_162 : memref<!tpu.dma_semaphore, #tpu.memory_space<semaphore_mem>>) {add = true}
      } else {
      }
      %mul3A_104 = arith.constant 3 : i32
      %mul3A_105 = arith.muli %scan3A_85, %mul3A_104 : i32
      %add3A_106 = arith.constant 1 : i32
      %add3A_107 = arith.addi %mul3A_105, %add3A_106 : i32
      %gt3A_108 = arith.constant 0 : i32
      %gt3A_109 = arith.cmpi sgt, %scan3A_85, %gt3A_108 : i32
      %convert_element_type3A_110 = arith.extui %gt3A_109 : i1 to i32
      %cond3A_111 = arith.constant 0 : i32
      %cond3A_112 = arith.cmpi ne, %convert_element_type3A_110, %cond3A_111 : i32
      scf.if %cond3A_112 {
        %dma_wait3A_146 = arith.constant 0 : i32
        %dma_wait3A_147 = arith.constant 1 : i32
        %dma_wait3A_148 = arith.constant 0 : i32
        %dma_wait3A_149 = tpu.memref_slice %arg11[%dma_wait3A_146, %dma_wait3A_148] : memref<80x128xi32, #tpu.memory_space<vmem>> -> memref<1x128xi32, #tpu.memory_space<vmem>>
        %dma_wait3A_150 = tpu.memref_squeeze %dma_wait3A_149 : memref<1x128xi32, #tpu.memory_space<vmem>> -> memref<128xi32, #tpu.memory_space<vmem>>
        %dma_wait3A_151 = arith.constant 0 : i32
        %dma_wait3A_152 = arith.constant 0 : i32
        %dma_wait3A_153 = tpu.memref_slice %arg17[%dma_wait3A_151, %dma_wait3A_152] : memref<10112x64xf32, #tpu.memory_space<vmem_shared>> -> memref<10112x64xf32, #tpu.memory_space<vmem_shared>>
        %dma_wait3A_154 = tpu.memref_slice %arg20[%dma_wait3A_147] : memref<3x!tpu.dma_semaphore, #tpu.memory_space<semaphore_mem>> -> memref<1x!tpu.dma_semaphore, #tpu.memory_space<semaphore_mem>>
        %dma_wait3A_155 = tpu.memref_squeeze %dma_wait3A_154 : memref<1x!tpu.dma_semaphore, #tpu.memory_space<semaphore_mem>> -> memref<!tpu.dma_semaphore, #tpu.memory_space<semaphore_mem>>
        tpu.wait_indirect_dma semaphore(%dma_wait3A_155 : memref<!tpu.dma_semaphore, #tpu.memory_space<semaphore_mem>>) src(%arg13 : memref<128x64xf32, #tpu.memory_space<vmem>>) dst(%dma_wait3A_153 : memref<10112x64xf32, #tpu.memory_space<vmem_shared>>)
      } else {
      }
      %lt3A_113 = arith.constant 80 : i32
      %lt3A_114 = arith.cmpi slt, %add3A_107, %lt3A_113 : i32
      %convert_element_type3A_115 = arith.extui %lt3A_114 : i1 to i32
      %cond3A_116 = arith.constant 0 : i32
      %cond3A_117 = arith.cmpi ne, %convert_element_type3A_115, %cond3A_116 : i32
      scf.if %cond3A_117 {
        %dma_start3A = arith.constant 1 : i32
        %dma_start3A_146 = arith.constant 0 : i32
        %dma_start3A_147 = tpu.memref_slice %arg10[%add3A_107, %dma_start3A_146] : memref<80x128xi32, #tpu.memory_space<vmem>> -> memref<1x128xi32, #tpu.memory_space<vmem>>
        %dma_start3A_148 = tpu.memref_squeeze %dma_start3A_147 : memref<1x128xi32, #tpu.memory_space<vmem>> -> memref<128xi32, #tpu.memory_space<vmem>>
        %dma_start3A_149 = arith.constant 0 : i32
        %dma_start3A_150 = arith.constant 0 : i32
        %dma_start3A_151 = tpu.memref_slice %arg16[%dma_start3A_149, %dma_start3A_150] : memref<10112x64xf32, #tpu.memory_space<vmem_shared>> -> memref<10112x64xf32, #tpu.memory_space<vmem_shared>>
        %dma_start3A_152 = tpu.memref_slice %arg19[%dma_start3A] : memref<3x!tpu.dma_semaphore, #tpu.memory_space<semaphore_mem>> -> memref<1x!tpu.dma_semaphore, #tpu.memory_space<semaphore_mem>>
        %dma_start3A_153 = tpu.memref_squeeze %dma_start3A_152 : memref<1x!tpu.dma_semaphore, #tpu.memory_space<semaphore_mem>> -> memref<!tpu.dma_semaphore, #tpu.memory_space<semaphore_mem>>
        tpu.enqueue_indirect_dma source(%dma_start3A_151 : memref<10112x64xf32, #tpu.memory_space<vmem_shared>>) target(%arg13 : memref<128x64xf32, #tpu.memory_space<vmem>>) offsets(%dma_start3A_148 : memref<128xi32, #tpu.memory_space<vmem>>) semaphore(%dma_start3A_153 : memref<!tpu.dma_semaphore, #tpu.memory_space<semaphore_mem>>)
      } else {
      }
      %sub3A_118 = arith.constant 1 : i32
      %sub3A_119 = arith.subi %add3A_107, %sub3A_118 : i32
      %ge3A_120 = arith.constant 0 : i32
      %ge3A_121 = arith.cmpi sge, %sub3A_119, %ge3A_120 : i32
      %convert_element_type3A_122 = arith.extui %ge3A_121 : i1 to i32
      %cond3A_123 = arith.constant 0 : i32
      %cond3A_124 = arith.cmpi ne, %convert_element_type3A_122, %cond3A_123 : i32
      scf.if %cond3A_124 {
        %dma_wait3A_146 = arith.constant 0 : i32
        %dma_wait3A_147 = arith.constant 0 : i32
        %dma_wait3A_148 = tpu.memref_slice %arg10[%sub3A_119, %dma_wait3A_147] : memref<80x128xi32, #tpu.memory_space<vmem>> -> memref<1x128xi32, #tpu.memory_space<vmem>>
        %dma_wait3A_149 = tpu.memref_squeeze %dma_wait3A_148 : memref<1x128xi32, #tpu.memory_space<vmem>> -> memref<128xi32, #tpu.memory_space<vmem>>
        %dma_wait3A_150 = arith.constant 0 : i32
        %dma_wait3A_151 = arith.constant 0 : i32
        %dma_wait3A_152 = tpu.memref_slice %arg16[%dma_wait3A_150, %dma_wait3A_151] : memref<10112x64xf32, #tpu.memory_space<vmem_shared>> -> memref<10112x64xf32, #tpu.memory_space<vmem_shared>>
        %dma_wait3A_153 = tpu.memref_slice %arg19[%dma_wait3A_146] : memref<3x!tpu.dma_semaphore, #tpu.memory_space<semaphore_mem>> -> memref<1x!tpu.dma_semaphore, #tpu.memory_space<semaphore_mem>>
        %dma_wait3A_154 = tpu.memref_squeeze %dma_wait3A_153 : memref<1x!tpu.dma_semaphore, #tpu.memory_space<semaphore_mem>> -> memref<!tpu.dma_semaphore, #tpu.memory_space<semaphore_mem>>
        tpu.wait_indirect_dma semaphore(%dma_wait3A_154 : memref<!tpu.dma_semaphore, #tpu.memory_space<semaphore_mem>>) src(%dma_wait3A_152 : memref<10112x64xf32, #tpu.memory_space<vmem_shared>>) dst(%arg12 : memref<128x64xf32, #tpu.memory_space<vmem>>)
        %dma_start3A = arith.constant 0 : i32
        %dma_start3A_155 = arith.constant 0 : i32
        %dma_start3A_156 = tpu.memref_slice %arg11[%sub3A_119, %dma_start3A_155] : memref<80x128xi32, #tpu.memory_space<vmem>> -> memref<1x128xi32, #tpu.memory_space<vmem>>
        %dma_start3A_157 = tpu.memref_squeeze %dma_start3A_156 : memref<1x128xi32, #tpu.memory_space<vmem>> -> memref<128xi32, #tpu.memory_space<vmem>>
        %dma_start3A_158 = arith.constant 0 : i32
        %dma_start3A_159 = arith.constant 0 : i32
        %dma_start3A_160 = tpu.memref_slice %arg17[%dma_start3A_158, %dma_start3A_159] : memref<10112x64xf32, #tpu.memory_space<vmem_shared>> -> memref<10112x64xf32, #tpu.memory_space<vmem_shared>>
        %dma_start3A_161 = tpu.memref_slice %arg20[%dma_start3A] : memref<3x!tpu.dma_semaphore, #tpu.memory_space<semaphore_mem>> -> memref<1x!tpu.dma_semaphore, #tpu.memory_space<semaphore_mem>>
        %dma_start3A_162 = tpu.memref_squeeze %dma_start3A_161 : memref<1x!tpu.dma_semaphore, #tpu.memory_space<semaphore_mem>> -> memref<!tpu.dma_semaphore, #tpu.memory_space<semaphore_mem>>
        tpu.enqueue_indirect_dma source(%arg12 : memref<128x64xf32, #tpu.memory_space<vmem>>) target(%dma_start3A_160 : memref<10112x64xf32, #tpu.memory_space<vmem_shared>>) offsets(%dma_start3A_157 : memref<128xi32, #tpu.memory_space<vmem>>) semaphore(%dma_start3A_162 : memref<!tpu.dma_semaphore, #tpu.memory_space<semaphore_mem>>) {add = true}
      } else {
      }
      %mul3A_125 = arith.constant 3 : i32
      %mul3A_126 = arith.muli %scan3A_85, %mul3A_125 : i32
      %add3A_127 = arith.constant 2 : i32
      %add3A_128 = arith.addi %mul3A_126, %add3A_127 : i32
      %gt3A_129 = arith.constant 0 : i32
      %gt3A_130 = arith.cmpi sgt, %scan3A_85, %gt3A_129 : i32
      %convert_element_type3A_131 = arith.extui %gt3A_130 : i1 to i32
      %cond3A_132 = arith.constant 0 : i32
      %cond3A_133 = arith.cmpi ne, %convert_element_type3A_131, %cond3A_132 : i32
      scf.if %cond3A_133 {
        %dma_wait3A_146 = arith.constant 0 : i32
        %dma_wait3A_147 = arith.constant 2 : i32
        %dma_wait3A_148 = arith.constant 0 : i32
        %dma_wait3A_149 = tpu.memref_slice %arg11[%dma_wait3A_146, %dma_wait3A_148] : memref<80x128xi32, #tpu.memory_space<vmem>> -> memref<1x128xi32, #tpu.memory_space<vmem>>
        %dma_wait3A_150 = tpu.memref_squeeze %dma_wait3A_149 : memref<1x128xi32, #tpu.memory_space<vmem>> -> memref<128xi32, #tpu.memory_space<vmem>>
        %dma_wait3A_151 = arith.constant 0 : i32
        %dma_wait3A_152 = arith.constant 0 : i32
        %dma_wait3A_153 = tpu.memref_slice %arg17[%dma_wait3A_151, %dma_wait3A_152] : memref<10112x64xf32, #tpu.memory_space<vmem_shared>> -> memref<10112x64xf32, #tpu.memory_space<vmem_shared>>
        %dma_wait3A_154 = tpu.memref_slice %arg20[%dma_wait3A_147] : memref<3x!tpu.dma_semaphore, #tpu.memory_space<semaphore_mem>> -> memref<1x!tpu.dma_semaphore, #tpu.memory_space<semaphore_mem>>
        %dma_wait3A_155 = tpu.memref_squeeze %dma_wait3A_154 : memref<1x!tpu.dma_semaphore, #tpu.memory_space<semaphore_mem>> -> memref<!tpu.dma_semaphore, #tpu.memory_space<semaphore_mem>>
        tpu.wait_indirect_dma semaphore(%dma_wait3A_155 : memref<!tpu.dma_semaphore, #tpu.memory_space<semaphore_mem>>) src(%arg14 : memref<128x64xf32, #tpu.memory_space<vmem>>) dst(%dma_wait3A_153 : memref<10112x64xf32, #tpu.memory_space<vmem_shared>>)
      } else {
      }
      %lt3A_134 = arith.constant 80 : i32
      %lt3A_135 = arith.cmpi slt, %add3A_128, %lt3A_134 : i32
      %convert_element_type3A_136 = arith.extui %lt3A_135 : i1 to i32
      %cond3A_137 = arith.constant 0 : i32
      %cond3A_138 = arith.cmpi ne, %convert_element_type3A_136, %cond3A_137 : i32
      scf.if %cond3A_138 {
        %dma_start3A = arith.constant 2 : i32
        %dma_start3A_146 = arith.constant 0 : i32
        %dma_start3A_147 = tpu.memref_slice %arg10[%add3A_128, %dma_start3A_146] : memref<80x128xi32, #tpu.memory_space<vmem>> -> memref<1x128xi32, #tpu.memory_space<vmem>>
        %dma_start3A_148 = tpu.memref_squeeze %dma_start3A_147 : memref<1x128xi32, #tpu.memory_space<vmem>> -> memref<128xi32, #tpu.memory_space<vmem>>
        %dma_start3A_149 = arith.constant 0 : i32
        %dma_start3A_150 = arith.constant 0 : i32
        %dma_start3A_151 = tpu.memref_slice %arg16[%dma_start3A_149, %dma_start3A_150] : memref<10112x64xf32, #tpu.memory_space<vmem_shared>> -> memref<10112x64xf32, #tpu.memory_space<vmem_shared>>
        %dma_start3A_152 = tpu.memref_slice %arg19[%dma_start3A] : memref<3x!tpu.dma_semaphore, #tpu.memory_space<semaphore_mem>> -> memref<1x!tpu.dma_semaphore, #tpu.memory_space<semaphore_mem>>
        %dma_start3A_153 = tpu.memref_squeeze %dma_start3A_152 : memref<1x!tpu.dma_semaphore, #tpu.memory_space<semaphore_mem>> -> memref<!tpu.dma_semaphore, #tpu.memory_space<semaphore_mem>>
        tpu.enqueue_indirect_dma source(%dma_start3A_151 : memref<10112x64xf32, #tpu.memory_space<vmem_shared>>) target(%arg14 : memref<128x64xf32, #tpu.memory_space<vmem>>) offsets(%dma_start3A_148 : memref<128xi32, #tpu.memory_space<vmem>>) semaphore(%dma_start3A_153 : memref<!tpu.dma_semaphore, #tpu.memory_space<semaphore_mem>>)
      } else {
      }
      %sub3A_139 = arith.constant 1 : i32
      %sub3A_140 = arith.subi %add3A_128, %sub3A_139 : i32
      %ge3A_141 = arith.constant 0 : i32
      %ge3A_142 = arith.cmpi sge, %sub3A_140, %ge3A_141 : i32
      %convert_element_type3A_143 = arith.extui %ge3A_142 : i1 to i32
      %cond3A_144 = arith.constant 0 : i32
      %cond3A_145 = arith.cmpi ne, %convert_element_type3A_143, %cond3A_144 : i32
      scf.if %cond3A_145 {
        %dma_wait3A_146 = arith.constant 1 : i32
        %dma_wait3A_147 = arith.constant 0 : i32
        %dma_wait3A_148 = tpu.memref_slice %arg10[%sub3A_140, %dma_wait3A_147] : memref<80x128xi32, #tpu.memory_space<vmem>> -> memref<1x128xi32, #tpu.memory_space<vmem>>
        %dma_wait3A_149 = tpu.memref_squeeze %dma_wait3A_148 : memref<1x128xi32, #tpu.memory_space<vmem>> -> memref<128xi32, #tpu.memory_space<vmem>>
        %dma_wait3A_150 = arith.constant 0 : i32
        %dma_wait3A_151 = arith.constant 0 : i32
        %dma_wait3A_152 = tpu.memref_slice %arg16[%dma_wait3A_150, %dma_wait3A_151] : memref<10112x64xf32, #tpu.memory_space<vmem_shared>> -> memref<10112x64xf32, #tpu.memory_space<vmem_shared>>
        %dma_wait3A_153 = tpu.memref_slice %arg19[%dma_wait3A_146] : memref<3x!tpu.dma_semaphore, #tpu.memory_space<semaphore_mem>> -> memref<1x!tpu.dma_semaphore, #tpu.memory_space<semaphore_mem>>
        %dma_wait3A_154 = tpu.memref_squeeze %dma_wait3A_153 : memref<1x!tpu.dma_semaphore, #tpu.memory_space<semaphore_mem>> -> memref<!tpu.dma_semaphore, #tpu.memory_space<semaphore_mem>>
        tpu.wait_indirect_dma semaphore(%dma_wait3A_154 : memref<!tpu.dma_semaphore, #tpu.memory_space<semaphore_mem>>) src(%dma_wait3A_152 : memref<10112x64xf32, #tpu.memory_space<vmem_shared>>) dst(%arg13 : memref<128x64xf32, #tpu.memory_space<vmem>>)
        %dma_start3A = arith.constant 1 : i32
        %dma_start3A_155 = arith.constant 0 : i32
        %dma_start3A_156 = tpu.memref_slice %arg11[%sub3A_140, %dma_start3A_155] : memref<80x128xi32, #tpu.memory_space<vmem>> -> memref<1x128xi32, #tpu.memory_space<vmem>>
        %dma_start3A_157 = tpu.memref_squeeze %dma_start3A_156 : memref<1x128xi32, #tpu.memory_space<vmem>> -> memref<128xi32, #tpu.memory_space<vmem>>
        %dma_start3A_158 = arith.constant 0 : i32
        %dma_start3A_159 = arith.constant 0 : i32
        %dma_start3A_160 = tpu.memref_slice %arg17[%dma_start3A_158, %dma_start3A_159] : memref<10112x64xf32, #tpu.memory_space<vmem_shared>> -> memref<10112x64xf32, #tpu.memory_space<vmem_shared>>
        %dma_start3A_161 = tpu.memref_slice %arg20[%dma_start3A] : memref<3x!tpu.dma_semaphore, #tpu.memory_space<semaphore_mem>> -> memref<1x!tpu.dma_semaphore, #tpu.memory_space<semaphore_mem>>
        %dma_start3A_162 = tpu.memref_squeeze %dma_start3A_161 : memref<1x!tpu.dma_semaphore, #tpu.memory_space<semaphore_mem>> -> memref<!tpu.dma_semaphore, #tpu.memory_space<semaphore_mem>>
        tpu.enqueue_indirect_dma source(%arg13 : memref<128x64xf32, #tpu.memory_space<vmem>>) target(%dma_start3A_160 : memref<10112x64xf32, #tpu.memory_space<vmem_shared>>) offsets(%dma_start3A_157 : memref<128xi32, #tpu.memory_space<vmem>>) semaphore(%dma_start3A_162 : memref<!tpu.dma_semaphore, #tpu.memory_space<semaphore_mem>>) {add = true}
      } else {
      }
    }
    %scan3A_55 = arith.constant 27 : i32
    %dma_wait3A_56 = arith.constant 0 : i32
    %dma_wait3A_57 = arith.constant 0 : i32
    %dma_wait3A_58 = arith.constant 0 : i32
    %dma_wait3A_59 = tpu.memref_slice %arg11[%dma_wait3A_56, %dma_wait3A_58] : memref<80x128xi32, #tpu.memory_space<vmem>> -> memref<1x128xi32, #tpu.memory_space<vmem>>
    %dma_wait3A_60 = tpu.memref_squeeze %dma_wait3A_59 : memref<1x128xi32, #tpu.memory_space<vmem>> -> memref<128xi32, #tpu.memory_space<vmem>>
    %dma_wait3A_61 = arith.constant 0 : i32
    %dma_wait3A_62 = arith.constant 0 : i32
    %dma_wait3A_63 = tpu.memref_slice %arg17[%dma_wait3A_61, %dma_wait3A_62] : memref<10112x64xf32, #tpu.memory_space<vmem_shared>> -> memref<10112x64xf32, #tpu.memory_space<vmem_shared>>
    %dma_wait3A_64 = tpu.memref_slice %arg20[%dma_wait3A_57] : memref<3x!tpu.dma_semaphore, #tpu.memory_space<semaphore_mem>> -> memref<1x!tpu.dma_semaphore, #tpu.memory_space<semaphore_mem>>
    %dma_wait3A_65 = tpu.memref_squeeze %dma_wait3A_64 : memref<1x!tpu.dma_semaphore, #tpu.memory_space<semaphore_mem>> -> memref<!tpu.dma_semaphore, #tpu.memory_space<semaphore_mem>>
    tpu.wait_indirect_dma semaphore(%dma_wait3A_65 : memref<!tpu.dma_semaphore, #tpu.memory_space<semaphore_mem>>) src(%arg12 : memref<128x64xf32, #tpu.memory_space<vmem>>) dst(%dma_wait3A_63 : memref<10112x64xf32, #tpu.memory_space<vmem_shared>>)
    %dma_wait3A_66 = arith.constant 0 : i32
    %dma_wait3A_67 = arith.constant 1 : i32
    %dma_wait3A_68 = arith.constant 0 : i32
    %dma_wait3A_69 = tpu.memref_slice %arg11[%dma_wait3A_66, %dma_wait3A_68] : memref<80x128xi32, #tpu.memory_space<vmem>> -> memref<1x128xi32, #tpu.memory_space<vmem>>
    %dma_wait3A_70 = tpu.memref_squeeze %dma_wait3A_69 : memref<1x128xi32, #tpu.memory_space<vmem>> -> memref<128xi32, #tpu.memory_space<vmem>>
    %dma_wait3A_71 = arith.constant 0 : i32
    %dma_wait3A_72 = arith.constant 0 : i32
    %dma_wait3A_73 = tpu.memref_slice %arg17[%dma_wait3A_71, %dma_wait3A_72] : memref<10112x64xf32, #tpu.memory_space<vmem_shared>> -> memref<10112x64xf32, #tpu.memory_space<vmem_shared>>
    %dma_wait3A_74 = tpu.memref_slice %arg20[%dma_wait3A_67] : memref<3x!tpu.dma_semaphore, #tpu.memory_space<semaphore_mem>> -> memref<1x!tpu.dma_semaphore, #tpu.memory_space<semaphore_mem>>
    %dma_wait3A_75 = tpu.memref_squeeze %dma_wait3A_74 : memref<1x!tpu.dma_semaphore, #tpu.memory_space<semaphore_mem>> -> memref<!tpu.dma_semaphore, #tpu.memory_space<semaphore_mem>>
    tpu.wait_indirect_dma semaphore(%dma_wait3A_75 : memref<!tpu.dma_semaphore, #tpu.memory_space<semaphore_mem>>) src(%arg13 : memref<128x64xf32, #tpu.memory_space<vmem>>) dst(%dma_wait3A_73 : memref<10112x64xf32, #tpu.memory_space<vmem_shared>>)
    %scan3A_76 = arith.constant 0 : i32
    %scan3A_77 = arith.constant 0 : i32
    %scan3A_78 = arith.constant 80 : i32
    %scan3A_79 = arith.addi %scan3A_77, %scan3A_78 : i32
    %scan3A_80 = arith.constant 1 : i32
    scf.for %scan3A_85 = %scan3A_77 to %scan3A_79 step %scan3A_80  : i32 {
      %dma_wait3A_86 = arith.constant 0 : i32
      %dma_wait3A_87 = arith.constant 0 : i32
      %dma_wait3A_88 = tpu.memref_slice %arg11[%dma_wait3A_86, %dma_wait3A_87] : memref<80x128xi32, #tpu.memory_space<vmem>> -> memref<1x128xi32, #tpu.memory_space<vmem>>
      %dma_wait3A_89 = tpu.memref_squeeze %dma_wait3A_88 : memref<1x128xi32, #tpu.memory_space<vmem>> -> memref<128xi32, #tpu.memory_space<vmem>>
      %dma_wait3A_90 = arith.constant 0 : i32
      %dma_wait3A_91 = tpu.memref_slice %arg18[%dma_wait3A_90] : memref<10112xf32, #tpu.memory_space<vmem_shared>> -> memref<10112xf32, #tpu.memory_space<vmem_shared>>
      tpu.wait_indirect_dma semaphore(%arg21 : memref<!tpu.dma_semaphore, #tpu.memory_space<semaphore_mem>>) src(%arg15 : memref<128xf32, #tpu.memory_space<vmem>>) dst(%dma_wait3A_91 : memref<10112xf32, #tpu.memory_space<vmem_shared>>)
    }
    %scan3A_81 = arith.constant 80 : i32
    %barrier3A_82 = arith.constant 0 : index
    tpu.barrier barrier_id(%barrier3A_82)
    %run_scoped3A_83 = arith.constant 1 : i32
    "tpu.region"() ({
      %run_scoped3A_85 = tpu.sem_alloc : memref<!tpu.dma_semaphore, #tpu.memory_space<semaphore_mem>>
      %dma_start3A = arith.constant 0 : i32
      %dma_start3A_86 = tpu.memref_slice %arg8[%arg0, %run_scoped3A_83, %mul3A_2, %dma_start3A] : memref<2x2x10112x64xf32, #tpu.memory_space<hbm>> -> memref<1x1x632x64xf32, #tpu.memory_space<hbm>>
      %dma_start3A_87 = tpu.memref_squeeze %dma_start3A_86 : memref<1x1x632x64xf32, #tpu.memory_space<hbm>> -> memref<632x64xf32, #tpu.memory_space<hbm>>
      %dma_start3A_88 = arith.constant 0 : i32
      %dma_start3A_89 = tpu.memref_slice %arg17[%mul3A_2, %dma_start3A_88] : memref<10112x64xf32, #tpu.memory_space<vmem_shared>> -> memref<632x64xf32, #tpu.memory_space<vmem_shared>>
      tpu.enqueue_dma source(%dma_start3A_89 : memref<632x64xf32, #tpu.memory_space<vmem_shared>>) target(%dma_start3A_87 : memref<632x64xf32, #tpu.memory_space<hbm>>) target_semaphore(%run_scoped3A_85 : memref<!tpu.dma_semaphore, #tpu.memory_space<semaphore_mem>>)
      %dma_wait3A_90 = arith.constant 0 : i32
      %dma_wait3A_91 = tpu.memref_slice %arg8[%arg0, %run_scoped3A_83, %mul3A_2, %dma_wait3A_90] : memref<2x2x10112x64xf32, #tpu.memory_space<hbm>> -> memref<1x1x632x64xf32, #tpu.memory_space<hbm>>
      %dma_wait3A_92 = tpu.memref_squeeze %dma_wait3A_91 : memref<1x1x632x64xf32, #tpu.memory_space<hbm>> -> memref<632x64xf32, #tpu.memory_space<hbm>>
      %dma_wait3A_93 = arith.constant 0 : i32
      %dma_wait3A_94 = tpu.memref_slice %arg17[%mul3A_2, %dma_wait3A_93] : memref<10112x64xf32, #tpu.memory_space<vmem_shared>> -> memref<632x64xf32, #tpu.memory_space<vmem_shared>>
      tpu.wait_dma2 semaphore(%run_scoped3A_85 : memref<!tpu.dma_semaphore, #tpu.memory_space<semaphore_mem>>) src(%dma_wait3A_94 : memref<632x64xf32, #tpu.memory_space<vmem_shared>>) dst(%dma_wait3A_92 : memref<632x64xf32, #tpu.memory_space<hbm>>)
      tpu.yield
    }) : () -> ()
    "tpu.region"() ({
      %run_scoped3A_85 = tpu.sem_alloc : memref<!tpu.dma_semaphore, #tpu.memory_space<semaphore_mem>>
      %dma_start3A = tpu.memref_slice %arg9[%arg0, %mul3A_2] : memref<2x10112xf32, #tpu.memory_space<hbm>> -> memref<1x632xf32, #tpu.memory_space<hbm>>
      %dma_start3A_86 = tpu.memref_squeeze %dma_start3A : memref<1x632xf32, #tpu.memory_space<hbm>> -> memref<632xf32, #tpu.memory_space<hbm>>
      %dma_start3A_87 = tpu.memref_slice %arg18[%mul3A_2] : memref<10112xf32, #tpu.memory_space<vmem_shared>> -> memref<632xf32, #tpu.memory_space<vmem_shared>>
      tpu.enqueue_dma source(%dma_start3A_87 : memref<632xf32, #tpu.memory_space<vmem_shared>>) target(%dma_start3A_86 : memref<632xf32, #tpu.memory_space<hbm>>) target_semaphore(%run_scoped3A_85 : memref<!tpu.dma_semaphore, #tpu.memory_space<semaphore_mem>>)
      %dma_wait3A_88 = tpu.memref_slice %arg9[%arg0, %mul3A_2] : memref<2x10112xf32, #tpu.memory_space<hbm>> -> memref<1x632xf32, #tpu.memory_space<hbm>>
      %dma_wait3A_89 = tpu.memref_squeeze %dma_wait3A_88 : memref<1x632xf32, #tpu.memory_space<hbm>> -> memref<632xf32, #tpu.memory_space<hbm>>
      %dma_wait3A_90 = tpu.memref_slice %arg18[%mul3A_2] : memref<10112xf32, #tpu.memory_space<vmem_shared>> -> memref<632xf32, #tpu.memory_space<vmem_shared>>
      tpu.wait_dma2 semaphore(%run_scoped3A_85 : memref<!tpu.dma_semaphore, #tpu.memory_space<semaphore_mem>>) src(%dma_wait3A_90 : memref<632xf32, #tpu.memory_space<vmem_shared>>) dst(%dma_wait3A_89 : memref<632xf32, #tpu.memory_space<hbm>>)
      tpu.yield
    }) : () -> ()
    %barrier3A_84 = arith.constant 0 : index
    tpu.barrier barrier_id(%barrier3A_84)
    return
  }
}

#map = affine_map<(d0, d1) -> (0, 0)>
#map1 = affine_map<(d0, d1) -> (0, 0, 0, 0)>
module attributes {stable_mosaic.version = 14 : i64} {
  func.func @body(%arg0: i32, %arg1: i32, %arg2: memref<10000x128xf32, #tpu.memory_space<hbm>>, %arg3: memref<2560x128xi32, #tpu.memory_space<hbm>>, %arg4: memref<2560x128xi32, #tpu.memory_space<hbm>>, %arg5: memref<632x64xf32, #tpu.memory_space<hbm>>, %arg6: memref<2x2x10112x64xf32, #tpu.memory_space<hbm>>, %arg7: memref<80x128xi32, #tpu.memory_space<vmem>>, %arg8: memref<80x128xi32, #tpu.memory_space<vmem>>, %arg9: memref<128x64xf32, #tpu.memory_space<vmem>>, %arg10: memref<128x64xf32, #tpu.memory_space<vmem>>, %arg11: memref<128x64xf32, #tpu.memory_space<vmem>>, %arg12: memref<10112x64xf32, #tpu.memory_space<vmem_shared>>, %arg13: memref<10112x64xf32, #tpu.memory_space<vmem_shared>>, %arg14: memref<3x!tpu.dma_semaphore, #tpu.memory_space<semaphore_mem>>, %arg15: memref<3x!tpu.dma_semaphore, #tpu.memory_space<semaphore_mem>>) attributes {dimension_semantics = [#tpu.dimension_semantics<core_parallel>, #tpu.dimension_semantics<subcore_parallel>], iteration_bounds = array<i64: 2, 16>, scalar_prefetch = 0 : i64, scratch_operands = 9 : i64, tpu.core_type = #tpu.core_type<sc_vector_subcore>, window_params = [{transform_indices = #map}, {transform_indices = #map}, {transform_indices = #map}, {transform_indices = #map}, {transform_indices = #map1}]} {
    %mul3A = arith.constant 16 : i32
    %mul3A_0 = arith.muli %arg0, %mul3A : i32
    %add3A = arith.addi %mul3A_0, %arg1 : i32
    %mul3A_1 = arith.constant 632 : i32
    %mul3A_2 = arith.muli %arg1, %mul3A_1 : i32
    %mul3A_3 = arith.constant 80 : i32
    %mul3A_4 = arith.muli %add3A, %mul3A_3 : i32
    "tpu.region"() ({
      %run_scoped3A_79 = tpu.sem_alloc : memref<!tpu.dma_semaphore, #tpu.memory_space<semaphore_mem>>
      %dma_start3A = arith.constant 0 : i32
      %dma_start3A_80 = tpu.memref_slice %arg3[%mul3A_4, %dma_start3A] : memref<2560x128xi32, #tpu.memory_space<hbm>> -> memref<80x128xi32, #tpu.memory_space<hbm>>
      %dma_start3A_81 = arith.constant 0 : i32
      %dma_start3A_82 = tpu.memref_slice %arg3[%mul3A_4, %dma_start3A_81] : memref<2560x128xi32, #tpu.memory_space<hbm>> -> memref<80x128xi32, #tpu.memory_space<hbm>>
      tpu.enqueue_dma source(%dma_start3A_82 : memref<80x128xi32, #tpu.memory_space<hbm>>) target(%arg7 : memref<80x128xi32, #tpu.memory_space<vmem>>) target_semaphore(%run_scoped3A_79 : memref<!tpu.dma_semaphore, #tpu.memory_space<semaphore_mem>>)
      %dma_wait3A_83 = arith.constant 0 : i32
      %dma_wait3A_84 = tpu.memref_slice %arg3[%mul3A_4, %dma_wait3A_83] : memref<2560x128xi32, #tpu.memory_space<hbm>> -> memref<80x128xi32, #tpu.memory_space<hbm>>
      %dma_wait3A_85 = arith.constant 0 : i32
      %dma_wait3A_86 = tpu.memref_slice %arg3[%mul3A_4, %dma_wait3A_85] : memref<2560x128xi32, #tpu.memory_space<hbm>> -> memref<80x128xi32, #tpu.memory_space<hbm>>
      tpu.wait_dma2 semaphore(%run_scoped3A_79 : memref<!tpu.dma_semaphore, #tpu.memory_space<semaphore_mem>>) src(%dma_wait3A_86 : memref<80x128xi32, #tpu.memory_space<hbm>>) dst(%arg7 : memref<80x128xi32, #tpu.memory_space<vmem>>)
      tpu.yield
    }) : () -> ()
    %mul3A_5 = arith.constant 80 : i32
    %mul3A_6 = arith.muli %add3A, %mul3A_5 : i32
    "tpu.region"() ({
      %run_scoped3A_79 = tpu.sem_alloc : memref<!tpu.dma_semaphore, #tpu.memory_space<semaphore_mem>>
      %dma_start3A = arith.constant 0 : i32
      %dma_start3A_80 = tpu.memref_slice %arg4[%mul3A_6, %dma_start3A] : memref<2560x128xi32, #tpu.memory_space<hbm>> -> memref<80x128xi32, #tpu.memory_space<hbm>>
      %dma_start3A_81 = arith.constant 0 : i32
      %dma_start3A_82 = tpu.memref_slice %arg4[%mul3A_6, %dma_start3A_81] : memref<2560x128xi32, #tpu.memory_space<hbm>> -> memref<80x128xi32, #tpu.memory_space<hbm>>
      tpu.enqueue_dma source(%dma_start3A_82 : memref<80x128xi32, #tpu.memory_space<hbm>>) target(%arg8 : memref<80x128xi32, #tpu.memory_space<vmem>>) target_semaphore(%run_scoped3A_79 : memref<!tpu.dma_semaphore, #tpu.memory_space<semaphore_mem>>)
      %dma_wait3A_83 = arith.constant 0 : i32
      %dma_wait3A_84 = tpu.memref_slice %arg4[%mul3A_6, %dma_wait3A_83] : memref<2560x128xi32, #tpu.memory_space<hbm>> -> memref<80x128xi32, #tpu.memory_space<hbm>>
      %dma_wait3A_85 = arith.constant 0 : i32
      %dma_wait3A_86 = tpu.memref_slice %arg4[%mul3A_6, %dma_wait3A_85] : memref<2560x128xi32, #tpu.memory_space<hbm>> -> memref<80x128xi32, #tpu.memory_space<hbm>>
      tpu.wait_dma2 semaphore(%run_scoped3A_79 : memref<!tpu.dma_semaphore, #tpu.memory_space<semaphore_mem>>) src(%dma_wait3A_86 : memref<80x128xi32, #tpu.memory_space<hbm>>) dst(%arg8 : memref<80x128xi32, #tpu.memory_space<vmem>>)
      tpu.yield
    }) : () -> ()
    %lt3A = arith.constant 15 : i32
    %lt3A_7 = arith.cmpi slt, %arg1, %lt3A : i32
    %convert_element_type3A = arith.extui %lt3A_7 : i1 to i32
    %cond3A = arith.constant 0 : i32
    %cond3A_8 = arith.cmpi ne, %convert_element_type3A, %cond3A : i32
    scf.if %cond3A_8 {
      "tpu.region"() ({
        %run_scoped3A_79 = tpu.sem_alloc : memref<!tpu.dma_semaphore, #tpu.memory_space<semaphore_mem>>
        %dma_start3A = arith.constant 0 : i32
        %dma_start3A_80 = tpu.memref_slice %arg12[%mul3A_2, %dma_start3A] : memref<10112x64xf32, #tpu.memory_space<vmem_shared>> -> memref<632x64xf32, #tpu.memory_space<vmem_shared>>
        %dma_start3A_81 = arith.constant 0 : i32
        %dma_start3A_82 = tpu.memref_slice %arg2[%mul3A_2, %dma_start3A_81] : memref<10000x128xf32, #tpu.memory_space<hbm>> -> memref<632x64xf32, #tpu.memory_space<hbm>>
        tpu.enqueue_dma source(%dma_start3A_82 : memref<632x64xf32, #tpu.memory_space<hbm>>) target(%dma_start3A_80 : memref<632x64xf32, #tpu.memory_space<vmem_shared>>) target_semaphore(%run_scoped3A_79 : memref<!tpu.dma_semaphore, #tpu.memory_space<semaphore_mem>>)
        %dma_wait3A_83 = arith.constant 0 : i32
        %dma_wait3A_84 = tpu.memref_slice %arg12[%mul3A_2, %dma_wait3A_83] : memref<10112x64xf32, #tpu.memory_space<vmem_shared>> -> memref<632x64xf32, #tpu.memory_space<vmem_shared>>
        %dma_wait3A_85 = arith.constant 0 : i32
        %dma_wait3A_86 = tpu.memref_slice %arg2[%mul3A_2, %dma_wait3A_85] : memref<10000x128xf32, #tpu.memory_space<hbm>> -> memref<632x64xf32, #tpu.memory_space<hbm>>
        tpu.wait_dma2 semaphore(%run_scoped3A_79 : memref<!tpu.dma_semaphore, #tpu.memory_space<semaphore_mem>>) src(%dma_wait3A_86 : memref<632x64xf32, #tpu.memory_space<hbm>>) dst(%dma_wait3A_84 : memref<632x64xf32, #tpu.memory_space<vmem_shared>>)
        tpu.yield
      }) : () -> ()
    } else {
    }
    %eq3A = arith.constant 15 : i32
    %eq3A_9 = arith.cmpi eq, %arg1, %eq3A : i32
    %convert_element_type3A_10 = arith.extui %eq3A_9 : i1 to i32
    %cond3A_11 = arith.constant 0 : i32
    %cond3A_12 = arith.cmpi ne, %convert_element_type3A_10, %cond3A_11 : i32
    scf.if %cond3A_12 {
      "tpu.region"() ({
        %run_scoped3A_79 = tpu.sem_alloc : memref<!tpu.dma_semaphore, #tpu.memory_space<semaphore_mem>>
        %dma_start3A = arith.constant 9480 : i32
        %dma_start3A_80 = arith.constant 0 : i32
        %dma_start3A_81 = tpu.memref_slice %arg12[%dma_start3A, %dma_start3A_80] : memref<10112x64xf32, #tpu.memory_space<vmem_shared>> -> memref<520x64xf32, #tpu.memory_space<vmem_shared>>
        %dma_start3A_82 = arith.constant 9480 : i32
        %dma_start3A_83 = arith.constant 0 : i32
        %dma_start3A_84 = tpu.memref_slice %arg2[%dma_start3A_82, %dma_start3A_83] : memref<10000x128xf32, #tpu.memory_space<hbm>> -> memref<520x64xf32, #tpu.memory_space<hbm>>
        tpu.enqueue_dma source(%dma_start3A_84 : memref<520x64xf32, #tpu.memory_space<hbm>>) target(%dma_start3A_81 : memref<520x64xf32, #tpu.memory_space<vmem_shared>>) target_semaphore(%run_scoped3A_79 : memref<!tpu.dma_semaphore, #tpu.memory_space<semaphore_mem>>)
        %dma_wait3A_85 = arith.constant 9480 : i32
        %dma_wait3A_86 = arith.constant 0 : i32
        %dma_wait3A_87 = tpu.memref_slice %arg12[%dma_wait3A_85, %dma_wait3A_86] : memref<10112x64xf32, #tpu.memory_space<vmem_shared>> -> memref<520x64xf32, #tpu.memory_space<vmem_shared>>
        %dma_wait3A_88 = arith.constant 9480 : i32
        %dma_wait3A_89 = arith.constant 0 : i32
        %dma_wait3A_90 = tpu.memref_slice %arg2[%dma_wait3A_88, %dma_wait3A_89] : memref<10000x128xf32, #tpu.memory_space<hbm>> -> memref<520x64xf32, #tpu.memory_space<hbm>>
        tpu.wait_dma2 semaphore(%run_scoped3A_79 : memref<!tpu.dma_semaphore, #tpu.memory_space<semaphore_mem>>) src(%dma_wait3A_90 : memref<520x64xf32, #tpu.memory_space<hbm>>) dst(%dma_wait3A_87 : memref<520x64xf32, #tpu.memory_space<vmem_shared>>)
        tpu.yield
      }) : () -> ()
    } else {
    }
    "tpu.region"() ({
      %run_scoped3A_79 = tpu.sem_alloc : memref<!tpu.dma_semaphore, #tpu.memory_space<semaphore_mem>>
      %dma_start3A = arith.constant 0 : i32
      %dma_start3A_80 = tpu.memref_slice %arg13[%mul3A_2, %dma_start3A] : memref<10112x64xf32, #tpu.memory_space<vmem_shared>> -> memref<632x64xf32, #tpu.memory_space<vmem_shared>>
      tpu.enqueue_dma source(%arg5 : memref<632x64xf32, #tpu.memory_space<hbm>>) target(%dma_start3A_80 : memref<632x64xf32, #tpu.memory_space<vmem_shared>>) target_semaphore(%run_scoped3A_79 : memref<!tpu.dma_semaphore, #tpu.memory_space<semaphore_mem>>)
      %dma_wait3A_81 = arith.constant 0 : i32
      %dma_wait3A_82 = tpu.memref_slice %arg13[%mul3A_2, %dma_wait3A_81] : memref<10112x64xf32, #tpu.memory_space<vmem_shared>> -> memref<632x64xf32, #tpu.memory_space<vmem_shared>>
      tpu.wait_dma2 semaphore(%run_scoped3A_79 : memref<!tpu.dma_semaphore, #tpu.memory_space<semaphore_mem>>) src(%arg5 : memref<632x64xf32, #tpu.memory_space<hbm>>) dst(%dma_wait3A_82 : memref<632x64xf32, #tpu.memory_space<vmem_shared>>)
      tpu.yield
    }) : () -> ()
    %barrier3A = arith.constant 0 : index
    tpu.barrier barrier_id(%barrier3A)
    %scan3A = arith.constant 0 : i32
    %scan3A_13 = arith.constant 0 : i32
    %scan3A_14 = arith.constant 27 : i32
    %scan3A_15 = arith.addi %scan3A_13, %scan3A_14 : i32
    %scan3A_16 = arith.constant 1 : i32
    scf.for %scan3A_79 = %scan3A_13 to %scan3A_15 step %scan3A_16  : i32 {
      %mul3A_80 = arith.constant 3 : i32
      %mul3A_81 = arith.muli %scan3A_79, %mul3A_80 : i32
      %add3A_82 = arith.constant 0 : i32
      %add3A_83 = arith.addi %mul3A_81, %add3A_82 : i32
      %gt3A = arith.constant 0 : i32
      %gt3A_84 = arith.cmpi sgt, %scan3A_79, %gt3A : i32
      %convert_element_type3A_85 = arith.extui %gt3A_84 : i1 to i32
      %cond3A_86 = arith.constant 0 : i32
      %cond3A_87 = arith.cmpi ne, %convert_element_type3A_85, %cond3A_86 : i32
      scf.if %cond3A_87 {
        %dma_wait3A_140 = arith.constant 0 : i32
        %dma_wait3A_141 = arith.constant 0 : i32
        %dma_wait3A_142 = arith.constant 0 : i32
        %dma_wait3A_143 = tpu.memref_slice %arg8[%dma_wait3A_140, %dma_wait3A_142] : memref<80x128xi32, #tpu.memory_space<vmem>> -> memref<1x128xi32, #tpu.memory_space<vmem>>
        %dma_wait3A_144 = tpu.memref_squeeze %dma_wait3A_143 : memref<1x128xi32, #tpu.memory_space<vmem>> -> memref<128xi32, #tpu.memory_space<vmem>>
        %dma_wait3A_145 = arith.constant 0 : i32
        %dma_wait3A_146 = arith.constant 0 : i32
        %dma_wait3A_147 = tpu.memref_slice %arg13[%dma_wait3A_145, %dma_wait3A_146] : memref<10112x64xf32, #tpu.memory_space<vmem_shared>> -> memref<10112x64xf32, #tpu.memory_space<vmem_shared>>
        %dma_wait3A_148 = tpu.memref_slice %arg15[%dma_wait3A_141] : memref<3x!tpu.dma_semaphore, #tpu.memory_space<semaphore_mem>> -> memref<1x!tpu.dma_semaphore, #tpu.memory_space<semaphore_mem>>
        %dma_wait3A_149 = tpu.memref_squeeze %dma_wait3A_148 : memref<1x!tpu.dma_semaphore, #tpu.memory_space<semaphore_mem>> -> memref<!tpu.dma_semaphore, #tpu.memory_space<semaphore_mem>>
        tpu.wait_indirect_dma semaphore(%dma_wait3A_149 : memref<!tpu.dma_semaphore, #tpu.memory_space<semaphore_mem>>) src(%arg9 : memref<128x64xf32, #tpu.memory_space<vmem>>) dst(%dma_wait3A_147 : memref<10112x64xf32, #tpu.memory_space<vmem_shared>>)
      } else {
      }
      %lt3A_88 = arith.constant 80 : i32
      %lt3A_89 = arith.cmpi slt, %add3A_83, %lt3A_88 : i32
      %convert_element_type3A_90 = arith.extui %lt3A_89 : i1 to i32
      %cond3A_91 = arith.constant 0 : i32
      %cond3A_92 = arith.cmpi ne, %convert_element_type3A_90, %cond3A_91 : i32
      scf.if %cond3A_92 {
        %dma_start3A = arith.constant 0 : i32
        %dma_start3A_140 = arith.constant 0 : i32
        %dma_start3A_141 = tpu.memref_slice %arg7[%add3A_83, %dma_start3A_140] : memref<80x128xi32, #tpu.memory_space<vmem>> -> memref<1x128xi32, #tpu.memory_space<vmem>>
        %dma_start3A_142 = tpu.memref_squeeze %dma_start3A_141 : memref<1x128xi32, #tpu.memory_space<vmem>> -> memref<128xi32, #tpu.memory_space<vmem>>
        %dma_start3A_143 = arith.constant 0 : i32
        %dma_start3A_144 = arith.constant 0 : i32
        %dma_start3A_145 = tpu.memref_slice %arg12[%dma_start3A_143, %dma_start3A_144] : memref<10112x64xf32, #tpu.memory_space<vmem_shared>> -> memref<10112x64xf32, #tpu.memory_space<vmem_shared>>
        %dma_start3A_146 = tpu.memref_slice %arg14[%dma_start3A] : memref<3x!tpu.dma_semaphore, #tpu.memory_space<semaphore_mem>> -> memref<1x!tpu.dma_semaphore, #tpu.memory_space<semaphore_mem>>
        %dma_start3A_147 = tpu.memref_squeeze %dma_start3A_146 : memref<1x!tpu.dma_semaphore, #tpu.memory_space<semaphore_mem>> -> memref<!tpu.dma_semaphore, #tpu.memory_space<semaphore_mem>>
        tpu.enqueue_indirect_dma source(%dma_start3A_145 : memref<10112x64xf32, #tpu.memory_space<vmem_shared>>) target(%arg9 : memref<128x64xf32, #tpu.memory_space<vmem>>) offsets(%dma_start3A_142 : memref<128xi32, #tpu.memory_space<vmem>>) semaphore(%dma_start3A_147 : memref<!tpu.dma_semaphore, #tpu.memory_space<semaphore_mem>>)
      } else {
      }
      %sub3A = arith.constant 1 : i32
      %sub3A_93 = arith.subi %add3A_83, %sub3A : i32
      %ge3A = arith.constant 0 : i32
      %ge3A_94 = arith.cmpi sge, %sub3A_93, %ge3A : i32
      %convert_element_type3A_95 = arith.extui %ge3A_94 : i1 to i32
      %cond3A_96 = arith.constant 0 : i32
      %cond3A_97 = arith.cmpi ne, %convert_element_type3A_95, %cond3A_96 : i32
      scf.if %cond3A_97 {
        %dma_wait3A_140 = arith.constant 2 : i32
        %dma_wait3A_141 = arith.constant 0 : i32
        %dma_wait3A_142 = tpu.memref_slice %arg7[%sub3A_93, %dma_wait3A_141] : memref<80x128xi32, #tpu.memory_space<vmem>> -> memref<1x128xi32, #tpu.memory_space<vmem>>
        %dma_wait3A_143 = tpu.memref_squeeze %dma_wait3A_142 : memref<1x128xi32, #tpu.memory_space<vmem>> -> memref<128xi32, #tpu.memory_space<vmem>>
        %dma_wait3A_144 = arith.constant 0 : i32
        %dma_wait3A_145 = arith.constant 0 : i32
        %dma_wait3A_146 = tpu.memref_slice %arg12[%dma_wait3A_144, %dma_wait3A_145] : memref<10112x64xf32, #tpu.memory_space<vmem_shared>> -> memref<10112x64xf32, #tpu.memory_space<vmem_shared>>
        %dma_wait3A_147 = tpu.memref_slice %arg14[%dma_wait3A_140] : memref<3x!tpu.dma_semaphore, #tpu.memory_space<semaphore_mem>> -> memref<1x!tpu.dma_semaphore, #tpu.memory_space<semaphore_mem>>
        %dma_wait3A_148 = tpu.memref_squeeze %dma_wait3A_147 : memref<1x!tpu.dma_semaphore, #tpu.memory_space<semaphore_mem>> -> memref<!tpu.dma_semaphore, #tpu.memory_space<semaphore_mem>>
        tpu.wait_indirect_dma semaphore(%dma_wait3A_148 : memref<!tpu.dma_semaphore, #tpu.memory_space<semaphore_mem>>) src(%dma_wait3A_146 : memref<10112x64xf32, #tpu.memory_space<vmem_shared>>) dst(%arg11 : memref<128x64xf32, #tpu.memory_space<vmem>>)
        %dma_start3A = arith.constant 2 : i32
        %dma_start3A_149 = arith.constant 0 : i32
        %dma_start3A_150 = tpu.memref_slice %arg8[%sub3A_93, %dma_start3A_149] : memref<80x128xi32, #tpu.memory_space<vmem>> -> memref<1x128xi32, #tpu.memory_space<vmem>>
        %dma_start3A_151 = tpu.memref_squeeze %dma_start3A_150 : memref<1x128xi32, #tpu.memory_space<vmem>> -> memref<128xi32, #tpu.memory_space<vmem>>
        %dma_start3A_152 = arith.constant 0 : i32
        %dma_start3A_153 = arith.constant 0 : i32
        %dma_start3A_154 = tpu.memref_slice %arg13[%dma_start3A_152, %dma_start3A_153] : memref<10112x64xf32, #tpu.memory_space<vmem_shared>> -> memref<10112x64xf32, #tpu.memory_space<vmem_shared>>
        %dma_start3A_155 = tpu.memref_slice %arg15[%dma_start3A] : memref<3x!tpu.dma_semaphore, #tpu.memory_space<semaphore_mem>> -> memref<1x!tpu.dma_semaphore, #tpu.memory_space<semaphore_mem>>
        %dma_start3A_156 = tpu.memref_squeeze %dma_start3A_155 : memref<1x!tpu.dma_semaphore, #tpu.memory_space<semaphore_mem>> -> memref<!tpu.dma_semaphore, #tpu.memory_space<semaphore_mem>>
        tpu.enqueue_indirect_dma source(%arg11 : memref<128x64xf32, #tpu.memory_space<vmem>>) target(%dma_start3A_154 : memref<10112x64xf32, #tpu.memory_space<vmem_shared>>) offsets(%dma_start3A_151 : memref<128xi32, #tpu.memory_space<vmem>>) semaphore(%dma_start3A_156 : memref<!tpu.dma_semaphore, #tpu.memory_space<semaphore_mem>>) {add = true}
      } else {
      }
      %mul3A_98 = arith.constant 3 : i32
      %mul3A_99 = arith.muli %scan3A_79, %mul3A_98 : i32
      %add3A_100 = arith.constant 1 : i32
      %add3A_101 = arith.addi %mul3A_99, %add3A_100 : i32
      %gt3A_102 = arith.constant 0 : i32
      %gt3A_103 = arith.cmpi sgt, %scan3A_79, %gt3A_102 : i32
      %convert_element_type3A_104 = arith.extui %gt3A_103 : i1 to i32
      %cond3A_105 = arith.constant 0 : i32
      %cond3A_106 = arith.cmpi ne, %convert_element_type3A_104, %cond3A_105 : i32
      scf.if %cond3A_106 {
        %dma_wait3A_140 = arith.constant 0 : i32
        %dma_wait3A_141 = arith.constant 1 : i32
        %dma_wait3A_142 = arith.constant 0 : i32
        %dma_wait3A_143 = tpu.memref_slice %arg8[%dma_wait3A_140, %dma_wait3A_142] : memref<80x128xi32, #tpu.memory_space<vmem>> -> memref<1x128xi32, #tpu.memory_space<vmem>>
        %dma_wait3A_144 = tpu.memref_squeeze %dma_wait3A_143 : memref<1x128xi32, #tpu.memory_space<vmem>> -> memref<128xi32, #tpu.memory_space<vmem>>
        %dma_wait3A_145 = arith.constant 0 : i32
        %dma_wait3A_146 = arith.constant 0 : i32
        %dma_wait3A_147 = tpu.memref_slice %arg13[%dma_wait3A_145, %dma_wait3A_146] : memref<10112x64xf32, #tpu.memory_space<vmem_shared>> -> memref<10112x64xf32, #tpu.memory_space<vmem_shared>>
        %dma_wait3A_148 = tpu.memref_slice %arg15[%dma_wait3A_141] : memref<3x!tpu.dma_semaphore, #tpu.memory_space<semaphore_mem>> -> memref<1x!tpu.dma_semaphore, #tpu.memory_space<semaphore_mem>>
        %dma_wait3A_149 = tpu.memref_squeeze %dma_wait3A_148 : memref<1x!tpu.dma_semaphore, #tpu.memory_space<semaphore_mem>> -> memref<!tpu.dma_semaphore, #tpu.memory_space<semaphore_mem>>
        tpu.wait_indirect_dma semaphore(%dma_wait3A_149 : memref<!tpu.dma_semaphore, #tpu.memory_space<semaphore_mem>>) src(%arg10 : memref<128x64xf32, #tpu.memory_space<vmem>>) dst(%dma_wait3A_147 : memref<10112x64xf32, #tpu.memory_space<vmem_shared>>)
      } else {
      }
      %lt3A_107 = arith.constant 80 : i32
      %lt3A_108 = arith.cmpi slt, %add3A_101, %lt3A_107 : i32
      %convert_element_type3A_109 = arith.extui %lt3A_108 : i1 to i32
      %cond3A_110 = arith.constant 0 : i32
      %cond3A_111 = arith.cmpi ne, %convert_element_type3A_109, %cond3A_110 : i32
      scf.if %cond3A_111 {
        %dma_start3A = arith.constant 1 : i32
        %dma_start3A_140 = arith.constant 0 : i32
        %dma_start3A_141 = tpu.memref_slice %arg7[%add3A_101, %dma_start3A_140] : memref<80x128xi32, #tpu.memory_space<vmem>> -> memref<1x128xi32, #tpu.memory_space<vmem>>
        %dma_start3A_142 = tpu.memref_squeeze %dma_start3A_141 : memref<1x128xi32, #tpu.memory_space<vmem>> -> memref<128xi32, #tpu.memory_space<vmem>>
        %dma_start3A_143 = arith.constant 0 : i32
        %dma_start3A_144 = arith.constant 0 : i32
        %dma_start3A_145 = tpu.memref_slice %arg12[%dma_start3A_143, %dma_start3A_144] : memref<10112x64xf32, #tpu.memory_space<vmem_shared>> -> memref<10112x64xf32, #tpu.memory_space<vmem_shared>>
        %dma_start3A_146 = tpu.memref_slice %arg14[%dma_start3A] : memref<3x!tpu.dma_semaphore, #tpu.memory_space<semaphore_mem>> -> memref<1x!tpu.dma_semaphore, #tpu.memory_space<semaphore_mem>>
        %dma_start3A_147 = tpu.memref_squeeze %dma_start3A_146 : memref<1x!tpu.dma_semaphore, #tpu.memory_space<semaphore_mem>> -> memref<!tpu.dma_semaphore, #tpu.memory_space<semaphore_mem>>
        tpu.enqueue_indirect_dma source(%dma_start3A_145 : memref<10112x64xf32, #tpu.memory_space<vmem_shared>>) target(%arg10 : memref<128x64xf32, #tpu.memory_space<vmem>>) offsets(%dma_start3A_142 : memref<128xi32, #tpu.memory_space<vmem>>) semaphore(%dma_start3A_147 : memref<!tpu.dma_semaphore, #tpu.memory_space<semaphore_mem>>)
      } else {
      }
      %sub3A_112 = arith.constant 1 : i32
      %sub3A_113 = arith.subi %add3A_101, %sub3A_112 : i32
      %ge3A_114 = arith.constant 0 : i32
      %ge3A_115 = arith.cmpi sge, %sub3A_113, %ge3A_114 : i32
      %convert_element_type3A_116 = arith.extui %ge3A_115 : i1 to i32
      %cond3A_117 = arith.constant 0 : i32
      %cond3A_118 = arith.cmpi ne, %convert_element_type3A_116, %cond3A_117 : i32
      scf.if %cond3A_118 {
        %dma_wait3A_140 = arith.constant 0 : i32
        %dma_wait3A_141 = arith.constant 0 : i32
        %dma_wait3A_142 = tpu.memref_slice %arg7[%sub3A_113, %dma_wait3A_141] : memref<80x128xi32, #tpu.memory_space<vmem>> -> memref<1x128xi32, #tpu.memory_space<vmem>>
        %dma_wait3A_143 = tpu.memref_squeeze %dma_wait3A_142 : memref<1x128xi32, #tpu.memory_space<vmem>> -> memref<128xi32, #tpu.memory_space<vmem>>
        %dma_wait3A_144 = arith.constant 0 : i32
        %dma_wait3A_145 = arith.constant 0 : i32
        %dma_wait3A_146 = tpu.memref_slice %arg12[%dma_wait3A_144, %dma_wait3A_145] : memref<10112x64xf32, #tpu.memory_space<vmem_shared>> -> memref<10112x64xf32, #tpu.memory_space<vmem_shared>>
        %dma_wait3A_147 = tpu.memref_slice %arg14[%dma_wait3A_140] : memref<3x!tpu.dma_semaphore, #tpu.memory_space<semaphore_mem>> -> memref<1x!tpu.dma_semaphore, #tpu.memory_space<semaphore_mem>>
        %dma_wait3A_148 = tpu.memref_squeeze %dma_wait3A_147 : memref<1x!tpu.dma_semaphore, #tpu.memory_space<semaphore_mem>> -> memref<!tpu.dma_semaphore, #tpu.memory_space<semaphore_mem>>
        tpu.wait_indirect_dma semaphore(%dma_wait3A_148 : memref<!tpu.dma_semaphore, #tpu.memory_space<semaphore_mem>>) src(%dma_wait3A_146 : memref<10112x64xf32, #tpu.memory_space<vmem_shared>>) dst(%arg9 : memref<128x64xf32, #tpu.memory_space<vmem>>)
        %dma_start3A = arith.constant 0 : i32
        %dma_start3A_149 = arith.constant 0 : i32
        %dma_start3A_150 = tpu.memref_slice %arg8[%sub3A_113, %dma_start3A_149] : memref<80x128xi32, #tpu.memory_space<vmem>> -> memref<1x128xi32, #tpu.memory_space<vmem>>
        %dma_start3A_151 = tpu.memref_squeeze %dma_start3A_150 : memref<1x128xi32, #tpu.memory_space<vmem>> -> memref<128xi32, #tpu.memory_space<vmem>>
        %dma_start3A_152 = arith.constant 0 : i32
        %dma_start3A_153 = arith.constant 0 : i32
        %dma_start3A_154 = tpu.memref_slice %arg13[%dma_start3A_152, %dma_start3A_153] : memref<10112x64xf32, #tpu.memory_space<vmem_shared>> -> memref<10112x64xf32, #tpu.memory_space<vmem_shared>>
        %dma_start3A_155 = tpu.memref_slice %arg15[%dma_start3A] : memref<3x!tpu.dma_semaphore, #tpu.memory_space<semaphore_mem>> -> memref<1x!tpu.dma_semaphore, #tpu.memory_space<semaphore_mem>>
        %dma_start3A_156 = tpu.memref_squeeze %dma_start3A_155 : memref<1x!tpu.dma_semaphore, #tpu.memory_space<semaphore_mem>> -> memref<!tpu.dma_semaphore, #tpu.memory_space<semaphore_mem>>
        tpu.enqueue_indirect_dma source(%arg9 : memref<128x64xf32, #tpu.memory_space<vmem>>) target(%dma_start3A_154 : memref<10112x64xf32, #tpu.memory_space<vmem_shared>>) offsets(%dma_start3A_151 : memref<128xi32, #tpu.memory_space<vmem>>) semaphore(%dma_start3A_156 : memref<!tpu.dma_semaphore, #tpu.memory_space<semaphore_mem>>) {add = true}
      } else {
      }
      %mul3A_119 = arith.constant 3 : i32
      %mul3A_120 = arith.muli %scan3A_79, %mul3A_119 : i32
      %add3A_121 = arith.constant 2 : i32
      %add3A_122 = arith.addi %mul3A_120, %add3A_121 : i32
      %gt3A_123 = arith.constant 0 : i32
      %gt3A_124 = arith.cmpi sgt, %scan3A_79, %gt3A_123 : i32
      %convert_element_type3A_125 = arith.extui %gt3A_124 : i1 to i32
      %cond3A_126 = arith.constant 0 : i32
      %cond3A_127 = arith.cmpi ne, %convert_element_type3A_125, %cond3A_126 : i32
      scf.if %cond3A_127 {
        %dma_wait3A_140 = arith.constant 0 : i32
        %dma_wait3A_141 = arith.constant 2 : i32
        %dma_wait3A_142 = arith.constant 0 : i32
        %dma_wait3A_143 = tpu.memref_slice %arg8[%dma_wait3A_140, %dma_wait3A_142] : memref<80x128xi32, #tpu.memory_space<vmem>> -> memref<1x128xi32, #tpu.memory_space<vmem>>
        %dma_wait3A_144 = tpu.memref_squeeze %dma_wait3A_143 : memref<1x128xi32, #tpu.memory_space<vmem>> -> memref<128xi32, #tpu.memory_space<vmem>>
        %dma_wait3A_145 = arith.constant 0 : i32
        %dma_wait3A_146 = arith.constant 0 : i32
        %dma_wait3A_147 = tpu.memref_slice %arg13[%dma_wait3A_145, %dma_wait3A_146] : memref<10112x64xf32, #tpu.memory_space<vmem_shared>> -> memref<10112x64xf32, #tpu.memory_space<vmem_shared>>
        %dma_wait3A_148 = tpu.memref_slice %arg15[%dma_wait3A_141] : memref<3x!tpu.dma_semaphore, #tpu.memory_space<semaphore_mem>> -> memref<1x!tpu.dma_semaphore, #tpu.memory_space<semaphore_mem>>
        %dma_wait3A_149 = tpu.memref_squeeze %dma_wait3A_148 : memref<1x!tpu.dma_semaphore, #tpu.memory_space<semaphore_mem>> -> memref<!tpu.dma_semaphore, #tpu.memory_space<semaphore_mem>>
        tpu.wait_indirect_dma semaphore(%dma_wait3A_149 : memref<!tpu.dma_semaphore, #tpu.memory_space<semaphore_mem>>) src(%arg11 : memref<128x64xf32, #tpu.memory_space<vmem>>) dst(%dma_wait3A_147 : memref<10112x64xf32, #tpu.memory_space<vmem_shared>>)
      } else {
      }
      %lt3A_128 = arith.constant 80 : i32
      %lt3A_129 = arith.cmpi slt, %add3A_122, %lt3A_128 : i32
      %convert_element_type3A_130 = arith.extui %lt3A_129 : i1 to i32
      %cond3A_131 = arith.constant 0 : i32
      %cond3A_132 = arith.cmpi ne, %convert_element_type3A_130, %cond3A_131 : i32
      scf.if %cond3A_132 {
        %dma_start3A = arith.constant 2 : i32
        %dma_start3A_140 = arith.constant 0 : i32
        %dma_start3A_141 = tpu.memref_slice %arg7[%add3A_122, %dma_start3A_140] : memref<80x128xi32, #tpu.memory_space<vmem>> -> memref<1x128xi32, #tpu.memory_space<vmem>>
        %dma_start3A_142 = tpu.memref_squeeze %dma_start3A_141 : memref<1x128xi32, #tpu.memory_space<vmem>> -> memref<128xi32, #tpu.memory_space<vmem>>
        %dma_start3A_143 = arith.constant 0 : i32
        %dma_start3A_144 = arith.constant 0 : i32
        %dma_start3A_145 = tpu.memref_slice %arg12[%dma_start3A_143, %dma_start3A_144] : memref<10112x64xf32, #tpu.memory_space<vmem_shared>> -> memref<10112x64xf32, #tpu.memory_space<vmem_shared>>
        %dma_start3A_146 = tpu.memref_slice %arg14[%dma_start3A] : memref<3x!tpu.dma_semaphore, #tpu.memory_space<semaphore_mem>> -> memref<1x!tpu.dma_semaphore, #tpu.memory_space<semaphore_mem>>
        %dma_start3A_147 = tpu.memref_squeeze %dma_start3A_146 : memref<1x!tpu.dma_semaphore, #tpu.memory_space<semaphore_mem>> -> memref<!tpu.dma_semaphore, #tpu.memory_space<semaphore_mem>>
        tpu.enqueue_indirect_dma source(%dma_start3A_145 : memref<10112x64xf32, #tpu.memory_space<vmem_shared>>) target(%arg11 : memref<128x64xf32, #tpu.memory_space<vmem>>) offsets(%dma_start3A_142 : memref<128xi32, #tpu.memory_space<vmem>>) semaphore(%dma_start3A_147 : memref<!tpu.dma_semaphore, #tpu.memory_space<semaphore_mem>>)
      } else {
      }
      %sub3A_133 = arith.constant 1 : i32
      %sub3A_134 = arith.subi %add3A_122, %sub3A_133 : i32
      %ge3A_135 = arith.constant 0 : i32
      %ge3A_136 = arith.cmpi sge, %sub3A_134, %ge3A_135 : i32
      %convert_element_type3A_137 = arith.extui %ge3A_136 : i1 to i32
      %cond3A_138 = arith.constant 0 : i32
      %cond3A_139 = arith.cmpi ne, %convert_element_type3A_137, %cond3A_138 : i32
      scf.if %cond3A_139 {
        %dma_wait3A_140 = arith.constant 1 : i32
        %dma_wait3A_141 = arith.constant 0 : i32
        %dma_wait3A_142 = tpu.memref_slice %arg7[%sub3A_134, %dma_wait3A_141] : memref<80x128xi32, #tpu.memory_space<vmem>> -> memref<1x128xi32, #tpu.memory_space<vmem>>
        %dma_wait3A_143 = tpu.memref_squeeze %dma_wait3A_142 : memref<1x128xi32, #tpu.memory_space<vmem>> -> memref<128xi32, #tpu.memory_space<vmem>>
        %dma_wait3A_144 = arith.constant 0 : i32
        %dma_wait3A_145 = arith.constant 0 : i32
        %dma_wait3A_146 = tpu.memref_slice %arg12[%dma_wait3A_144, %dma_wait3A_145] : memref<10112x64xf32, #tpu.memory_space<vmem_shared>> -> memref<10112x64xf32, #tpu.memory_space<vmem_shared>>
        %dma_wait3A_147 = tpu.memref_slice %arg14[%dma_wait3A_140] : memref<3x!tpu.dma_semaphore, #tpu.memory_space<semaphore_mem>> -> memref<1x!tpu.dma_semaphore, #tpu.memory_space<semaphore_mem>>
        %dma_wait3A_148 = tpu.memref_squeeze %dma_wait3A_147 : memref<1x!tpu.dma_semaphore, #tpu.memory_space<semaphore_mem>> -> memref<!tpu.dma_semaphore, #tpu.memory_space<semaphore_mem>>
        tpu.wait_indirect_dma semaphore(%dma_wait3A_148 : memref<!tpu.dma_semaphore, #tpu.memory_space<semaphore_mem>>) src(%dma_wait3A_146 : memref<10112x64xf32, #tpu.memory_space<vmem_shared>>) dst(%arg10 : memref<128x64xf32, #tpu.memory_space<vmem>>)
        %dma_start3A = arith.constant 1 : i32
        %dma_start3A_149 = arith.constant 0 : i32
        %dma_start3A_150 = tpu.memref_slice %arg8[%sub3A_134, %dma_start3A_149] : memref<80x128xi32, #tpu.memory_space<vmem>> -> memref<1x128xi32, #tpu.memory_space<vmem>>
        %dma_start3A_151 = tpu.memref_squeeze %dma_start3A_150 : memref<1x128xi32, #tpu.memory_space<vmem>> -> memref<128xi32, #tpu.memory_space<vmem>>
        %dma_start3A_152 = arith.constant 0 : i32
        %dma_start3A_153 = arith.constant 0 : i32
        %dma_start3A_154 = tpu.memref_slice %arg13[%dma_start3A_152, %dma_start3A_153] : memref<10112x64xf32, #tpu.memory_space<vmem_shared>> -> memref<10112x64xf32, #tpu.memory_space<vmem_shared>>
        %dma_start3A_155 = tpu.memref_slice %arg15[%dma_start3A] : memref<3x!tpu.dma_semaphore, #tpu.memory_space<semaphore_mem>> -> memref<1x!tpu.dma_semaphore, #tpu.memory_space<semaphore_mem>>
        %dma_start3A_156 = tpu.memref_squeeze %dma_start3A_155 : memref<1x!tpu.dma_semaphore, #tpu.memory_space<semaphore_mem>> -> memref<!tpu.dma_semaphore, #tpu.memory_space<semaphore_mem>>
        tpu.enqueue_indirect_dma source(%arg10 : memref<128x64xf32, #tpu.memory_space<vmem>>) target(%dma_start3A_154 : memref<10112x64xf32, #tpu.memory_space<vmem_shared>>) offsets(%dma_start3A_151 : memref<128xi32, #tpu.memory_space<vmem>>) semaphore(%dma_start3A_156 : memref<!tpu.dma_semaphore, #tpu.memory_space<semaphore_mem>>) {add = true}
      } else {
      }
    }
    %scan3A_17 = arith.constant 27 : i32
    %dma_wait3A = arith.constant 0 : i32
    %dma_wait3A_18 = arith.constant 0 : i32
    %dma_wait3A_19 = arith.constant 0 : i32
    %dma_wait3A_20 = tpu.memref_slice %arg8[%dma_wait3A, %dma_wait3A_19] : memref<80x128xi32, #tpu.memory_space<vmem>> -> memref<1x128xi32, #tpu.memory_space<vmem>>
    %dma_wait3A_21 = tpu.memref_squeeze %dma_wait3A_20 : memref<1x128xi32, #tpu.memory_space<vmem>> -> memref<128xi32, #tpu.memory_space<vmem>>
    %dma_wait3A_22 = arith.constant 0 : i32
    %dma_wait3A_23 = arith.constant 0 : i32
    %dma_wait3A_24 = tpu.memref_slice %arg13[%dma_wait3A_22, %dma_wait3A_23] : memref<10112x64xf32, #tpu.memory_space<vmem_shared>> -> memref<10112x64xf32, #tpu.memory_space<vmem_shared>>
    %dma_wait3A_25 = tpu.memref_slice %arg15[%dma_wait3A_18] : memref<3x!tpu.dma_semaphore, #tpu.memory_space<semaphore_mem>> -> memref<1x!tpu.dma_semaphore, #tpu.memory_space<semaphore_mem>>
    %dma_wait3A_26 = tpu.memref_squeeze %dma_wait3A_25 : memref<1x!tpu.dma_semaphore, #tpu.memory_space<semaphore_mem>> -> memref<!tpu.dma_semaphore, #tpu.memory_space<semaphore_mem>>
    tpu.wait_indirect_dma semaphore(%dma_wait3A_26 : memref<!tpu.dma_semaphore, #tpu.memory_space<semaphore_mem>>) src(%arg9 : memref<128x64xf32, #tpu.memory_space<vmem>>) dst(%dma_wait3A_24 : memref<10112x64xf32, #tpu.memory_space<vmem_shared>>)
    %dma_wait3A_27 = arith.constant 0 : i32
    %dma_wait3A_28 = arith.constant 1 : i32
    %dma_wait3A_29 = arith.constant 0 : i32
    %dma_wait3A_30 = tpu.memref_slice %arg8[%dma_wait3A_27, %dma_wait3A_29] : memref<80x128xi32, #tpu.memory_space<vmem>> -> memref<1x128xi32, #tpu.memory_space<vmem>>
    %dma_wait3A_31 = tpu.memref_squeeze %dma_wait3A_30 : memref<1x128xi32, #tpu.memory_space<vmem>> -> memref<128xi32, #tpu.memory_space<vmem>>
    %dma_wait3A_32 = arith.constant 0 : i32
    %dma_wait3A_33 = arith.constant 0 : i32
    %dma_wait3A_34 = tpu.memref_slice %arg13[%dma_wait3A_32, %dma_wait3A_33] : memref<10112x64xf32, #tpu.memory_space<vmem_shared>> -> memref<10112x64xf32, #tpu.memory_space<vmem_shared>>
    %dma_wait3A_35 = tpu.memref_slice %arg15[%dma_wait3A_28] : memref<3x!tpu.dma_semaphore, #tpu.memory_space<semaphore_mem>> -> memref<1x!tpu.dma_semaphore, #tpu.memory_space<semaphore_mem>>
    %dma_wait3A_36 = tpu.memref_squeeze %dma_wait3A_35 : memref<1x!tpu.dma_semaphore, #tpu.memory_space<semaphore_mem>> -> memref<!tpu.dma_semaphore, #tpu.memory_space<semaphore_mem>>
    tpu.wait_indirect_dma semaphore(%dma_wait3A_36 : memref<!tpu.dma_semaphore, #tpu.memory_space<semaphore_mem>>) src(%arg10 : memref<128x64xf32, #tpu.memory_space<vmem>>) dst(%dma_wait3A_34 : memref<10112x64xf32, #tpu.memory_space<vmem_shared>>)
    %barrier3A_37 = arith.constant 0 : index
    tpu.barrier barrier_id(%barrier3A_37)
    %run_scoped3A = arith.constant 0 : i32
    "tpu.region"() ({
      %run_scoped3A_79 = tpu.sem_alloc : memref<!tpu.dma_semaphore, #tpu.memory_space<semaphore_mem>>
      %dma_start3A = arith.constant 0 : i32
      %dma_start3A_80 = tpu.memref_slice %arg6[%arg0, %run_scoped3A, %mul3A_2, %dma_start3A] : memref<2x2x10112x64xf32, #tpu.memory_space<hbm>> -> memref<1x1x632x64xf32, #tpu.memory_space<hbm>>
      %dma_start3A_81 = tpu.memref_squeeze %dma_start3A_80 : memref<1x1x632x64xf32, #tpu.memory_space<hbm>> -> memref<632x64xf32, #tpu.memory_space<hbm>>
      %dma_start3A_82 = arith.constant 0 : i32
      %dma_start3A_83 = tpu.memref_slice %arg13[%mul3A_2, %dma_start3A_82] : memref<10112x64xf32, #tpu.memory_space<vmem_shared>> -> memref<632x64xf32, #tpu.memory_space<vmem_shared>>
      tpu.enqueue_dma source(%dma_start3A_83 : memref<632x64xf32, #tpu.memory_space<vmem_shared>>) target(%dma_start3A_81 : memref<632x64xf32, #tpu.memory_space<hbm>>) target_semaphore(%run_scoped3A_79 : memref<!tpu.dma_semaphore, #tpu.memory_space<semaphore_mem>>)
      %dma_wait3A_84 = arith.constant 0 : i32
      %dma_wait3A_85 = tpu.memref_slice %arg6[%arg0, %run_scoped3A, %mul3A_2, %dma_wait3A_84] : memref<2x2x10112x64xf32, #tpu.memory_space<hbm>> -> memref<1x1x632x64xf32, #tpu.memory_space<hbm>>
      %dma_wait3A_86 = tpu.memref_squeeze %dma_wait3A_85 : memref<1x1x632x64xf32, #tpu.memory_space<hbm>> -> memref<632x64xf32, #tpu.memory_space<hbm>>
      %dma_wait3A_87 = arith.constant 0 : i32
      %dma_wait3A_88 = tpu.memref_slice %arg13[%mul3A_2, %dma_wait3A_87] : memref<10112x64xf32, #tpu.memory_space<vmem_shared>> -> memref<632x64xf32, #tpu.memory_space<vmem_shared>>
      tpu.wait_dma2 semaphore(%run_scoped3A_79 : memref<!tpu.dma_semaphore, #tpu.memory_space<semaphore_mem>>) src(%dma_wait3A_88 : memref<632x64xf32, #tpu.memory_space<vmem_shared>>) dst(%dma_wait3A_86 : memref<632x64xf32, #tpu.memory_space<hbm>>)
      tpu.yield
    }) : () -> ()
    %barrier3A_38 = arith.constant 0 : index
    tpu.barrier barrier_id(%barrier3A_38)
    %lt3A_39 = arith.constant 15 : i32
    %lt3A_40 = arith.cmpi slt, %arg1, %lt3A_39 : i32
    %convert_element_type3A_41 = arith.extui %lt3A_40 : i1 to i32
    %cond3A_42 = arith.constant 0 : i32
    %cond3A_43 = arith.cmpi ne, %convert_element_type3A_41, %cond3A_42 : i32
    scf.if %cond3A_43 {
      "tpu.region"() ({
        %run_scoped3A_79 = tpu.sem_alloc : memref<!tpu.dma_semaphore, #tpu.memory_space<semaphore_mem>>
        %dma_start3A = arith.constant 0 : i32
        %dma_start3A_80 = tpu.memref_slice %arg12[%mul3A_2, %dma_start3A] : memref<10112x64xf32, #tpu.memory_space<vmem_shared>> -> memref<632x64xf32, #tpu.memory_space<vmem_shared>>
        %dma_start3A_81 = arith.constant 64 : i32
        %dma_start3A_82 = tpu.memref_slice %arg2[%mul3A_2, %dma_start3A_81] : memref<10000x128xf32, #tpu.memory_space<hbm>> -> memref<632x64xf32, #tpu.memory_space<hbm>>
        tpu.enqueue_dma source(%dma_start3A_82 : memref<632x64xf32, #tpu.memory_space<hbm>>) target(%dma_start3A_80 : memref<632x64xf32, #tpu.memory_space<vmem_shared>>) target_semaphore(%run_scoped3A_79 : memref<!tpu.dma_semaphore, #tpu.memory_space<semaphore_mem>>)
        %dma_wait3A_83 = arith.constant 0 : i32
        %dma_wait3A_84 = tpu.memref_slice %arg12[%mul3A_2, %dma_wait3A_83] : memref<10112x64xf32, #tpu.memory_space<vmem_shared>> -> memref<632x64xf32, #tpu.memory_space<vmem_shared>>
        %dma_wait3A_85 = arith.constant 64 : i32
        %dma_wait3A_86 = tpu.memref_slice %arg2[%mul3A_2, %dma_wait3A_85] : memref<10000x128xf32, #tpu.memory_space<hbm>> -> memref<632x64xf32, #tpu.memory_space<hbm>>
        tpu.wait_dma2 semaphore(%run_scoped3A_79 : memref<!tpu.dma_semaphore, #tpu.memory_space<semaphore_mem>>) src(%dma_wait3A_86 : memref<632x64xf32, #tpu.memory_space<hbm>>) dst(%dma_wait3A_84 : memref<632x64xf32, #tpu.memory_space<vmem_shared>>)
        tpu.yield
      }) : () -> ()
    } else {
    }
    %eq3A_44 = arith.constant 15 : i32
    %eq3A_45 = arith.cmpi eq, %arg1, %eq3A_44 : i32
    %convert_element_type3A_46 = arith.extui %eq3A_45 : i1 to i32
    %cond3A_47 = arith.constant 0 : i32
    %cond3A_48 = arith.cmpi ne, %convert_element_type3A_46, %cond3A_47 : i32
    scf.if %cond3A_48 {
      "tpu.region"() ({
        %run_scoped3A_79 = tpu.sem_alloc : memref<!tpu.dma_semaphore, #tpu.memory_space<semaphore_mem>>
        %dma_start3A = arith.constant 9480 : i32
        %dma_start3A_80 = arith.constant 0 : i32
        %dma_start3A_81 = tpu.memref_slice %arg12[%dma_start3A, %dma_start3A_80] : memref<10112x64xf32, #tpu.memory_space<vmem_shared>> -> memref<520x64xf32, #tpu.memory_space<vmem_shared>>
        %dma_start3A_82 = arith.constant 9480 : i32
        %dma_start3A_83 = arith.constant 64 : i32
        %dma_start3A_84 = tpu.memref_slice %arg2[%dma_start3A_82, %dma_start3A_83] : memref<10000x128xf32, #tpu.memory_space<hbm>> -> memref<520x64xf32, #tpu.memory_space<hbm>>
        tpu.enqueue_dma source(%dma_start3A_84 : memref<520x64xf32, #tpu.memory_space<hbm>>) target(%dma_start3A_81 : memref<520x64xf32, #tpu.memory_space<vmem_shared>>) target_semaphore(%run_scoped3A_79 : memref<!tpu.dma_semaphore, #tpu.memory_space<semaphore_mem>>)
        %dma_wait3A_85 = arith.constant 9480 : i32
        %dma_wait3A_86 = arith.constant 0 : i32
        %dma_wait3A_87 = tpu.memref_slice %arg12[%dma_wait3A_85, %dma_wait3A_86] : memref<10112x64xf32, #tpu.memory_space<vmem_shared>> -> memref<520x64xf32, #tpu.memory_space<vmem_shared>>
        %dma_wait3A_88 = arith.constant 9480 : i32
        %dma_wait3A_89 = arith.constant 64 : i32
        %dma_wait3A_90 = tpu.memref_slice %arg2[%dma_wait3A_88, %dma_wait3A_89] : memref<10000x128xf32, #tpu.memory_space<hbm>> -> memref<520x64xf32, #tpu.memory_space<hbm>>
        tpu.wait_dma2 semaphore(%run_scoped3A_79 : memref<!tpu.dma_semaphore, #tpu.memory_space<semaphore_mem>>) src(%dma_wait3A_90 : memref<520x64xf32, #tpu.memory_space<hbm>>) dst(%dma_wait3A_87 : memref<520x64xf32, #tpu.memory_space<vmem_shared>>)
        tpu.yield
      }) : () -> ()
    } else {
    }
    "tpu.region"() ({
      %run_scoped3A_79 = tpu.sem_alloc : memref<!tpu.dma_semaphore, #tpu.memory_space<semaphore_mem>>
      %dma_start3A = arith.constant 0 : i32
      %dma_start3A_80 = tpu.memref_slice %arg13[%mul3A_2, %dma_start3A] : memref<10112x64xf32, #tpu.memory_space<vmem_shared>> -> memref<632x64xf32, #tpu.memory_space<vmem_shared>>
      tpu.enqueue_dma source(%arg5 : memref<632x64xf32, #tpu.memory_space<hbm>>) target(%dma_start3A_80 : memref<632x64xf32, #tpu.memory_space<vmem_shared>>) target_semaphore(%run_scoped3A_79 : memref<!tpu.dma_semaphore, #tpu.memory_space<semaphore_mem>>)
      %dma_wait3A_81 = arith.constant 0 : i32
      %dma_wait3A_82 = tpu.memref_slice %arg13[%mul3A_2, %dma_wait3A_81] : memref<10112x64xf32, #tpu.memory_space<vmem_shared>> -> memref<632x64xf32, #tpu.memory_space<vmem_shared>>
      tpu.wait_dma2 semaphore(%run_scoped3A_79 : memref<!tpu.dma_semaphore, #tpu.memory_space<semaphore_mem>>) src(%arg5 : memref<632x64xf32, #tpu.memory_space<hbm>>) dst(%dma_wait3A_82 : memref<632x64xf32, #tpu.memory_space<vmem_shared>>)
      tpu.yield
    }) : () -> ()
    %barrier3A_49 = arith.constant 0 : index
    tpu.barrier barrier_id(%barrier3A_49)
    %scan3A_50 = arith.constant 0 : i32
    %scan3A_51 = arith.constant 0 : i32
    %scan3A_52 = arith.constant 27 : i32
    %scan3A_53 = arith.addi %scan3A_51, %scan3A_52 : i32
    %scan3A_54 = arith.constant 1 : i32
    scf.for %scan3A_79 = %scan3A_51 to %scan3A_53 step %scan3A_54  : i32 {
      %mul3A_80 = arith.constant 3 : i32
      %mul3A_81 = arith.muli %scan3A_79, %mul3A_80 : i32
      %add3A_82 = arith.constant 0 : i32
      %add3A_83 = arith.addi %mul3A_81, %add3A_82 : i32
      %gt3A = arith.constant 0 : i32
      %gt3A_84 = arith.cmpi sgt, %scan3A_79, %gt3A : i32
      %convert_element_type3A_85 = arith.extui %gt3A_84 : i1 to i32
      %cond3A_86 = arith.constant 0 : i32
      %cond3A_87 = arith.cmpi ne, %convert_element_type3A_85, %cond3A_86 : i32
      scf.if %cond3A_87 {
        %dma_wait3A_140 = arith.constant 0 : i32
        %dma_wait3A_141 = arith.constant 0 : i32
        %dma_wait3A_142 = arith.constant 0 : i32
        %dma_wait3A_143 = tpu.memref_slice %arg8[%dma_wait3A_140, %dma_wait3A_142] : memref<80x128xi32, #tpu.memory_space<vmem>> -> memref<1x128xi32, #tpu.memory_space<vmem>>
        %dma_wait3A_144 = tpu.memref_squeeze %dma_wait3A_143 : memref<1x128xi32, #tpu.memory_space<vmem>> -> memref<128xi32, #tpu.memory_space<vmem>>
        %dma_wait3A_145 = arith.constant 0 : i32
        %dma_wait3A_146 = arith.constant 0 : i32
        %dma_wait3A_147 = tpu.memref_slice %arg13[%dma_wait3A_145, %dma_wait3A_146] : memref<10112x64xf32, #tpu.memory_space<vmem_shared>> -> memref<10112x64xf32, #tpu.memory_space<vmem_shared>>
        %dma_wait3A_148 = tpu.memref_slice %arg15[%dma_wait3A_141] : memref<3x!tpu.dma_semaphore, #tpu.memory_space<semaphore_mem>> -> memref<1x!tpu.dma_semaphore, #tpu.memory_space<semaphore_mem>>
        %dma_wait3A_149 = tpu.memref_squeeze %dma_wait3A_148 : memref<1x!tpu.dma_semaphore, #tpu.memory_space<semaphore_mem>> -> memref<!tpu.dma_semaphore, #tpu.memory_space<semaphore_mem>>
        tpu.wait_indirect_dma semaphore(%dma_wait3A_149 : memref<!tpu.dma_semaphore, #tpu.memory_space<semaphore_mem>>) src(%arg9 : memref<128x64xf32, #tpu.memory_space<vmem>>) dst(%dma_wait3A_147 : memref<10112x64xf32, #tpu.memory_space<vmem_shared>>)
      } else {
      }
      %lt3A_88 = arith.constant 80 : i32
      %lt3A_89 = arith.cmpi slt, %add3A_83, %lt3A_88 : i32
      %convert_element_type3A_90 = arith.extui %lt3A_89 : i1 to i32
      %cond3A_91 = arith.constant 0 : i32
      %cond3A_92 = arith.cmpi ne, %convert_element_type3A_90, %cond3A_91 : i32
      scf.if %cond3A_92 {
        %dma_start3A = arith.constant 0 : i32
        %dma_start3A_140 = arith.constant 0 : i32
        %dma_start3A_141 = tpu.memref_slice %arg7[%add3A_83, %dma_start3A_140] : memref<80x128xi32, #tpu.memory_space<vmem>> -> memref<1x128xi32, #tpu.memory_space<vmem>>
        %dma_start3A_142 = tpu.memref_squeeze %dma_start3A_141 : memref<1x128xi32, #tpu.memory_space<vmem>> -> memref<128xi32, #tpu.memory_space<vmem>>
        %dma_start3A_143 = arith.constant 0 : i32
        %dma_start3A_144 = arith.constant 0 : i32
        %dma_start3A_145 = tpu.memref_slice %arg12[%dma_start3A_143, %dma_start3A_144] : memref<10112x64xf32, #tpu.memory_space<vmem_shared>> -> memref<10112x64xf32, #tpu.memory_space<vmem_shared>>
        %dma_start3A_146 = tpu.memref_slice %arg14[%dma_start3A] : memref<3x!tpu.dma_semaphore, #tpu.memory_space<semaphore_mem>> -> memref<1x!tpu.dma_semaphore, #tpu.memory_space<semaphore_mem>>
        %dma_start3A_147 = tpu.memref_squeeze %dma_start3A_146 : memref<1x!tpu.dma_semaphore, #tpu.memory_space<semaphore_mem>> -> memref<!tpu.dma_semaphore, #tpu.memory_space<semaphore_mem>>
        tpu.enqueue_indirect_dma source(%dma_start3A_145 : memref<10112x64xf32, #tpu.memory_space<vmem_shared>>) target(%arg9 : memref<128x64xf32, #tpu.memory_space<vmem>>) offsets(%dma_start3A_142 : memref<128xi32, #tpu.memory_space<vmem>>) semaphore(%dma_start3A_147 : memref<!tpu.dma_semaphore, #tpu.memory_space<semaphore_mem>>)
      } else {
      }
      %sub3A = arith.constant 1 : i32
      %sub3A_93 = arith.subi %add3A_83, %sub3A : i32
      %ge3A = arith.constant 0 : i32
      %ge3A_94 = arith.cmpi sge, %sub3A_93, %ge3A : i32
      %convert_element_type3A_95 = arith.extui %ge3A_94 : i1 to i32
      %cond3A_96 = arith.constant 0 : i32
      %cond3A_97 = arith.cmpi ne, %convert_element_type3A_95, %cond3A_96 : i32
      scf.if %cond3A_97 {
        %dma_wait3A_140 = arith.constant 2 : i32
        %dma_wait3A_141 = arith.constant 0 : i32
        %dma_wait3A_142 = tpu.memref_slice %arg7[%sub3A_93, %dma_wait3A_141] : memref<80x128xi32, #tpu.memory_space<vmem>> -> memref<1x128xi32, #tpu.memory_space<vmem>>
        %dma_wait3A_143 = tpu.memref_squeeze %dma_wait3A_142 : memref<1x128xi32, #tpu.memory_space<vmem>> -> memref<128xi32, #tpu.memory_space<vmem>>
        %dma_wait3A_144 = arith.constant 0 : i32
        %dma_wait3A_145 = arith.constant 0 : i32
        %dma_wait3A_146 = tpu.memref_slice %arg12[%dma_wait3A_144, %dma_wait3A_145] : memref<10112x64xf32, #tpu.memory_space<vmem_shared>> -> memref<10112x64xf32, #tpu.memory_space<vmem_shared>>
        %dma_wait3A_147 = tpu.memref_slice %arg14[%dma_wait3A_140] : memref<3x!tpu.dma_semaphore, #tpu.memory_space<semaphore_mem>> -> memref<1x!tpu.dma_semaphore, #tpu.memory_space<semaphore_mem>>
        %dma_wait3A_148 = tpu.memref_squeeze %dma_wait3A_147 : memref<1x!tpu.dma_semaphore, #tpu.memory_space<semaphore_mem>> -> memref<!tpu.dma_semaphore, #tpu.memory_space<semaphore_mem>>
        tpu.wait_indirect_dma semaphore(%dma_wait3A_148 : memref<!tpu.dma_semaphore, #tpu.memory_space<semaphore_mem>>) src(%dma_wait3A_146 : memref<10112x64xf32, #tpu.memory_space<vmem_shared>>) dst(%arg11 : memref<128x64xf32, #tpu.memory_space<vmem>>)
        %dma_start3A = arith.constant 2 : i32
        %dma_start3A_149 = arith.constant 0 : i32
        %dma_start3A_150 = tpu.memref_slice %arg8[%sub3A_93, %dma_start3A_149] : memref<80x128xi32, #tpu.memory_space<vmem>> -> memref<1x128xi32, #tpu.memory_space<vmem>>
        %dma_start3A_151 = tpu.memref_squeeze %dma_start3A_150 : memref<1x128xi32, #tpu.memory_space<vmem>> -> memref<128xi32, #tpu.memory_space<vmem>>
        %dma_start3A_152 = arith.constant 0 : i32
        %dma_start3A_153 = arith.constant 0 : i32
        %dma_start3A_154 = tpu.memref_slice %arg13[%dma_start3A_152, %dma_start3A_153] : memref<10112x64xf32, #tpu.memory_space<vmem_shared>> -> memref<10112x64xf32, #tpu.memory_space<vmem_shared>>
        %dma_start3A_155 = tpu.memref_slice %arg15[%dma_start3A] : memref<3x!tpu.dma_semaphore, #tpu.memory_space<semaphore_mem>> -> memref<1x!tpu.dma_semaphore, #tpu.memory_space<semaphore_mem>>
        %dma_start3A_156 = tpu.memref_squeeze %dma_start3A_155 : memref<1x!tpu.dma_semaphore, #tpu.memory_space<semaphore_mem>> -> memref<!tpu.dma_semaphore, #tpu.memory_space<semaphore_mem>>
        tpu.enqueue_indirect_dma source(%arg11 : memref<128x64xf32, #tpu.memory_space<vmem>>) target(%dma_start3A_154 : memref<10112x64xf32, #tpu.memory_space<vmem_shared>>) offsets(%dma_start3A_151 : memref<128xi32, #tpu.memory_space<vmem>>) semaphore(%dma_start3A_156 : memref<!tpu.dma_semaphore, #tpu.memory_space<semaphore_mem>>) {add = true}
      } else {
      }
      %mul3A_98 = arith.constant 3 : i32
      %mul3A_99 = arith.muli %scan3A_79, %mul3A_98 : i32
      %add3A_100 = arith.constant 1 : i32
      %add3A_101 = arith.addi %mul3A_99, %add3A_100 : i32
      %gt3A_102 = arith.constant 0 : i32
      %gt3A_103 = arith.cmpi sgt, %scan3A_79, %gt3A_102 : i32
      %convert_element_type3A_104 = arith.extui %gt3A_103 : i1 to i32
      %cond3A_105 = arith.constant 0 : i32
      %cond3A_106 = arith.cmpi ne, %convert_element_type3A_104, %cond3A_105 : i32
      scf.if %cond3A_106 {
        %dma_wait3A_140 = arith.constant 0 : i32
        %dma_wait3A_141 = arith.constant 1 : i32
        %dma_wait3A_142 = arith.constant 0 : i32
        %dma_wait3A_143 = tpu.memref_slice %arg8[%dma_wait3A_140, %dma_wait3A_142] : memref<80x128xi32, #tpu.memory_space<vmem>> -> memref<1x128xi32, #tpu.memory_space<vmem>>
        %dma_wait3A_144 = tpu.memref_squeeze %dma_wait3A_143 : memref<1x128xi32, #tpu.memory_space<vmem>> -> memref<128xi32, #tpu.memory_space<vmem>>
        %dma_wait3A_145 = arith.constant 0 : i32
        %dma_wait3A_146 = arith.constant 0 : i32
        %dma_wait3A_147 = tpu.memref_slice %arg13[%dma_wait3A_145, %dma_wait3A_146] : memref<10112x64xf32, #tpu.memory_space<vmem_shared>> -> memref<10112x64xf32, #tpu.memory_space<vmem_shared>>
        %dma_wait3A_148 = tpu.memref_slice %arg15[%dma_wait3A_141] : memref<3x!tpu.dma_semaphore, #tpu.memory_space<semaphore_mem>> -> memref<1x!tpu.dma_semaphore, #tpu.memory_space<semaphore_mem>>
        %dma_wait3A_149 = tpu.memref_squeeze %dma_wait3A_148 : memref<1x!tpu.dma_semaphore, #tpu.memory_space<semaphore_mem>> -> memref<!tpu.dma_semaphore, #tpu.memory_space<semaphore_mem>>
        tpu.wait_indirect_dma semaphore(%dma_wait3A_149 : memref<!tpu.dma_semaphore, #tpu.memory_space<semaphore_mem>>) src(%arg10 : memref<128x64xf32, #tpu.memory_space<vmem>>) dst(%dma_wait3A_147 : memref<10112x64xf32, #tpu.memory_space<vmem_shared>>)
      } else {
      }
      %lt3A_107 = arith.constant 80 : i32
      %lt3A_108 = arith.cmpi slt, %add3A_101, %lt3A_107 : i32
      %convert_element_type3A_109 = arith.extui %lt3A_108 : i1 to i32
      %cond3A_110 = arith.constant 0 : i32
      %cond3A_111 = arith.cmpi ne, %convert_element_type3A_109, %cond3A_110 : i32
      scf.if %cond3A_111 {
        %dma_start3A = arith.constant 1 : i32
        %dma_start3A_140 = arith.constant 0 : i32
        %dma_start3A_141 = tpu.memref_slice %arg7[%add3A_101, %dma_start3A_140] : memref<80x128xi32, #tpu.memory_space<vmem>> -> memref<1x128xi32, #tpu.memory_space<vmem>>
        %dma_start3A_142 = tpu.memref_squeeze %dma_start3A_141 : memref<1x128xi32, #tpu.memory_space<vmem>> -> memref<128xi32, #tpu.memory_space<vmem>>
        %dma_start3A_143 = arith.constant 0 : i32
        %dma_start3A_144 = arith.constant 0 : i32
        %dma_start3A_145 = tpu.memref_slice %arg12[%dma_start3A_143, %dma_start3A_144] : memref<10112x64xf32, #tpu.memory_space<vmem_shared>> -> memref<10112x64xf32, #tpu.memory_space<vmem_shared>>
        %dma_start3A_146 = tpu.memref_slice %arg14[%dma_start3A] : memref<3x!tpu.dma_semaphore, #tpu.memory_space<semaphore_mem>> -> memref<1x!tpu.dma_semaphore, #tpu.memory_space<semaphore_mem>>
        %dma_start3A_147 = tpu.memref_squeeze %dma_start3A_146 : memref<1x!tpu.dma_semaphore, #tpu.memory_space<semaphore_mem>> -> memref<!tpu.dma_semaphore, #tpu.memory_space<semaphore_mem>>
        tpu.enqueue_indirect_dma source(%dma_start3A_145 : memref<10112x64xf32, #tpu.memory_space<vmem_shared>>) target(%arg10 : memref<128x64xf32, #tpu.memory_space<vmem>>) offsets(%dma_start3A_142 : memref<128xi32, #tpu.memory_space<vmem>>) semaphore(%dma_start3A_147 : memref<!tpu.dma_semaphore, #tpu.memory_space<semaphore_mem>>)
      } else {
      }
      %sub3A_112 = arith.constant 1 : i32
      %sub3A_113 = arith.subi %add3A_101, %sub3A_112 : i32
      %ge3A_114 = arith.constant 0 : i32
      %ge3A_115 = arith.cmpi sge, %sub3A_113, %ge3A_114 : i32
      %convert_element_type3A_116 = arith.extui %ge3A_115 : i1 to i32
      %cond3A_117 = arith.constant 0 : i32
      %cond3A_118 = arith.cmpi ne, %convert_element_type3A_116, %cond3A_117 : i32
      scf.if %cond3A_118 {
        %dma_wait3A_140 = arith.constant 0 : i32
        %dma_wait3A_141 = arith.constant 0 : i32
        %dma_wait3A_142 = tpu.memref_slice %arg7[%sub3A_113, %dma_wait3A_141] : memref<80x128xi32, #tpu.memory_space<vmem>> -> memref<1x128xi32, #tpu.memory_space<vmem>>
        %dma_wait3A_143 = tpu.memref_squeeze %dma_wait3A_142 : memref<1x128xi32, #tpu.memory_space<vmem>> -> memref<128xi32, #tpu.memory_space<vmem>>
        %dma_wait3A_144 = arith.constant 0 : i32
        %dma_wait3A_145 = arith.constant 0 : i32
        %dma_wait3A_146 = tpu.memref_slice %arg12[%dma_wait3A_144, %dma_wait3A_145] : memref<10112x64xf32, #tpu.memory_space<vmem_shared>> -> memref<10112x64xf32, #tpu.memory_space<vmem_shared>>
        %dma_wait3A_147 = tpu.memref_slice %arg14[%dma_wait3A_140] : memref<3x!tpu.dma_semaphore, #tpu.memory_space<semaphore_mem>> -> memref<1x!tpu.dma_semaphore, #tpu.memory_space<semaphore_mem>>
        %dma_wait3A_148 = tpu.memref_squeeze %dma_wait3A_147 : memref<1x!tpu.dma_semaphore, #tpu.memory_space<semaphore_mem>> -> memref<!tpu.dma_semaphore, #tpu.memory_space<semaphore_mem>>
        tpu.wait_indirect_dma semaphore(%dma_wait3A_148 : memref<!tpu.dma_semaphore, #tpu.memory_space<semaphore_mem>>) src(%dma_wait3A_146 : memref<10112x64xf32, #tpu.memory_space<vmem_shared>>) dst(%arg9 : memref<128x64xf32, #tpu.memory_space<vmem>>)
        %dma_start3A = arith.constant 0 : i32
        %dma_start3A_149 = arith.constant 0 : i32
        %dma_start3A_150 = tpu.memref_slice %arg8[%sub3A_113, %dma_start3A_149] : memref<80x128xi32, #tpu.memory_space<vmem>> -> memref<1x128xi32, #tpu.memory_space<vmem>>
        %dma_start3A_151 = tpu.memref_squeeze %dma_start3A_150 : memref<1x128xi32, #tpu.memory_space<vmem>> -> memref<128xi32, #tpu.memory_space<vmem>>
        %dma_start3A_152 = arith.constant 0 : i32
        %dma_start3A_153 = arith.constant 0 : i32
        %dma_start3A_154 = tpu.memref_slice %arg13[%dma_start3A_152, %dma_start3A_153] : memref<10112x64xf32, #tpu.memory_space<vmem_shared>> -> memref<10112x64xf32, #tpu.memory_space<vmem_shared>>
        %dma_start3A_155 = tpu.memref_slice %arg15[%dma_start3A] : memref<3x!tpu.dma_semaphore, #tpu.memory_space<semaphore_mem>> -> memref<1x!tpu.dma_semaphore, #tpu.memory_space<semaphore_mem>>
        %dma_start3A_156 = tpu.memref_squeeze %dma_start3A_155 : memref<1x!tpu.dma_semaphore, #tpu.memory_space<semaphore_mem>> -> memref<!tpu.dma_semaphore, #tpu.memory_space<semaphore_mem>>
        tpu.enqueue_indirect_dma source(%arg9 : memref<128x64xf32, #tpu.memory_space<vmem>>) target(%dma_start3A_154 : memref<10112x64xf32, #tpu.memory_space<vmem_shared>>) offsets(%dma_start3A_151 : memref<128xi32, #tpu.memory_space<vmem>>) semaphore(%dma_start3A_156 : memref<!tpu.dma_semaphore, #tpu.memory_space<semaphore_mem>>) {add = true}
      } else {
      }
      %mul3A_119 = arith.constant 3 : i32
      %mul3A_120 = arith.muli %scan3A_79, %mul3A_119 : i32
      %add3A_121 = arith.constant 2 : i32
      %add3A_122 = arith.addi %mul3A_120, %add3A_121 : i32
      %gt3A_123 = arith.constant 0 : i32
      %gt3A_124 = arith.cmpi sgt, %scan3A_79, %gt3A_123 : i32
      %convert_element_type3A_125 = arith.extui %gt3A_124 : i1 to i32
      %cond3A_126 = arith.constant 0 : i32
      %cond3A_127 = arith.cmpi ne, %convert_element_type3A_125, %cond3A_126 : i32
      scf.if %cond3A_127 {
        %dma_wait3A_140 = arith.constant 0 : i32
        %dma_wait3A_141 = arith.constant 2 : i32
        %dma_wait3A_142 = arith.constant 0 : i32
        %dma_wait3A_143 = tpu.memref_slice %arg8[%dma_wait3A_140, %dma_wait3A_142] : memref<80x128xi32, #tpu.memory_space<vmem>> -> memref<1x128xi32, #tpu.memory_space<vmem>>
        %dma_wait3A_144 = tpu.memref_squeeze %dma_wait3A_143 : memref<1x128xi32, #tpu.memory_space<vmem>> -> memref<128xi32, #tpu.memory_space<vmem>>
        %dma_wait3A_145 = arith.constant 0 : i32
        %dma_wait3A_146 = arith.constant 0 : i32
        %dma_wait3A_147 = tpu.memref_slice %arg13[%dma_wait3A_145, %dma_wait3A_146] : memref<10112x64xf32, #tpu.memory_space<vmem_shared>> -> memref<10112x64xf32, #tpu.memory_space<vmem_shared>>
        %dma_wait3A_148 = tpu.memref_slice %arg15[%dma_wait3A_141] : memref<3x!tpu.dma_semaphore, #tpu.memory_space<semaphore_mem>> -> memref<1x!tpu.dma_semaphore, #tpu.memory_space<semaphore_mem>>
        %dma_wait3A_149 = tpu.memref_squeeze %dma_wait3A_148 : memref<1x!tpu.dma_semaphore, #tpu.memory_space<semaphore_mem>> -> memref<!tpu.dma_semaphore, #tpu.memory_space<semaphore_mem>>
        tpu.wait_indirect_dma semaphore(%dma_wait3A_149 : memref<!tpu.dma_semaphore, #tpu.memory_space<semaphore_mem>>) src(%arg11 : memref<128x64xf32, #tpu.memory_space<vmem>>) dst(%dma_wait3A_147 : memref<10112x64xf32, #tpu.memory_space<vmem_shared>>)
      } else {
      }
      %lt3A_128 = arith.constant 80 : i32
      %lt3A_129 = arith.cmpi slt, %add3A_122, %lt3A_128 : i32
      %convert_element_type3A_130 = arith.extui %lt3A_129 : i1 to i32
      %cond3A_131 = arith.constant 0 : i32
      %cond3A_132 = arith.cmpi ne, %convert_element_type3A_130, %cond3A_131 : i32
      scf.if %cond3A_132 {
        %dma_start3A = arith.constant 2 : i32
        %dma_start3A_140 = arith.constant 0 : i32
        %dma_start3A_141 = tpu.memref_slice %arg7[%add3A_122, %dma_start3A_140] : memref<80x128xi32, #tpu.memory_space<vmem>> -> memref<1x128xi32, #tpu.memory_space<vmem>>
        %dma_start3A_142 = tpu.memref_squeeze %dma_start3A_141 : memref<1x128xi32, #tpu.memory_space<vmem>> -> memref<128xi32, #tpu.memory_space<vmem>>
        %dma_start3A_143 = arith.constant 0 : i32
        %dma_start3A_144 = arith.constant 0 : i32
        %dma_start3A_145 = tpu.memref_slice %arg12[%dma_start3A_143, %dma_start3A_144] : memref<10112x64xf32, #tpu.memory_space<vmem_shared>> -> memref<10112x64xf32, #tpu.memory_space<vmem_shared>>
        %dma_start3A_146 = tpu.memref_slice %arg14[%dma_start3A] : memref<3x!tpu.dma_semaphore, #tpu.memory_space<semaphore_mem>> -> memref<1x!tpu.dma_semaphore, #tpu.memory_space<semaphore_mem>>
        %dma_start3A_147 = tpu.memref_squeeze %dma_start3A_146 : memref<1x!tpu.dma_semaphore, #tpu.memory_space<semaphore_mem>> -> memref<!tpu.dma_semaphore, #tpu.memory_space<semaphore_mem>>
        tpu.enqueue_indirect_dma source(%dma_start3A_145 : memref<10112x64xf32, #tpu.memory_space<vmem_shared>>) target(%arg11 : memref<128x64xf32, #tpu.memory_space<vmem>>) offsets(%dma_start3A_142 : memref<128xi32, #tpu.memory_space<vmem>>) semaphore(%dma_start3A_147 : memref<!tpu.dma_semaphore, #tpu.memory_space<semaphore_mem>>)
      } else {
      }
      %sub3A_133 = arith.constant 1 : i32
      %sub3A_134 = arith.subi %add3A_122, %sub3A_133 : i32
      %ge3A_135 = arith.constant 0 : i32
      %ge3A_136 = arith.cmpi sge, %sub3A_134, %ge3A_135 : i32
      %convert_element_type3A_137 = arith.extui %ge3A_136 : i1 to i32
      %cond3A_138 = arith.constant 0 : i32
      %cond3A_139 = arith.cmpi ne, %convert_element_type3A_137, %cond3A_138 : i32
      scf.if %cond3A_139 {
        %dma_wait3A_140 = arith.constant 1 : i32
        %dma_wait3A_141 = arith.constant 0 : i32
        %dma_wait3A_142 = tpu.memref_slice %arg7[%sub3A_134, %dma_wait3A_141] : memref<80x128xi32, #tpu.memory_space<vmem>> -> memref<1x128xi32, #tpu.memory_space<vmem>>
        %dma_wait3A_143 = tpu.memref_squeeze %dma_wait3A_142 : memref<1x128xi32, #tpu.memory_space<vmem>> -> memref<128xi32, #tpu.memory_space<vmem>>
        %dma_wait3A_144 = arith.constant 0 : i32
        %dma_wait3A_145 = arith.constant 0 : i32
        %dma_wait3A_146 = tpu.memref_slice %arg12[%dma_wait3A_144, %dma_wait3A_145] : memref<10112x64xf32, #tpu.memory_space<vmem_shared>> -> memref<10112x64xf32, #tpu.memory_space<vmem_shared>>
        %dma_wait3A_147 = tpu.memref_slice %arg14[%dma_wait3A_140] : memref<3x!tpu.dma_semaphore, #tpu.memory_space<semaphore_mem>> -> memref<1x!tpu.dma_semaphore, #tpu.memory_space<semaphore_mem>>
        %dma_wait3A_148 = tpu.memref_squeeze %dma_wait3A_147 : memref<1x!tpu.dma_semaphore, #tpu.memory_space<semaphore_mem>> -> memref<!tpu.dma_semaphore, #tpu.memory_space<semaphore_mem>>
        tpu.wait_indirect_dma semaphore(%dma_wait3A_148 : memref<!tpu.dma_semaphore, #tpu.memory_space<semaphore_mem>>) src(%dma_wait3A_146 : memref<10112x64xf32, #tpu.memory_space<vmem_shared>>) dst(%arg10 : memref<128x64xf32, #tpu.memory_space<vmem>>)
        %dma_start3A = arith.constant 1 : i32
        %dma_start3A_149 = arith.constant 0 : i32
        %dma_start3A_150 = tpu.memref_slice %arg8[%sub3A_134, %dma_start3A_149] : memref<80x128xi32, #tpu.memory_space<vmem>> -> memref<1x128xi32, #tpu.memory_space<vmem>>
        %dma_start3A_151 = tpu.memref_squeeze %dma_start3A_150 : memref<1x128xi32, #tpu.memory_space<vmem>> -> memref<128xi32, #tpu.memory_space<vmem>>
        %dma_start3A_152 = arith.constant 0 : i32
        %dma_start3A_153 = arith.constant 0 : i32
        %dma_start3A_154 = tpu.memref_slice %arg13[%dma_start3A_152, %dma_start3A_153] : memref<10112x64xf32, #tpu.memory_space<vmem_shared>> -> memref<10112x64xf32, #tpu.memory_space<vmem_shared>>
        %dma_start3A_155 = tpu.memref_slice %arg15[%dma_start3A] : memref<3x!tpu.dma_semaphore, #tpu.memory_space<semaphore_mem>> -> memref<1x!tpu.dma_semaphore, #tpu.memory_space<semaphore_mem>>
        %dma_start3A_156 = tpu.memref_squeeze %dma_start3A_155 : memref<1x!tpu.dma_semaphore, #tpu.memory_space<semaphore_mem>> -> memref<!tpu.dma_semaphore, #tpu.memory_space<semaphore_mem>>
        tpu.enqueue_indirect_dma source(%arg10 : memref<128x64xf32, #tpu.memory_space<vmem>>) target(%dma_start3A_154 : memref<10112x64xf32, #tpu.memory_space<vmem_shared>>) offsets(%dma_start3A_151 : memref<128xi32, #tpu.memory_space<vmem>>) semaphore(%dma_start3A_156 : memref<!tpu.dma_semaphore, #tpu.memory_space<semaphore_mem>>) {add = true}
      } else {
      }
    }
    %scan3A_55 = arith.constant 27 : i32
    %dma_wait3A_56 = arith.constant 0 : i32
    %dma_wait3A_57 = arith.constant 0 : i32
    %dma_wait3A_58 = arith.constant 0 : i32
    %dma_wait3A_59 = tpu.memref_slice %arg8[%dma_wait3A_56, %dma_wait3A_58] : memref<80x128xi32, #tpu.memory_space<vmem>> -> memref<1x128xi32, #tpu.memory_space<vmem>>
    %dma_wait3A_60 = tpu.memref_squeeze %dma_wait3A_59 : memref<1x128xi32, #tpu.memory_space<vmem>> -> memref<128xi32, #tpu.memory_space<vmem>>
    %dma_wait3A_61 = arith.constant 0 : i32
    %dma_wait3A_62 = arith.constant 0 : i32
    %dma_wait3A_63 = tpu.memref_slice %arg13[%dma_wait3A_61, %dma_wait3A_62] : memref<10112x64xf32, #tpu.memory_space<vmem_shared>> -> memref<10112x64xf32, #tpu.memory_space<vmem_shared>>
    %dma_wait3A_64 = tpu.memref_slice %arg15[%dma_wait3A_57] : memref<3x!tpu.dma_semaphore, #tpu.memory_space<semaphore_mem>> -> memref<1x!tpu.dma_semaphore, #tpu.memory_space<semaphore_mem>>
    %dma_wait3A_65 = tpu.memref_squeeze %dma_wait3A_64 : memref<1x!tpu.dma_semaphore, #tpu.memory_space<semaphore_mem>> -> memref<!tpu.dma_semaphore, #tpu.memory_space<semaphore_mem>>
    tpu.wait_indirect_dma semaphore(%dma_wait3A_65 : memref<!tpu.dma_semaphore, #tpu.memory_space<semaphore_mem>>) src(%arg9 : memref<128x64xf32, #tpu.memory_space<vmem>>) dst(%dma_wait3A_63 : memref<10112x64xf32, #tpu.memory_space<vmem_shared>>)
    %dma_wait3A_66 = arith.constant 0 : i32
    %dma_wait3A_67 = arith.constant 1 : i32
    %dma_wait3A_68 = arith.constant 0 : i32
    %dma_wait3A_69 = tpu.memref_slice %arg8[%dma_wait3A_66, %dma_wait3A_68] : memref<80x128xi32, #tpu.memory_space<vmem>> -> memref<1x128xi32, #tpu.memory_space<vmem>>
    %dma_wait3A_70 = tpu.memref_squeeze %dma_wait3A_69 : memref<1x128xi32, #tpu.memory_space<vmem>> -> memref<128xi32, #tpu.memory_space<vmem>>
    %dma_wait3A_71 = arith.constant 0 : i32
    %dma_wait3A_72 = arith.constant 0 : i32
    %dma_wait3A_73 = tpu.memref_slice %arg13[%dma_wait3A_71, %dma_wait3A_72] : memref<10112x64xf32, #tpu.memory_space<vmem_shared>> -> memref<10112x64xf32, #tpu.memory_space<vmem_shared>>
    %dma_wait3A_74 = tpu.memref_slice %arg15[%dma_wait3A_67] : memref<3x!tpu.dma_semaphore, #tpu.memory_space<semaphore_mem>> -> memref<1x!tpu.dma_semaphore, #tpu.memory_space<semaphore_mem>>
    %dma_wait3A_75 = tpu.memref_squeeze %dma_wait3A_74 : memref<1x!tpu.dma_semaphore, #tpu.memory_space<semaphore_mem>> -> memref<!tpu.dma_semaphore, #tpu.memory_space<semaphore_mem>>
    tpu.wait_indirect_dma semaphore(%dma_wait3A_75 : memref<!tpu.dma_semaphore, #tpu.memory_space<semaphore_mem>>) src(%arg10 : memref<128x64xf32, #tpu.memory_space<vmem>>) dst(%dma_wait3A_73 : memref<10112x64xf32, #tpu.memory_space<vmem_shared>>)
    %barrier3A_76 = arith.constant 0 : index
    tpu.barrier barrier_id(%barrier3A_76)
    %run_scoped3A_77 = arith.constant 1 : i32
    "tpu.region"() ({
      %run_scoped3A_79 = tpu.sem_alloc : memref<!tpu.dma_semaphore, #tpu.memory_space<semaphore_mem>>
      %dma_start3A = arith.constant 0 : i32
      %dma_start3A_80 = tpu.memref_slice %arg6[%arg0, %run_scoped3A_77, %mul3A_2, %dma_start3A] : memref<2x2x10112x64xf32, #tpu.memory_space<hbm>> -> memref<1x1x632x64xf32, #tpu.memory_space<hbm>>
      %dma_start3A_81 = tpu.memref_squeeze %dma_start3A_80 : memref<1x1x632x64xf32, #tpu.memory_space<hbm>> -> memref<632x64xf32, #tpu.memory_space<hbm>>
      %dma_start3A_82 = arith.constant 0 : i32
      %dma_start3A_83 = tpu.memref_slice %arg13[%mul3A_2, %dma_start3A_82] : memref<10112x64xf32, #tpu.memory_space<vmem_shared>> -> memref<632x64xf32, #tpu.memory_space<vmem_shared>>
      tpu.enqueue_dma source(%dma_start3A_83 : memref<632x64xf32, #tpu.memory_space<vmem_shared>>) target(%dma_start3A_81 : memref<632x64xf32, #tpu.memory_space<hbm>>) target_semaphore(%run_scoped3A_79 : memref<!tpu.dma_semaphore, #tpu.memory_space<semaphore_mem>>)
      %dma_wait3A_84 = arith.constant 0 : i32
      %dma_wait3A_85 = tpu.memref_slice %arg6[%arg0, %run_scoped3A_77, %mul3A_2, %dma_wait3A_84] : memref<2x2x10112x64xf32, #tpu.memory_space<hbm>> -> memref<1x1x632x64xf32, #tpu.memory_space<hbm>>
      %dma_wait3A_86 = tpu.memref_squeeze %dma_wait3A_85 : memref<1x1x632x64xf32, #tpu.memory_space<hbm>> -> memref<632x64xf32, #tpu.memory_space<hbm>>
      %dma_wait3A_87 = arith.constant 0 : i32
      %dma_wait3A_88 = tpu.memref_slice %arg13[%mul3A_2, %dma_wait3A_87] : memref<10112x64xf32, #tpu.memory_space<vmem_shared>> -> memref<632x64xf32, #tpu.memory_space<vmem_shared>>
      tpu.wait_dma2 semaphore(%run_scoped3A_79 : memref<!tpu.dma_semaphore, #tpu.memory_space<semaphore_mem>>) src(%dma_wait3A_88 : memref<632x64xf32, #tpu.memory_space<vmem_shared>>) dst(%dma_wait3A_86 : memref<632x64xf32, #tpu.memory_space<hbm>>)
      tpu.yield
    }) : () -> ()
    %barrier3A_78 = arith.constant 0 : index
    tpu.barrier barrier_id(%barrier3A_78)
    return
  }
}

module attributes {stable_mosaic.version = 14 : i64} {
  func.func @_dense_body(%arg0: i32, %arg1: memref<2x2x2000x64xf32, #tpu.memory_space<vmem>>, %arg2: memref<2000x2xf32, #tpu.memory_space<vmem>>, %arg3: memref<2000x128xf32, #tpu.memory_space<vmem>>, %arg4: memref<128x128xf32, #tpu.memory_space<vmem>>, %arg5: memref<1x128xf32, #tpu.memory_space<vmem>>, %arg6: memref<128x128xf32, #tpu.memory_space<vmem>>, %arg7: memref<2000x128xf32, #tpu.memory_space<vmem>>) attributes {dimension_semantics = [#tpu.dimension_semantics<arbitrary>], iteration_bounds = array<i64: 5>, scalar_prefetch = 0 : i64, scratch_operands = 0 : i64, tpu.core_type = #tpu.core_type<tc>, window_params = [{transform_indices = @transform_0, window_bounds = array<i64: 2, 2, 2000, 64>}, {transform_indices = @transform_1, window_bounds = array<i64: 2000, 2>}, {transform_indices = @transform_2, window_bounds = array<i64: 2000, 128>}, {pipeline_mode = #tpu.pipeline_mode<synchronous>, transform_indices = @transform_3, window_bounds = array<i64: 128, 128>}, {pipeline_mode = #tpu.pipeline_mode<synchronous>, transform_indices = @transform_4, window_bounds = array<i64: 1, 128>}, {pipeline_mode = #tpu.pipeline_mode<synchronous>, transform_indices = @transform_5, window_bounds = array<i64: 128, 128>}, {transform_indices = @transform_6, window_bounds = array<i64: 2000, 128>}]} {
    %get3A = arith.constant 0 : index
    %get3A_0 = arith.constant 0 : index
    %get3A_1 = vector.load %arg2[%get3A, %get3A_0] : memref<2000x2xf32, #tpu.memory_space<vmem>>, vector<2000x1xf32>
    %get3A_2 = arith.constant 0 : index
    %get3A_3 = arith.constant 1 : index
    %get3A_4 = vector.load %arg2[%get3A_2, %get3A_3] : memref<2000x2xf32, #tpu.memory_space<vmem>>, vector<2000x1xf32>
    %add3A = arith.addf %get3A_1, %get3A_4 : vector<2000x1xf32>
    %max3A = arith.constant 1.000000e+00 : f32
    %max3A_5 = vector.broadcast %max3A : f32 to vector<2000x1xf32>
    %max3A_6 = arith.maximumf %add3A, %max3A_5 : vector<2000x1xf32>
    %div3A = arith.constant 1.000000e+00 : f32
    %div3A_7 = vector.broadcast %div3A : f32 to vector<2000x1xf32>
    %div3A_8 = arith.divf %div3A_7, %max3A_6 : vector<2000x1xf32>
    %get3A_9 = arith.constant 0 : index
    %get3A_10 = arith.constant 0 : index
    %get3A_11 = arith.constant 0 : index
    %get3A_12 = arith.constant 0 : index
    %get3A_13 = vector.load %arg1[%get3A_9, %get3A_10, %get3A_11, %get3A_12] : memref<2x2x2000x64xf32, #tpu.memory_space<vmem>>, vector<1x1x2000x64xf32>
    %get3A_14 = vector.shape_cast %get3A_13 : vector<1x1x2000x64xf32> to vector<2000x64xf32>
    %get3A_15 = arith.constant 1 : index
    %get3A_16 = arith.constant 0 : index
    %get3A_17 = arith.constant 0 : index
    %get3A_18 = arith.constant 0 : index
    %get3A_19 = vector.load %arg1[%get3A_15, %get3A_16, %get3A_17, %get3A_18] : memref<2x2x2000x64xf32, #tpu.memory_space<vmem>>, vector<1x1x2000x64xf32>
    %get3A_20 = vector.shape_cast %get3A_19 : vector<1x1x2000x64xf32> to vector<2000x64xf32>
    %add3A_21 = arith.addf %get3A_14, %get3A_20 : vector<2000x64xf32>
    %get3A_22 = arith.constant 0 : index
    %get3A_23 = arith.constant 1 : index
    %get3A_24 = arith.constant 0 : index
    %get3A_25 = arith.constant 0 : index
    %get3A_26 = vector.load %arg1[%get3A_22, %get3A_23, %get3A_24, %get3A_25] : memref<2x2x2000x64xf32, #tpu.memory_space<vmem>>, vector<1x1x2000x64xf32>
    %get3A_27 = vector.shape_cast %get3A_26 : vector<1x1x2000x64xf32> to vector<2000x64xf32>
    %get3A_28 = arith.constant 1 : index
    %get3A_29 = arith.constant 1 : index
    %get3A_30 = arith.constant 0 : index
    %get3A_31 = arith.constant 0 : index
    %get3A_32 = vector.load %arg1[%get3A_28, %get3A_29, %get3A_30, %get3A_31] : memref<2x2x2000x64xf32, #tpu.memory_space<vmem>>, vector<1x1x2000x64xf32>
    %get3A_33 = vector.shape_cast %get3A_32 : vector<1x1x2000x64xf32> to vector<2000x64xf32>
    %add3A_34 = arith.addf %get3A_27, %get3A_33 : vector<2000x64xf32>
    %concatenate3A = tpu.concatenate %add3A_21, %add3A_34 in 1 : vector<2000x64xf32>, vector<2000x64xf32> -> vector<2000x128xf32>
    %mul3A = vector.broadcast %div3A_8 : vector<2000x1xf32> to vector<2000x128xf32>
    %mul3A_35 = arith.mulf %concatenate3A, %mul3A : vector<2000x128xf32>
    %get3A_36 = arith.constant 0 : index
    %get3A_37 = arith.constant 0 : index
    %get3A_38 = vector.load %arg4[%get3A_36, %get3A_37] : memref<128x128xf32, #tpu.memory_space<vmem>>, vector<128x128xf32>
    %dot_general3A = arith.constant dense<0.000000e+00> : vector<2000x128xf32>
    %dot_general3A_39 = tpu.matmul %mul3A_35, %get3A_38, %dot_general3A {dimension_numbers = #tpu.dot_dimension_numbers<[1], [0], [0], [1], [0, 0, 1, 1], [], []>, transpose_lhs_hint = false} : vector<2000x128xf32>, vector<128x128xf32>, vector<2000x128xf32> -> vector<2000x128xf32>
    %get3A_40 = arith.constant 0 : index
    %get3A_41 = arith.constant 0 : index
    %get3A_42 = vector.load %arg5[%get3A_40, %get3A_41] : memref<1x128xf32, #tpu.memory_space<vmem>>, vector<1x128xf32>
    %add3A_43 = vector.broadcast %get3A_42 : vector<1x128xf32> to vector<2000x128xf32>
    %add3A_44 = arith.addf %dot_general3A_39, %add3A_43 : vector<2000x128xf32>
    %get3A_45 = arith.constant 0 : index
    %get3A_46 = arith.constant 0 : index
    %get3A_47 = vector.load %arg3[%get3A_45, %get3A_46] : memref<2000x128xf32, #tpu.memory_space<vmem>>, vector<2000x128xf32>
    %get3A_48 = arith.constant 0 : index
    %get3A_49 = arith.constant 0 : index
    %get3A_50 = vector.load %arg6[%get3A_48, %get3A_49] : memref<128x128xf32, #tpu.memory_space<vmem>>, vector<128x128xf32>
    %dot_general3A_51 = arith.constant dense<0.000000e+00> : vector<2000x128xf32>
    %dot_general3A_52 = tpu.matmul %get3A_47, %get3A_50, %dot_general3A_51 {dimension_numbers = #tpu.dot_dimension_numbers<[1], [0], [0], [1], [0, 0, 1, 1], [], []>, transpose_lhs_hint = false} : vector<2000x128xf32>, vector<128x128xf32>, vector<2000x128xf32> -> vector<2000x128xf32>
    %add3A_53 = arith.addf %add3A_44, %dot_general3A_52 : vector<2000x128xf32>
    %swap3A = arith.constant 0 : index
    %swap3A_54 = arith.constant 0 : index
    %swap3A_55 = vector.load %arg7[%swap3A, %swap3A_54] : memref<2000x128xf32, #tpu.memory_space<vmem>>, vector<2000x128xf32>
    tpu.vector_store %arg7[%swap3A, %swap3A_54], %add3A_53 {strides = array<i32>} : memref<2000x128xf32, #tpu.memory_space<vmem>>, vector<2000x128xf32>,
    return
  }
  func.func @transform_0(%arg0: i32) -> (i32, i32, i32, i32) {
    %c0_i32 = arith.constant 0 : i32
    %c0_i32_0 = arith.constant 0 : i32
    %c0_i32_1 = arith.constant 0 : i32
    %c0_i32_2 = arith.constant 0 : i32
    return %c0_i32, %c0_i32_0, %arg0, %c0_i32_1 : i32, i32, i32, i32
  }
  func.func @transform_1(%arg0: i32) -> (i32, i32) {
    %c0_i32 = arith.constant 0 : i32
    %c0_i32_0 = arith.constant 0 : i32
    return %arg0, %c0_i32 : i32, i32
  }
  func.func @transform_2(%arg0: i32) -> (i32, i32) {
    %c0_i32 = arith.constant 0 : i32
    %c0_i32_0 = arith.constant 0 : i32
    return %arg0, %c0_i32 : i32, i32
  }
  func.func @transform_3(%arg0: i32) -> (i32, i32) {
    %c0_i32 = arith.constant 0 : i32
    %c0_i32_0 = arith.constant 0 : i32
    %c0_i32_1 = arith.constant 0 : i32
    return %c0_i32, %c0_i32_0 : i32, i32
  }
  func.func @transform_4(%arg0: i32) -> (i32, i32) {
    %c0_i32 = arith.constant 0 : i32
    %c0_i32_0 = arith.constant 0 : i32
    %c0_i32_1 = arith.constant 0 : i32
    return %c0_i32, %c0_i32_0 : i32, i32
  }
  func.func @transform_5(%arg0: i32) -> (i32, i32) {
    %c0_i32 = arith.constant 0 : i32
    %c0_i32_0 = arith.constant 0 : i32
    %c0_i32_1 = arith.constant 0 : i32
    return %c0_i32, %c0_i32_0 : i32, i32
  }
  func.func @transform_6(%arg0: i32) -> (i32, i32) {
    %c0_i32 = arith.constant 0 : i32
    %c0_i32_0 = arith.constant 0 : i32
    return %arg0, %c0_i32 : i32, i32
  }
}

module attributes {stable_mosaic.version = 14 : i64} {
  func.func @_dense_body(%arg0: i32, %arg1: memref<2x2x2000x64xf32, #tpu.memory_space<vmem>>, %arg2: memref<2000x2xf32, #tpu.memory_space<vmem>>, %arg3: memref<2000x128xf32, #tpu.memory_space<vmem>>, %arg4: memref<128x128xf32, #tpu.memory_space<vmem>>, %arg5: memref<1x128xf32, #tpu.memory_space<vmem>>, %arg6: memref<128x128xf32, #tpu.memory_space<vmem>>, %arg7: memref<2000x128xf32, #tpu.memory_space<vmem>>) attributes {dimension_semantics = [#tpu.dimension_semantics<arbitrary>], iteration_bounds = array<i64: 5>, scalar_prefetch = 0 : i64, scratch_operands = 0 : i64, tpu.core_type = #tpu.core_type<tc>, window_params = [{transform_indices = @transform_0, window_bounds = array<i64: 2, 2, 2000, 64>}, {transform_indices = @transform_1, window_bounds = array<i64: 2000, 2>}, {transform_indices = @transform_2, window_bounds = array<i64: 2000, 128>}, {pipeline_mode = #tpu.pipeline_mode<synchronous>, transform_indices = @transform_3, window_bounds = array<i64: 128, 128>}, {pipeline_mode = #tpu.pipeline_mode<synchronous>, transform_indices = @transform_4, window_bounds = array<i64: 1, 128>}, {pipeline_mode = #tpu.pipeline_mode<synchronous>, transform_indices = @transform_5, window_bounds = array<i64: 128, 128>}, {transform_indices = @transform_6, window_bounds = array<i64: 2000, 128>}]} {
    %get3A = arith.constant 0 : index
    %get3A_0 = arith.constant 0 : index
    %get3A_1 = vector.load %arg2[%get3A, %get3A_0] : memref<2000x2xf32, #tpu.memory_space<vmem>>, vector<2000x1xf32>
    %get3A_2 = arith.constant 0 : index
    %get3A_3 = arith.constant 1 : index
    %get3A_4 = vector.load %arg2[%get3A_2, %get3A_3] : memref<2000x2xf32, #tpu.memory_space<vmem>>, vector<2000x1xf32>
    %add3A = arith.addf %get3A_1, %get3A_4 : vector<2000x1xf32>
    %max3A = arith.constant 1.000000e+00 : f32
    %max3A_5 = vector.broadcast %max3A : f32 to vector<2000x1xf32>
    %max3A_6 = arith.maximumf %add3A, %max3A_5 : vector<2000x1xf32>
    %div3A = arith.constant 1.000000e+00 : f32
    %div3A_7 = vector.broadcast %div3A : f32 to vector<2000x1xf32>
    %div3A_8 = arith.divf %div3A_7, %max3A_6 : vector<2000x1xf32>
    %get3A_9 = arith.constant 0 : index
    %get3A_10 = arith.constant 0 : index
    %get3A_11 = arith.constant 0 : index
    %get3A_12 = arith.constant 0 : index
    %get3A_13 = vector.load %arg1[%get3A_9, %get3A_10, %get3A_11, %get3A_12] : memref<2x2x2000x64xf32, #tpu.memory_space<vmem>>, vector<1x1x2000x64xf32>
    %get3A_14 = vector.shape_cast %get3A_13 : vector<1x1x2000x64xf32> to vector<2000x64xf32>
    %get3A_15 = arith.constant 1 : index
    %get3A_16 = arith.constant 0 : index
    %get3A_17 = arith.constant 0 : index
    %get3A_18 = arith.constant 0 : index
    %get3A_19 = vector.load %arg1[%get3A_15, %get3A_16, %get3A_17, %get3A_18] : memref<2x2x2000x64xf32, #tpu.memory_space<vmem>>, vector<1x1x2000x64xf32>
    %get3A_20 = vector.shape_cast %get3A_19 : vector<1x1x2000x64xf32> to vector<2000x64xf32>
    %add3A_21 = arith.addf %get3A_14, %get3A_20 : vector<2000x64xf32>
    %get3A_22 = arith.constant 0 : index
    %get3A_23 = arith.constant 1 : index
    %get3A_24 = arith.constant 0 : index
    %get3A_25 = arith.constant 0 : index
    %get3A_26 = vector.load %arg1[%get3A_22, %get3A_23, %get3A_24, %get3A_25] : memref<2x2x2000x64xf32, #tpu.memory_space<vmem>>, vector<1x1x2000x64xf32>
    %get3A_27 = vector.shape_cast %get3A_26 : vector<1x1x2000x64xf32> to vector<2000x64xf32>
    %get3A_28 = arith.constant 1 : index
    %get3A_29 = arith.constant 1 : index
    %get3A_30 = arith.constant 0 : index
    %get3A_31 = arith.constant 0 : index
    %get3A_32 = vector.load %arg1[%get3A_28, %get3A_29, %get3A_30, %get3A_31] : memref<2x2x2000x64xf32, #tpu.memory_space<vmem>>, vector<1x1x2000x64xf32>
    %get3A_33 = vector.shape_cast %get3A_32 : vector<1x1x2000x64xf32> to vector<2000x64xf32>
    %add3A_34 = arith.addf %get3A_27, %get3A_33 : vector<2000x64xf32>
    %concatenate3A = tpu.concatenate %add3A_21, %add3A_34 in 1 : vector<2000x64xf32>, vector<2000x64xf32> -> vector<2000x128xf32>
    %mul3A = vector.broadcast %div3A_8 : vector<2000x1xf32> to vector<2000x128xf32>
    %mul3A_35 = arith.mulf %concatenate3A, %mul3A : vector<2000x128xf32>
    %get3A_36 = arith.constant 0 : index
    %get3A_37 = arith.constant 0 : index
    %get3A_38 = vector.load %arg4[%get3A_36, %get3A_37] : memref<128x128xf32, #tpu.memory_space<vmem>>, vector<128x128xf32>
    %dot_general3A = arith.constant dense<0.000000e+00> : vector<2000x128xf32>
    %dot_general3A_39 = tpu.matmul %mul3A_35, %get3A_38, %dot_general3A {dimension_numbers = #tpu.dot_dimension_numbers<[1], [0], [0], [1], [0, 0, 1, 1], [], []>, transpose_lhs_hint = false} : vector<2000x128xf32>, vector<128x128xf32>, vector<2000x128xf32> -> vector<2000x128xf32>
    %get3A_40 = arith.constant 0 : index
    %get3A_41 = arith.constant 0 : index
    %get3A_42 = vector.load %arg5[%get3A_40, %get3A_41] : memref<1x128xf32, #tpu.memory_space<vmem>>, vector<1x128xf32>
    %add3A_43 = vector.broadcast %get3A_42 : vector<1x128xf32> to vector<2000x128xf32>
    %add3A_44 = arith.addf %dot_general3A_39, %add3A_43 : vector<2000x128xf32>
    %get3A_45 = arith.constant 0 : index
    %get3A_46 = arith.constant 0 : index
    %get3A_47 = vector.load %arg3[%get3A_45, %get3A_46] : memref<2000x128xf32, #tpu.memory_space<vmem>>, vector<2000x128xf32>
    %get3A_48 = arith.constant 0 : index
    %get3A_49 = arith.constant 0 : index
    %get3A_50 = vector.load %arg6[%get3A_48, %get3A_49] : memref<128x128xf32, #tpu.memory_space<vmem>>, vector<128x128xf32>
    %dot_general3A_51 = arith.constant dense<0.000000e+00> : vector<2000x128xf32>
    %dot_general3A_52 = tpu.matmul %get3A_47, %get3A_50, %dot_general3A_51 {dimension_numbers = #tpu.dot_dimension_numbers<[1], [0], [0], [1], [0, 0, 1, 1], [], []>, transpose_lhs_hint = false} : vector<2000x128xf32>, vector<128x128xf32>, vector<2000x128xf32> -> vector<2000x128xf32>
    %add3A_53 = arith.addf %add3A_44, %dot_general3A_52 : vector<2000x128xf32>
    %max3A_54 = arith.constant 0.000000e+00 : f32
    %max3A_55 = vector.broadcast %max3A_54 : f32 to vector<2000x128xf32>
    %max3A_56 = arith.maximumf %add3A_53, %max3A_55 : vector<2000x128xf32>
    %swap3A = arith.constant 0 : index
    %swap3A_57 = arith.constant 0 : index
    %swap3A_58 = vector.load %arg7[%swap3A, %swap3A_57] : memref<2000x128xf32, #tpu.memory_space<vmem>>, vector<2000x128xf32>
    tpu.vector_store %arg7[%swap3A, %swap3A_57], %max3A_56 {strides = array<i32>} : memref<2000x128xf32, #tpu.memory_space<vmem>>, vector<2000x128xf32>,
    return
  }
  func.func @transform_0(%arg0: i32) -> (i32, i32, i32, i32) {
    %c0_i32 = arith.constant 0 : i32
    %c0_i32_0 = arith.constant 0 : i32
    %c0_i32_1 = arith.constant 0 : i32
    %c0_i32_2 = arith.constant 0 : i32
    return %c0_i32, %c0_i32_0, %arg0, %c0_i32_1 : i32, i32, i32, i32
  }
  func.func @transform_1(%arg0: i32) -> (i32, i32) {
    %c0_i32 = arith.constant 0 : i32
    %c0_i32_0 = arith.constant 0 : i32
    return %arg0, %c0_i32 : i32, i32
  }
  func.func @transform_2(%arg0: i32) -> (i32, i32) {
    %c0_i32 = arith.constant 0 : i32
    %c0_i32_0 = arith.constant 0 : i32
    return %arg0, %c0_i32 : i32, i32
  }
  func.func @transform_3(%arg0: i32) -> (i32, i32) {
    %c0_i32 = arith.constant 0 : i32
    %c0_i32_0 = arith.constant 0 : i32
    %c0_i32_1 = arith.constant 0 : i32
    return %c0_i32, %c0_i32_0 : i32, i32
  }
  func.func @transform_4(%arg0: i32) -> (i32, i32) {
    %c0_i32 = arith.constant 0 : i32
    %c0_i32_0 = arith.constant 0 : i32
    %c0_i32_1 = arith.constant 0 : i32
    return %c0_i32, %c0_i32_0 : i32, i32
  }
  func.func @transform_5(%arg0: i32) -> (i32, i32) {
    %c0_i32 = arith.constant 0 : i32
    %c0_i32_0 = arith.constant 0 : i32
    %c0_i32_1 = arith.constant 0 : i32
    return %c0_i32, %c0_i32_0 : i32, i32
  }
  func.func @transform_6(%arg0: i32) -> (i32, i32) {
    %c0_i32 = arith.constant 0 : i32
    %c0_i32_0 = arith.constant 0 : i32
    return %arg0, %c0_i32 : i32, i32
  }
}

</mosaic_0001>

<sc_bundles>
// kernel: kernel.6.cloned.1.call-start
scs
__scs_entry_jumppad:
0x0: {  	(pc) =	sbr.rel $0x88, $3  }
0x1: {  	(tag) =	ssettag $0x0;
	lr =	simm.s32 $0x1  }
0x2: {  	[smem:$0x3F99] =	sst lr;
	_ =	strace $0xD0000000  }
0x3: {  	_ = 	snop  }
0x4: {  	_ = 	snop  }
0x5: {  	_ = 	snop  }
0x6: {  	_ = 	snop  }
0x7: {  	_ = 	snop  }
__scs_overlays_trampoline_lowered:
0x8: {  	[smem:$0x3FA8] =	sst s0  }
0x9: {  	[smem:$0x3FA9] =	sst s1  }
0xa: {  	[smem:$0x3FAA] =	sst s2  }
0xb: {  	[smem:$0x3FAB] =	sst s3  }
0xc: {  	[smem:$0x3FAC] =	sst s4  }
0xd: {  	[smem:$0x3FAD] =	sst s5  }
0xe: {  	[smem:$0x3FAE] =	sst s6  }
0xf: {  	[smem:$0x3FAF] =	sst s7  }
0x10: {  	[smem:$0x3FB0] =	sst s8  }
0x11: {  	[smem:$0x3FB1] =	sst s9;
	s0 =	simm.s32 @!p0 $0x0  }
0x12: {  	s1 =	sld [smem:$0x3F97];
	s0 =	simm.s32 @p0 $0x1  }
0x13: {  	[smem:$0x3FB2] =	sst s0;
	s0 =	simm.s32 @!p1 $0x0  }
0x14: {  	s2 =	sld [smem:$0x3F96];
	s0 =	simm.s32 @p1 $0x1  }
0x15: {  	[smem:$0x3FB3] =	sst s0;
	s0 =	simm.s32 @!p2 $0x0  }
0x16: {  	s3 =	sld [smem:$0x3FDB];
	s0 =	simm.s32 @p2 $0x1  }
0x17: {  	s4 =	simm.s32 $0x1BF5;
	[smem:$0x3FB5] =	sst s0  }
0x18: {  	s0 =	sld [smem:$0x3F98];
	_ =	swait.ge [sflag:s4], $0x0  }
0x19: {  	s7 =	sld [smem:$0x3F99]  }
0x1a: {  	s8 =	sadd.s32 $0xFFFFE003, lr  }
0x1b: {  	s9 =	sadd.s32 $0xFFFFFEF7, lr;
	s5 =	simm.s32 $0xFFFFFFFF;
	p2 =	slt.u32 s8, $0xFFFFF086  }
0x1c: {  	p1 =	slt.u32 s9, $0xF7A;
	s5 =	simm.s32 @!p2 $0x0  }
0x1d: {  	s5 =	simm.s32 @p1 $0x1;
	p0 =	seq.s32 s7, s2  }
0x1e: {  	s7 =	smul.u32 @!p0 $0xF7A, s2;
	p2 =	seq.s32 @!p0 s5, $0x0  }
0x1f: {  	s9 =	smul.u32 $0xF7A, s1;
	s8 =	simm.s32 @!p0 $0x1BF5;
	p2 =	por !p2, p0  }
0x20: {  	[sflag:s8] =	ssyncset.s32 @!p0 $0xFFFFF086;
	s6 =	sadd.s32 @!p0 s3, s7;
	s7 =	simm.s32 @!p0 $0x108  }
0x21: {  	s3 =	sadd.s32 s3, s9;
	s6 =	sadd.s32 @!p0 $0x88, s6;
	s7 =	simm.s32 @p2 $0x1082  }
0x22: {  	[simem:s7], [sflag:s8] =	dma.local @!p0 [hbm:s6], $0xF7A  }
0x23: {  	s9 =	sor.u32 $0xD0000000, s2;
	s6 =	simm.s32 $0x108;
	_ =	swait.ge @!p0 [sflag:s8], $0x0  }
0x24: {  	s3 =	sadd.s32 $0x88, s3;
	s6 =	simm.s32 @!p1 $0x1082;
	[sflag:s4] =	ssyncset.s32 $0xFFFFF086  }
0x25: {  	[simem:s6], [sflag:s4] =	dma.local [hbm:s3], $0xF7A  }
0x26: {  	[smem:$0x3F99] =	sst s1;
	(tag) =	ssettag s2;
	_ =	strace s9  }
0x27: {  	s1 =	sld [smem:$0x3FA9]  }
0x28: {  	s2 =	sld [smem:$0x3FAA]  }
0x29: {  	s4 =	sld [smem:$0x3FAC]  }
0x2a: {  	p0 =	seq.s32 s5, $0x0;
	s5 =	sld [smem:$0x3FAD]  }
0x2b: {  	s6 =	sld [smem:$0x3FAE]  }
0x2c: {  	s7 =	sld [smem:$0x3FAF]  }
0x2d: {  	s3 =	simm.s32 $0x108;
	s8 =	sld [smem:$0x3FB0]  }
0x2e: {  	s3 =	simm.s32 @!p0 $0x1082;
	s9 =	sld [smem:$0x3FB1]  }
0x2f: {  	lr =	sadd.s32 s0, s3;
	s0 =	sld [smem:$0x3FA8]  }
0x30: {  	s3 =	sld [smem:$0x3FAB]  }
0x31: {  	[smem:$0x3FB4] =	sst s10  }
0x32: {  	s10 =	sld [smem:$0x3FB2];
	_ =	sdelay $0x3  }
0x33: {  	p0 =	seq.s32 s10, $0x1;
	s10 =	sld [smem:$0x3FB4];
	_ =	sdelay $0x3  }
0x34: {  	[smem:$0x3FB4] =	sst s10  }
0x35: {  	s10 =	sld [smem:$0x3FB3];
	_ =	sdelay $0x3  }
0x36: {  	p1 =	seq.s32 s10, $0x1;
	s10 =	sld [smem:$0x3FB4];
	_ =	sdelay $0x3  }
0x37: {  	[smem:$0x3FB4] =	sst s10  }
0x38: {  	s10 =	sld [smem:$0x3FB5]  }
0x39: {  	_ = 	snop;
	(pc) =	sbr.ind lr, $3  }
0x3a: {  	_ = 	snop  }
0x3b: {  	_ = 	snop  }
0x3c: {  	p2 =	seq.s32 s10, $0x1;
	s10 =	sld [smem:$0x3FB4]  }
0x3d: {  	_ =	shalt  }
0x3e: {  	_ =	shalt  }
0x3f: {  	_ =	shalt  }
0x40: {  	_ =	shalt  }
0x41: {  	_ =	shalt  }
0x42: {  	_ =	shalt  }
0x43: {  	_ =	shalt  }
0x44: {  	_ =	shalt  }
0x45: {  	_ =	shalt  }
0x46: {  	_ =	shalt  }
0x47: {  	_ =	shalt  }
0x48: {  	_ =	shalt  }
0x49: {  	_ =	shalt  }
0x4a: {  	_ =	shalt  }
0x4b: {  	_ =	shalt  }
0x4c: {  	_ =	shalt  }
0x4d: {  	_ =	shalt  }
0x4e: {  	_ =	shalt  }
0x4f: {  	_ =	shalt  }
0x50: {  	_ =	shalt  }
0x51: {  	_ =	shalt  }
0x52: {  	_ =	shalt  }
0x53: {  	_ =	shalt  }
0x54: {  	_ =	shalt  }
0x55: {  	_ =	shalt  }
0x56: {  	_ =	shalt  }
0x57: {  	_ =	shalt  }
0x58: {  	_ =	shalt  }
0x59: {  	_ =	shalt  }
0x5a: {  	_ =	shalt  }
0x5b: {  	_ =	shalt  }
0x5c: {  	_ =	shalt  }
0x5d: {  	_ =	shalt  }
0x5e: {  	_ =	shalt  }
0x5f: {  	_ =	shalt  }
0x60: {  	_ =	shalt  }
0x61: {  	_ =	shalt  }
0x62: {  	_ =	shalt  }
0x63: {  	_ =	shalt  }
0x64: {  	_ =	shalt  }
0x65: {  	_ =	shalt  }
0x66: {  	_ =	shalt  }
0x67: {  	_ =	shalt  }
0x68: {  	_ =	shalt  }
0x69: {  	_ =	shalt  }
0x6a: {  	_ =	shalt  }
0x6b: {  	_ =	shalt  }
0x6c: {  	_ =	shalt  }
0x6d: {  	_ =	shalt  }
0x6e: {  	_ =	shalt  }
0x6f: {  	_ =	shalt  }
0x70: {  	_ =	shalt  }
0x71: {  	_ =	shalt  }
0x72: {  	_ =	shalt  }
0x73: {  	_ =	shalt  }
0x74: {  	_ =	shalt  }
0x75: {  	_ =	shalt  }
0x76: {  	_ =	shalt  }
0x77: {  	_ =	shalt  }
0x78: {  	_ =	shalt  }
0x79: {  	_ =	shalt  }
0x7a: {  	_ =	shalt  }
0x7b: {  	_ =	shalt  }
0x7c: {  	_ =	shalt  }
0x7d: {  	_ =	shalt  }
0x7e: {  	_ =	shalt  }
0x7f: {  	_ =	shalt  }
0x80: {  	_ =	shalt  }
0x81: {  	_ =	shalt  }
0x82: {  	_ =	shalt  }
0x83: {  	_ =	shalt  }
0x84: {  	_ =	shalt  }
0x85: {  	_ =	shalt  }
0x86: {  	_ =	shalt  }
0x87: {  	_ =	shalt  }
.Lfunc_end0:
.L_simem_size_0:
called_computation_lowered:
.L_overlay_start_0:
0x88: {  	s2 =	sld [smem:$0x3FD9]  }
0x89: {  	s3 =	sld [smem:$0x3FFE];
	_ =	sdelay $0x1  }
0x8a: {  	s1 =	srdreg.scid  }
0x8b: {  	s0 =	sand.u32 $0x1, s1  }
0x8c: {  	s17 =	sshll.u32 s0, $0xA;
	s2 =	sadd.s32 s3, s2  }
0x8d: {  	s2 =	sadd.s32 s2, s17  }
0x8e: {  	[smem:$0x3FC0] =	sst s2  }
0x8f: {  	_ = 	snop  }
0x90: {  	s2 =	sld [smem:$0x3FC9]  }
0x91: {  	s18 =	sld [smem:$0x3FD0];
	(tm) =	ssettm $0x1  }
0x92: {  	s4 =	sld [smem:$0x3FFB];
	_ =	sdelay $0x3  }
0x93: {  	_ =	strace s4  }
0x94: {  	s4 =	sld [smem:$0x3FFC];
	_ =	sdelay $0x3  }
0x95: {  	_ =	strace s4  }
0x96: {  	s4 =	sld [smem:$0x3FFD];
	_ =	sdelay $0x3  }
0x97: {  	_ =	strace s4  }
0x98: {  	_ =	strace $0x8FFFFFFF  }
0x99: {  	s19 =	sld [smem:$0x3FDB];
	_ =	sdelay $0x1  }
0x9a: {  	s5 =	simm.s32 $_scs_section_size  }
0x9b: {  	s6 =	simm.s32 $_size__tile_overlayer_lowered;
	s7 =	simm.s32 $_tile_overlayer_lowered  }
0x9c: {  	s22 =	simm.s32 $0x1BFF;
	s21 =	sshll.u32 s7, $0x1;
	s4 =	sadd.s32 s5, s19  }
0x9d: {  	s8 =	simm.s32 $0x0;
	s20 =	sshll.u32 s6, $0x1;
	s6 =	sadd.s32 s21, s4  }
0x9e: {  	[timem:s8], [sflag:s22] =	dma.local [hbm:s6], s20  }
0x9f: {  	_ =	swait.ge [sflag:s22], s20  }
0xa0: {  	s5 =	ssub.s32 $0x0, s20;
	[sflag:s22] =	ssyncset.done $0x0  }
0xa1: {  	[sflag:s22] =	ssyncadd.s32 s5;
	_ =	sdelay $0x1  }
0xa2: {  	s23 =	simm.s32 $0x1B8B  }
0xa3: {  	_ =	swait.ge [sflag:s23], $0x1  }
0xa4: {  	[sflag:s23] =	ssyncset.done $0x0  }
0xa5: {  	s25 =	simm.s32 $0x1B8E;
	s24 =	sld [smem:$0x3FFE];
	[sflag:s23] =	ssyncadd.s32 $0xFFFFFFFF  }
0xa6: {  	s26 =	simm.s32 $execute0_lowered;
	[smem:$0x3FD2] =	sst s25  }
0xa7: {  	s6 =	sshll.u32 s26, $0x1;
	_ =	strace $0x80000046;
	[dreg:$0x1] =	wrdreg $0xFFFFFFFF  }
0xa8: {  	s28 =	simm.s32 $_size_execute0_lowered;
	s4 =	sadd.s32 s4, s6;
	[dreg:$0x0] =	wrdreg $0x0  }
0xa9: {  	s6 =	sshll.u32 s28, $0x1;
	[dreg:$0x2] =	wrdreg s4  }
0xaa: {  	[dreg:$0x3] =	wrdreg s6  }
0xab: {  	[dreg:$0x4] =	wrdreg $0xC0  }
0xac: {  	_ =	task [dreg:s8], $0x5FFFF  }
0xad: {  	[dreg:$0x1] =	wrdreg $0xFFFFFFFF  }
0xae: {  	[dreg:$0x0] =	wrdreg $0x60  }
0xaf: {  	[dreg:$0x2] =	wrdreg s2  }
0xb0: {  	[dreg:$0x3] =	wrdreg s24  }
0xb1: {  	[dreg:$0x4] =	wrdreg s18  }
0xb2: {  	[dreg:$0x5] =	wrdreg $0x1EC800  }
0xb3: {  	[dreg:$0x6] =	wrdreg $0xB0800  }
0xb4: {  	[dreg:$0x7] =	wrdreg $0x14E800  }
0xb5: {  	[dreg:$0x8] =	wrdreg $0x9  }
0xb6: {  	_ =	task.clear_ibuf [dreg:s8], $0x9FFFF;
	_ =	strace $0x90000046  }
0xb7: {  	s29 =	simm.s32 $0x9;
	_ =	strace $0x80000048  }
0xb8: {  	_ =	swait.ge [sflag:s29], $0x1  }
0xb9: {  	[sflag:s29] =	ssyncadd.s32 $0xFFFFFFFF  }
0xba: {  	_ =	strace $0x90000048  }
0xbb: {  	_ =	sfence  }
0xbc: {  	s30 =	sld [smem:$0x0];
	_ =	sdelay $0x2  }
0xbd: {  	s31 =	sshll.u32 s1, $0xD;
	s1 =	sshrl.u32 s1, $0x2  }
0xbe: {  	s3 =	sand.u32 $0x4000, s31;
	s1 =	sadd.s32 s1, s30  }
0xbf: {  	s0 =	sor.u32 s3, s0;
	s1 =	sshll.u32 s1, $0x11  }
0xc0: {  	s0 =	sor.u32 s1, s0  }
0xc1: {  	s0 =	sadd.s32 $0x8F2B, s0  }
0xc2: {  	[sflag:s0] =	ssyncadd.remote.s32 $0x1  }
0xc3: {  	_ =	sfence.sel $0xFFFF  }
0xc4: {  	[dreg:$0x0] =	wrdreg $0xFFFFFFFF;
	(pc) =	sbr.abs _section_cstart, $3  }
0xc5: {  	[dreg:$0x1] =	wrdreg $0xFFFFFFFF  }
0xc6: {  	_ =	task.clear_ibuf [dreg:s8], $0x2FFFF;
	_ =	strace $0x9FFFFFFF  }
0xc7: {  	(tm) =	ssettm $0x7FFFFFFF  }
tec
execute0_lowered:
.L_overlay_start_1:
0x0: {  	(tag) =	ssettag $0x1  }
0x1: {  	s0 =	rddreg [dreg:$0x0]  }
0x2: {  	s2 =	rddreg [dreg:$0x1]  }
0x3: {  	s7 =	rddreg [dreg:$0x2];
	s3 =	srdreg.scid  }
0x4: {  	s1 =	rddreg [dreg:$0x3];
	s15 =	stileid.u32  }
0x5: {  	s4 =	rddreg [dreg:$0x5];
	s28 =	simm.s32 $0x80;
	s29 =	simm.s32 $0x5000  }
0x6: {  	s30 =	simm.s32 $0x7000;
	s31 =	simm.s32 $0x1;
	s9 =	smul.u32 $0x9E00, s15  }
0x7: {  	s8 =	sand.u32 $0x1, s3;
	s3 =	rddreg [dreg:$0x4];
	s14 =	smul.u32 $0x27800, s15  }
0x8: {  	s12 =	sadd.s32 $0x15E00, s2;
	s23 =	sadd.s32 $0x15C00, s2;
	s25 =	smul.u32 $0x278, s15  }
0x9: {  	s17 =	smul.u32 $0x2780, s15;
	s21 =	sadd.s32 $0x25080, s0;
	s5 =	sshll.u32 s8, $0x4  }
0xa: {  	p0 =	seq.s32 s15, $0xF;
	s6 =	sor.u32 s15, s5;
	s5 =	simm.s32 $0x0  }
0xb: {  	s10 =	smul.u32 $0x13C000, s8;
	s24 =	ssub.s32 $0x2, s8;
	[smem:$0x7FF] =	sst s5  }
0xc: {  	s20 =	sadd.s32 $0x94200, s3;
	_ =	strace $0x80000047;
	[dreg:$0x7] =	wrdreg s12  }
0xd: {  	s8 =	smul.u32 $0x2780, s8;
	s18 =	sadd.s32 s25, s1;
	[dreg:$0x8] =	wrdreg s23  }
0xe: {  	s13 =	sshrl.u32 s24, $0x1;
	s16 =	sshrl.u32 s14, $0x2;
	[dreg:$0xb] =	wrdreg s18  }
0xf: {  	s19 =	sadd.s32 s0, s17;
	s22 =	sadd.s32 s9, s4;
	[dreg:$0xd] =	wrdreg s20  }
0x10: {  	s0 =	sadd.s32 $0x25088, s0;
	s14 =	simm.s32 $0x2780;
	[dreg:$0xe] =	wrdreg s21  }
0x11: {  	s15 =	simm.s32 $0x4F80;
	s17 =	simm.s32 $0x0;
	[dreg:$0xf] =	wrdreg s22  }
0x12: {  	s6 =	smul.u32 $0x500, s6;
	s10 =	sadd.s32 s9, s10;
	[dreg:$0xc] =	wrdreg s19  }
0x13: {  	s8 =	sadd.s32 s25, s8;
	s10 =	sshrl.u32 s10, $0x3;
	[dreg:$0x12] =	wrdreg s0  }
0x14: {  	s25 =	sshrl.u32 s8, $0x3;
	s11 =	sadd.s32 s6, s2;
	s6 =	sadd.s32 $0x16000, s2  }
0x15: {  	s2 =	sadd.s32 s10, s2;
	s10 =	ssub.s32 s24, s13;
	s13 =	sadd.s32 $0x8, s19  }
0x16: {  	s9 =	sadd.s32 s9, s3;
	s0 =	sadd.s32 s7, s25;
	[dreg:$0x11] =	wrdreg s13  }
0x17: {  	s22 =	simm.s32 $0x8;
	s26 =	sadd.s32 $0xBC00, s11;
	[dreg:$0x14] =	wrdreg s0  }
0x18: {  	s8 =	simm.s32 $0x2880;
	s11 =	sadd.s32 $0x1C00, s11;
	[dreg:$0x9] =	wrdreg s26  }
0x19: {  	s7 =	simm.s32 $0x2;
	s23 =	sadd.s32 $0x17400, s2;
	[dreg:$0xa] =	wrdreg s11  }
0x1a: {  	s24 =	sadd.s32 $0x2B000, s2;
	s13 =	simm.s32 $0x6;
	[dreg:$0x10] =	wrdreg s23  }
0x1b: {  	s11 =	sadd.s32 s16, s3;
	[dreg:$0x13] =	wrdreg s24;
	s26 =	smax.u32 s10, $0x1  }
0x1c: {  	s23 =	simm.s32 $0x2800;
	s10 =	simm.s32 $0x3;
	s16 =	simm.s32 $0x7  }
0x1d: {  	[dreg:$0x15] =	wrdreg s26;
	s0 =	sshrl.u32 @!p0 s11, $0x3;
	s26 =	simm.s32 $0xB000  }
0x1e: {  	s11 =	simm.s32 $0x5;
	[dreg:$0x16] =	wrdreg s0;
	s0 =	sshrl.u32 @!p0 s9, $0x3  }
0x1f: {  	s9 =	simm.s32 $0x4;
	[dreg:$0x17] =	wrdreg s0;
	s0 =	simm.s32 $0x9000  }
.LBB2_1:
0x20: {  	s2 =	rddreg [dreg:$0x9]  }
0x21: {  	[tilespmem:s5], [sflag:$0x8] =	stream.linear.gather [hbm4b:s2+s5], $0x2800, $0x38;
	[tilespmem:$0x1EEF8] =	vst v63  }
0x22: {  	_ =	swait.ge [sflag:s22], $0x2800  }
0x23: {  	[sflag:s22] =	ssyncset.done $0x0  }
0x24: {  	s19 =	stileid.u32;
	s18 =	rddreg [dreg:$0xa];
	[sflag:s22] =	ssyncadd.s32 $0xFFFFD800  }
0x25: {  	[tilespmem:s23], [sflag:$0x8] =	stream.linear.gather [hbm4b:s18+s5], $0x2800, $0x38;
	[tilespmem:$0x1EEF8] =	vst v63  }
0x26: {  	s12 =	sshll.u32 s19, $0x6;
	_ =	swait.ge [sflag:s22], $0x2800  }
0x27: {  	s18 =	sor.u32 $0x1C08, s12;
	[sflag:s22] =	ssyncset.done $0x0;
	s20 =	rddreg [dreg:$0xb]  }
0x28: {  	s21 =	rddreg [dreg:$0x7];
	[sflag:s22] =	ssyncadd.s32 $0xFFFFD800;
	s19 =	sshrl.u32 s20, $0x3  }
0x29: {  	[spmem:s19], [sflag:s18] =	dma.local [hbm:s21], $0x4F  }
0x2a: {  	_ =	swait.ge [sflag:s22], $0x4F  }
0x2b: {  	[sflag:s22] =	ssyncset.done $0x0  }
0x2c: {  	s24 =	rddreg [dreg:$0x8];
	[sflag:s22] =	ssyncadd.s32 $0xFFFFFFB1  }
0x2d: {  	[tilespmem:s26], [sflag:$0x8] =	stream.linear.gather [hbm4b:s24+s5], $0x80, $0x38;
	[tilespmem:$0x1EEF8] =	vst v63  }
0x2e: {  	s12 =	simm.s32 @p0 $0x1;
	s20 =	simm.s32 @p0 $0x8;
	_ =	swait.ge [sflag:s22], $0x80  }
0x2f: {  	s24 =	simm.s32 @p0 $0x10;
	[sflag:s22] =	ssyncset.done $0x0;
	s2 =	rddreg [dreg:$0xd]  }
0x30: {  	[sflag:s22] =	ssyncadd.s32 $0xFFFFFF80;
	s21 =	sshrl.u32 @p0 s2, $0x3;
	s2 =	rddreg [dreg:$0xe]  }
0x31: {  	[spmem:s21@s20], [sflag:s18] =	dma.strided @p0 [hbm:s2@s24], $0x1040, s12, $0x8   }
0x32: {  	s12 =	simm.s32 @!p0 $0x1;
	_ =	swait.ge @p0 [sflag:s20], $0x1040  }
0x33: {  	s24 =	simm.s32 @!p0 $0x10;
	[sflag:s20] =	ssyncset.done @p0 $0x0;
	s2 =	rddreg [dreg:$0xc]  }
0x34: {  	s25 =	rddreg [dreg:$0x16];
	[sflag:s20] =	ssyncadd.s32 @p0 $0xFFFFEFC0;
	s20 =	simm.s32 @!p0 $0x8  }
0x35: {  	[spmem:s25@s20], [sflag:s18] =	dma.strided @!p0 [hbm:s2@s24], $0x13C0, s12, $0x8   }
0x36: {  	_ =	swait.ge @!p0 [sflag:s20], $0x13C0  }
0x37: {  	[sflag:s20] =	ssyncset.done @!p0 $0x0;
	s25 =	rddreg [dreg:$0xf]  }
0x38: {  	[sflag:s20] =	ssyncadd.s32 @!p0 $0xFFFFEC40;
	s20 =	sshrl.u32 s25, $0x3  }
0x39: {  	[spmem:s20], [sflag:s18] =	dma.local [hbm:s6], $0x13C0  }
0x3a: {  	_ =	swait.ge [sflag:s22], $0x13C0  }
0x3b: {  	[sflag:s22] =	ssyncset.done $0x0  }
0x3c: {  	[sflag:s22] =	ssyncadd.s32 $0xFFFFEC40  }
0x3d: {  	[bflag:$0x0] =	sbarrier.arrive $0xFFFF  }
0x3e: {  	[tilespmem:s29], [sflag:$0x1] =	stream.indirect.gather [spmem:s3], $0x40, s5, s28, $0xb8;
	[tilespmem:$0x1EEF8] =	vst v63  }
0x3f: {  	_ = 	snop  }
0x40: {  	[tilespmem:s30], [sflag:$0x2] =	stream.indirect.gather [spmem:s3], $0x40, s28, s28, $0xb8;
	[tilespmem:$0x1EEF8] =	vst v63  }
0x41: {  	_ =	swait.ge [sflag:s31], $0x2000  }
0x42: {  	[sflag:s31] =	ssyncset.done $0x0  }
0x43: {  	[sflag:s31] =	ssyncadd.s32 $0xFFFFE000  }
0x44: {  	[spmem:s4] =	stream.indirect.scatter.add.f32 [tilespmem:s29], [sflag:$0x4], $0x40, s23, s28, $0xb8;
	[tilespmem:$0x1EEF8] =	vst v63  }
0x45: {  	_ = 	snop  }
0x46: {  	[spmem:s1] =	stream.indirect.scatter.add.f32 [tilespmem:s26], [sflag:$0x7], $0x1, s23, s28, $0xb8;
	[tilespmem:$0x1EEF8] =	vst v63  }
0x47: {  	s12 =	simm.s32 $0x100  }
0x48: {  	[tilespmem:s0], [sflag:$0x3] =	stream.indirect.gather [spmem:s3], $0x40, s12, s28, $0xb8;
	[tilespmem:$0x1EEF8] =	vst v63  }
0x49: {  	_ =	swait.ge [sflag:s7], $0x2000  }
0x4a: {  	[sflag:s7] =	ssyncset.done $0x0  }
0x4b: {  	[sflag:s7] =	ssyncadd.s32 $0xFFFFE000  }
0x4c: {  	[spmem:s4] =	stream.indirect.scatter.add.f32 [tilespmem:s30], [sflag:$0x5], $0x40, s8, s28, $0xb8;
	[tilespmem:$0x1EEF8] =	vst v63  }
0x4d: {  	_ = 	snop  }
0x4e: {  	[spmem:s1] =	stream.indirect.scatter.add.f32 [tilespmem:s26], [sflag:$0x7], $0x1, s8, s28, $0xb8;
	[tilespmem:$0x1EEF8] =	vst v63  }
0x4f: {  	_ =	swait.ge [sflag:s9], $0x2000  }
0x50: {  	[sflag:s9] =	ssyncset.done $0x0  }
0x51: {  	s24 =	simm.s32 $0x180;
	[sflag:s9] =	ssyncadd.s32 $0xFFFFE000  }
0x52: {  	[tilespmem:s29], [sflag:$0x1] =	stream.indirect.gather [spmem:s3], $0x40, s24, s28, $0xb8;
	[tilespmem:$0x1EEF8] =	vst v63  }
0x53: {  	_ =	swait.ge [sflag:s10], $0x2000  }
0x54: {  	[sflag:s10] =	ssyncset.done $0x0  }
0x55: {  	s25 =	simm.s32 $0x2900;
	[sflag:s10] =	ssyncadd.s32 $0xFFFFE000  }
0x56: {  	[spmem:s4] =	stream.indirect.scatter.add.f32 [tilespmem:s0], [sflag:$0x6], $0x40, s25, s28, $0xb8;
	[tilespmem:$0x1EEF8] =	vst v63  }
0x57: {  	_ = 	snop  }
0x58: {  	[spmem:s1] =	stream.indirect.scatter.add.f32 [tilespmem:s26], [sflag:$0x7], $0x1, s25, s28, $0xb8;
	[tilespmem:$0x1EEF8] =	vst v63  }
0x59: {  	_ =	swait.ge [sflag:s11], $0x2000  }
0x5a: {  	[sflag:s11] =	ssyncset.done $0x0  }
0x5b: {  	s2 =	simm.s32 $0x200;
	[sflag:s11] =	ssyncadd.s32 $0xFFFFE000  }
0x5c: {  	[tilespmem:s30], [sflag:$0x2] =	stream.indirect.gather [spmem:s3], $0x40, s2, s28, $0xb8;
	[tilespmem:$0x1EEF8] =	vst v63  }
0x5d: {  	_ =	swait.ge [sflag:s31], $0x2000  }
0x5e: {  	[sflag:s31] =	ssyncset.done $0x0  }
0x5f: {  	s24 =	simm.s32 $0x2980;
	[sflag:s31] =	ssyncadd.s32 $0xFFFFE000  }
0x60: {  	[spmem:s4] =	stream.indirect.scatter.add.f32 [tilespmem:s29], [sflag:$0x4], $0x40, s24, s28, $0xb8;
	[tilespmem:$0x1EEF8] =	vst v63  }
0x61: {  	_ = 	snop  }
0x62: {  	[spmem:s1] =	stream.indirect.scatter.add.f32 [tilespmem:s26], [sflag:$0x7], $0x1, s24, s28, $0xb8;
	[tilespmem:$0x1EEF8] =	vst v63  }
0x63: {  	_ =	swait.ge [sflag:s13], $0x2000  }
0x64: {  	[sflag:s13] =	ssyncset.done $0x0  }
0x65: {  	s25 =	simm.s32 $0x280;
	[sflag:s13] =	ssyncadd.s32 $0xFFFFE000  }
0x66: {  	[tilespmem:s0], [sflag:$0x3] =	stream.indirect.gather [spmem:s3], $0x40, s25, s28, $0xb8;
	[tilespmem:$0x1EEF8] =	vst v63  }
0x67: {  	_ =	swait.ge [sflag:s7], $0x2000  }
0x68: {  	[sflag:s7] =	ssyncset.done $0x0  }
0x69: {  	s12 =	simm.s32 $0x600;
	s24 =	simm.s32 $0x2A00;
	[sflag:s7] =	ssyncadd.s32 $0xFFFFE000  }
0x6a: {  	[spmem:s4] =	stream.indirect.scatter.add.f32 [tilespmem:s30], [sflag:$0x5], $0x40, s24, s28, $0xb8;
	[tilespmem:$0x1EEF8] =	vst v63  }
.LBB2_2:
0x6b: {  	[spmem:s1] =	stream.indirect.scatter.add.f32 [tilespmem:s26], [sflag:$0x7], $0x1, s24, s28, $0xb8;
	[tilespmem:$0x1EEF8] =	vst v63  }
0x6c: {  	s24 =	smov.u32 s12;
	s12 =	sadd.s32 $0x600, s12;
	_ =	swait.ge [sflag:s9], $0x2000  }
0x6d: {  	s24 =	sshra.s32 s24, $0x2;
	p1 =	sne.s32 s12, $0x9600;
	[sflag:s9] =	ssyncset.done $0x0  }
0x6e: {  	s2 =	sadd.s32 $0x180, s24;
	[sflag:s9] =	ssyncadd.s32 $0xFFFFE000  }
0x6f: {  	[tilespmem:s29], [sflag:$0x1] =	stream.indirect.gather [spmem:s3], $0x40, s2, s28, $0xb8;
	[tilespmem:$0x1EEF8] =	vst v63  }
0x70: {  	_ =	swait.ge [sflag:s10], $0x2000  }
0x71: {  	[sflag:s10] =	ssyncset.done $0x0  }
0x72: {  	s2 =	sadd.s32 $0x2900, s24;
	[sflag:s10] =	ssyncadd.s32 $0xFFFFE000  }
0x73: {  	[spmem:s4] =	stream.indirect.scatter.add.f32 [tilespmem:s0], [sflag:$0x6], $0x40, s2, s28, $0xb8;
	[tilespmem:$0x1EEF8] =	vst v63  }
0x74: {  	_ = 	snop  }
0x75: {  	[spmem:s1] =	stream.indirect.scatter.add.f32 [tilespmem:s26], [sflag:$0x7], $0x1, s2, s28, $0xb8;
	[tilespmem:$0x1EEF8] =	vst v63  }
0x76: {  	_ =	swait.ge [sflag:s11], $0x2000  }
0x77: {  	[sflag:s11] =	ssyncset.done $0x0  }
0x78: {  	s2 =	sadd.s32 $0x200, s24;
	[sflag:s11] =	ssyncadd.s32 $0xFFFFE000  }
0x79: {  	[tilespmem:s30], [sflag:$0x2] =	stream.indirect.gather [spmem:s3], $0x40, s2, s28, $0xb8;
	[tilespmem:$0x1EEF8] =	vst v63  }
0x7a: {  	_ =	swait.ge [sflag:s31], $0x2000  }
0x7b: {  	[sflag:s31] =	ssyncset.done $0x0  }
0x7c: {  	s2 =	sadd.s32 $0x2980, s24;
	[sflag:s31] =	ssyncadd.s32 $0xFFFFE000  }
0x7d: {  	[spmem:s4] =	stream.indirect.scatter.add.f32 [tilespmem:s29], [sflag:$0x4], $0x40, s2, s28, $0xb8;
	[tilespmem:$0x1EEF8] =	vst v63  }
0x7e: {  	_ = 	snop  }
0x7f: {  	[spmem:s1] =	stream.indirect.scatter.add.f32 [tilespmem:s26], [sflag:$0x7], $0x1, s2, s28, $0xb8;
	[tilespmem:$0x1EEF8] =	vst v63  }
0x80: {  	_ =	swait.ge [sflag:s13], $0x2000  }
0x81: {  	[sflag:s13] =	ssyncset.done $0x0  }
0x82: {  	s2 =	sadd.s32 $0x280, s24;
	[sflag:s13] =	ssyncadd.s32 $0xFFFFE000  }
0x83: {  	[tilespmem:s0], [sflag:$0x3] =	stream.indirect.gather [spmem:s3], $0x40, s2, s28, $0xb8;
	[tilespmem:$0x1EEF8] =	vst v63  }
.Ltmp0:
0x84: {  	_ = 	snop;
	(pc) =	sbr.rel @p1 .LBB2_2-.Ltmp0, $4  }
0x85: {  	_ =	swait.ge [sflag:s7], $0x2000  }
0x86: {  	[sflag:s7] =	ssyncset.done $0x0  }
0x87: {  	s24 =	sadd.s32 $0x2A00, s24;
	[sflag:s7] =	ssyncadd.s32 $0xFFFFE000  }
0x88: {  	[spmem:s4] =	stream.indirect.scatter.add.f32 [tilespmem:s30], [sflag:$0x5], $0x40, s24, s28, $0xb8;
	[tilespmem:$0x1EEF8] =	vst v63  }
0x89: {  	[spmem:s1] =	stream.indirect.scatter.add.f32 [tilespmem:s26], [sflag:$0x7], $0x1, s24, s28, $0xb8;
	[tilespmem:$0x1EEF8] =	vst v63  }
0x8a: {  	_ =	swait.ge [sflag:s9], $0x2000  }
0x8b: {  	s2 =	sshra.s32 s12, $0x2;
	[sflag:s9] =	ssyncset.done $0x0  }
0x8c: {  	s12 =	sadd.s32 $0x180, s2;
	[sflag:s9] =	ssyncadd.s32 $0xFFFFE000  }
0x8d: {  	[tilespmem:s29], [sflag:$0x1] =	stream.indirect.gather [spmem:s3], $0x40, s12, s28, $0xb8;
	[tilespmem:$0x1EEF8] =	vst v63  }
0x8e: {  	_ =	swait.ge [sflag:s10], $0x2000  }
0x8f: {  	[sflag:s10] =	ssyncset.done $0x0  }
0x90: {  	s25 =	sadd.s32 $0x2900, s2;
	[sflag:s10] =	ssyncadd.s32 $0xFFFFE000  }
0x91: {  	[spmem:s4] =	stream.indirect.scatter.add.f32 [tilespmem:s0], [sflag:$0x6], $0x40, s25, s28, $0xb8;
	[tilespmem:$0x1EEF8] =	vst v63  }
0x92: {  	_ = 	snop  }
0x93: {  	[spmem:s1] =	stream.indirect.scatter.add.f32 [tilespmem:s26], [sflag:$0x7], $0x1, s25, s28, $0xb8;
	[tilespmem:$0x1EEF8] =	vst v63  }
0x94: {  	_ =	swait.ge [sflag:s11], $0x2000  }
0x95: {  	[sflag:s11] =	ssyncset.done $0x0  }
0x96: {  	[sflag:s11] =	ssyncadd.s32 $0xFFFFE000  }
0x97: {  	[tilespmem:s30], [sflag:$0x2] =	stream.indirect.gather [spmem:s3], $0x40, s14, s28, $0xb8;
	[tilespmem:$0x1EEF8] =	vst v63  }
0x98: {  	_ =	swait.ge [sflag:s31], $0x2000  }
0x99: {  	[sflag:s31] =	ssyncset.done $0x0  }
0x9a: {  	s2 =	sadd.s32 $0x2980, s2;
	[sflag:s31] =	ssyncadd.s32 $0xFFFFE000  }
0x9b: {  	[spmem:s4] =	stream.indirect.scatter.add.f32 [tilespmem:s29], [sflag:$0x4], $0x40, s2, s28, $0xb8;
	[tilespmem:$0x1EEF8] =	vst v63  }
0x9c: {  	_ = 	snop  }
0x9d: {  	[spmem:s1] =	stream.indirect.scatter.add.f32 [tilespmem:s26], [sflag:$0x7], $0x1, s2, s28, $0xb8;
	[tilespmem:$0x1EEF8] =	vst v63  }
0x9e: {  	_ =	swait.ge [sflag:s13], $0x2000  }
0x9f: {  	[sflag:s13] =	ssyncset.done $0x0  }
0xa0: {  	[sflag:s13] =	ssyncadd.s32 $0xFFFFE000  }
0xa1: {  	_ =	swait.ge [sflag:s7], $0x2000  }
0xa2: {  	[sflag:s7] =	ssyncset.done $0x0  }
0xa3: {  	[sflag:s7] =	ssyncadd.s32 $0xFFFFE000  }
0xa4: {  	[spmem:s4] =	stream.indirect.scatter.add.f32 [tilespmem:s30], [sflag:$0x5], $0x40, s15, s28, $0xb8;
	[tilespmem:$0x1EEF8] =	vst v63  }
0xa5: {  	_ = 	snop  }
0xa6: {  	[spmem:s1] =	stream.indirect.scatter.add.f32 [tilespmem:s26], [sflag:$0x7], $0x1, s15, s28, $0xb8;
	[tilespmem:$0x1EEF8] =	vst v63  }
0xa7: {  	_ =	swait.ge [sflag:s9], $0x2000  }
0xa8: {  	[sflag:s9] =	ssyncset.done $0x0  }
0xa9: {  	[sflag:s9] =	ssyncadd.s32 $0xFFFFE000  }
0xaa: {  	_ =	swait.ge [sflag:s11], $0x2000  }
0xab: {  	[sflag:s11] =	ssyncset.done $0x0  }
0xac: {  	[sflag:s11] =	ssyncadd.s32 $0xFFFFE000  }
0xad: {  	[bflag:$0x0] =	sbarrier.arrive $0xFFFF  }
0xae: {  	s12 =	rddreg [dreg:$0x10]  }
0xaf: {  	[hbm:s12], [sflag:s18] =	dma.local [spmem:s20], $0x13C0  }
0xb0: {  	_ =	swait.ge [sflag:s22], $0x13C0  }
0xb1: {  	[sflag:s22] =	ssyncset.done $0x0  }
0xb2: {  	[sflag:s22] =	ssyncadd.s32 $0xFFFFEC40  }
0xb3: {  	s24 =	simm.s32 @p0 $0x10;
	[bflag:$0x0] =	sbarrier.arrive $0xFFFF  }
0xb4: {  	s2 =	simm.s32 @p0 $0x1;
	s12 =	simm.s32 @p0 $0x8;
	s25 =	rddreg [dreg:$0x12]  }
0xb5: {  	[spmem:s21@s12], [sflag:s18] =	dma.strided @p0 [hbm:s25@s24], $0x1040, s2, $0x8   }
0xb6: {  	s2 =	simm.s32 @!p0 $0x1;
	_ =	swait.ge @p0 [sflag:s12], $0x1040  }
0xb7: {  	s21 =	simm.s32 @!p0 $0x10;
	[sflag:s12] =	ssyncset.done @p0 $0x0;
	s24 =	rddreg [dreg:$0x11]  }
0xb8: {  	s25 =	rddreg [dreg:$0x17];
	[sflag:s12] =	ssyncadd.s32 @p0 $0xFFFFEFC0;
	s12 =	simm.s32 @!p0 $0x8  }
0xb9: {  	[spmem:s25@s12], [sflag:s18] =	dma.strided @!p0 [hbm:s24@s21], $0x13C0, s2, $0x8   }
0xba: {  	_ =	swait.ge @!p0 [sflag:s12], $0x13C0  }
0xbb: {  	[sflag:s12] =	ssyncset.done @!p0 $0x0  }
0xbc: {  	[sflag:s12] =	ssyncadd.s32 @!p0 $0xFFFFEC40  }
0xbd: {  	[spmem:s20], [sflag:s18] =	dma.local [hbm:s6], $0x13C0  }
0xbe: {  	_ =	swait.ge [sflag:s22], $0x13C0  }
0xbf: {  	[sflag:s22] =	ssyncset.done $0x0  }
0xc0: {  	[sflag:s22] =	ssyncadd.s32 $0xFFFFEC40  }
0xc1: {  	s21 =	simm.s32 $0x0;
	[bflag:$0x0] =	sbarrier.arrive $0xFFFF  }
0xc2: {  	[tilespmem:s29], [sflag:$0x1] =	stream.indirect.gather [spmem:s3], $0x40, s21, s28, $0xb8;
	[tilespmem:$0x1EEF8] =	vst v63  }
0xc3: {  	_ = 	snop  }
0xc4: {  	[tilespmem:s30], [sflag:$0x2] =	stream.indirect.gather [spmem:s3], $0x40, s28, s28, $0xb8;
	[tilespmem:$0x1EEF8] =	vst v63  }
0xc5: {  	_ =	swait.ge [sflag:s31], $0x2000  }
0xc6: {  	[sflag:s31] =	ssyncset.done $0x0  }
0xc7: {  	[sflag:s31] =	ssyncadd.s32 $0xFFFFE000  }
0xc8: {  	[spmem:s4] =	stream.indirect.scatter.add.f32 [tilespmem:s29], [sflag:$0x4], $0x40, s23, s28, $0xb8;
	[tilespmem:$0x1EEF8] =	vst v63  }
0xc9: {  	s24 =	simm.s32 $0x100  }
0xca: {  	[tilespmem:s0], [sflag:$0x3] =	stream.indirect.gather [spmem:s3], $0x40, s24, s28, $0xb8;
	[tilespmem:$0x1EEF8] =	vst v63  }
0xcb: {  	_ =	swait.ge [sflag:s7], $0x2000  }
0xcc: {  	[sflag:s7] =	ssyncset.done $0x0  }
0xcd: {  	[sflag:s7] =	ssyncadd.s32 $0xFFFFE000  }
0xce: {  	[spmem:s4] =	stream.indirect.scatter.add.f32 [tilespmem:s30], [sflag:$0x5], $0x40, s8, s28, $0xb8;
	[tilespmem:$0x1EEF8] =	vst v63  }
0xcf: {  	_ =	swait.ge [sflag:s9], $0x2000  }
0xd0: {  	[sflag:s9] =	ssyncset.done $0x0  }
0xd1: {  	s25 =	simm.s32 $0x180;
	[sflag:s9] =	ssyncadd.s32 $0xFFFFE000  }
0xd2: {  	[tilespmem:s29], [sflag:$0x1] =	stream.indirect.gather [spmem:s3], $0x40, s25, s28, $0xb8;
	[tilespmem:$0x1EEF8] =	vst v63  }
0xd3: {  	_ =	swait.ge [sflag:s10], $0x2000  }
0xd4: {  	[sflag:s10] =	ssyncset.done $0x0  }
0xd5: {  	s12 =	simm.s32 $0x2900;
	[sflag:s10] =	ssyncadd.s32 $0xFFFFE000  }
0xd6: {  	[spmem:s4] =	stream.indirect.scatter.add.f32 [tilespmem:s0], [sflag:$0x6], $0x40, s12, s28, $0xb8;
	[tilespmem:$0x1EEF8] =	vst v63  }
0xd7: {  	_ =	swait.ge [sflag:s11], $0x2000  }
0xd8: {  	[sflag:s11] =	ssyncset.done $0x0  }
0xd9: {  	s21 =	simm.s32 $0x200;
	[sflag:s11] =	ssyncadd.s32 $0xFFFFE000  }
0xda: {  	[tilespmem:s30], [sflag:$0x2] =	stream.indirect.gather [spmem:s3], $0x40, s21, s28, $0xb8;
	[tilespmem:$0x1EEF8] =	vst v63  }
0xdb: {  	_ =	swait.ge [sflag:s31], $0x2000  }
0xdc: {  	[sflag:s31] =	ssyncset.done $0x0  }
0xdd: {  	s24 =	simm.s32 $0x2980;
	[sflag:s31] =	ssyncadd.s32 $0xFFFFE000  }
0xde: {  	[spmem:s4] =	stream.indirect.scatter.add.f32 [tilespmem:s29], [sflag:$0x4], $0x40, s24, s28, $0xb8;
	[tilespmem:$0x1EEF8] =	vst v63  }
0xdf: {  	_ =	swait.ge [sflag:s13], $0x2000  }
0xe0: {  	[sflag:s13] =	ssyncset.done $0x0  }
0xe1: {  	s25 =	simm.s32 $0x280;
	[sflag:s13] =	ssyncadd.s32 $0xFFFFE000  }
0xe2: {  	[tilespmem:s0], [sflag:$0x3] =	stream.indirect.gather [spmem:s3], $0x40, s25, s28, $0xb8;
	[tilespmem:$0x1EEF8] =	vst v63  }
0xe3: {  	_ =	swait.ge [sflag:s7], $0x2000  }
0xe4: {  	[sflag:s7] =	ssyncset.done $0x0  }
0xe5: {  	s12 =	simm.s32 $0x600;
	s21 =	simm.s32 $0x2A00;
	[sflag:s7] =	ssyncadd.s32 $0xFFFFE000  }
.LBB2_4:
0xe6: {  	[spmem:s4] =	stream.indirect.scatter.add.f32 [tilespmem:s30], [sflag:$0x5], $0x40, s21, s28, $0xb8;
	[tilespmem:$0x1EEF8] =	vst v63  }
0xe7: {  	s2 =	smov.u32 s12;
	s12 =	sadd.s32 $0x600, s12;
	_ =	swait.ge [sflag:s9], $0x2000  }
0xe8: {  	s2 =	sshra.s32 s2, $0x2;
	p1 =	sne.s32 s12, $0x9600;
	[sflag:s9] =	ssyncset.done $0x0  }
0xe9: {  	s21 =	sadd.s32 $0x180, s2;
	[sflag:s9] =	ssyncadd.s32 $0xFFFFE000  }
0xea: {  	[tilespmem:s29], [sflag:$0x1] =	stream.indirect.gather [spmem:s3], $0x40, s21, s28, $0xb8;
	[tilespmem:$0x1EEF8] =	vst v63  }
0xeb: {  	_ =	swait.ge [sflag:s10], $0x2000  }
0xec: {  	[sflag:s10] =	ssyncset.done $0x0  }
0xed: {  	s21 =	sadd.s32 $0x2900, s2;
	[sflag:s10] =	ssyncadd.s32 $0xFFFFE000  }
0xee: {  	[spmem:s4] =	stream.indirect.scatter.add.f32 [tilespmem:s0], [sflag:$0x6], $0x40, s21, s28, $0xb8;
	[tilespmem:$0x1EEF8] =	vst v63  }
0xef: {  	_ =	swait.ge [sflag:s11], $0x2000  }
0xf0: {  	[sflag:s11] =	ssyncset.done $0x0  }
0xf1: {  	s21 =	sadd.s32 $0x200, s2;
	[sflag:s11] =	ssyncadd.s32 $0xFFFFE000  }
0xf2: {  	[tilespmem:s30], [sflag:$0x2] =	stream.indirect.gather [spmem:s3], $0x40, s21, s28, $0xb8;
	[tilespmem:$0x1EEF8] =	vst v63  }
0xf3: {  	_ =	swait.ge [sflag:s31], $0x2000  }
0xf4: {  	[sflag:s31] =	ssyncset.done $0x0  }
0xf5: {  	s21 =	sadd.s32 $0x2980, s2;
	[sflag:s31] =	ssyncadd.s32 $0xFFFFE000  }
0xf6: {  	[spmem:s4] =	stream.indirect.scatter.add.f32 [tilespmem:s29], [sflag:$0x4], $0x40, s21, s28, $0xb8;
	[tilespmem:$0x1EEF8] =	vst v63  }
0xf7: {  	_ =	swait.ge [sflag:s13], $0x2000  }
0xf8: {  	[sflag:s13] =	ssyncset.done $0x0  }
.Ltmp1:
0xf9: {  	s21 =	sadd.s32 $0x280, s2;
	[sflag:s13] =	ssyncadd.s32 $0xFFFFE000;
	(pc) =	sbr.rel @p1 .LBB2_4-.Ltmp1, $4  }
0xfa: {  	[tilespmem:s0], [sflag:$0x3] =	stream.indirect.gather [spmem:s3], $0x40, s21, s28, $0xb8;
	[tilespmem:$0x1EEF8] =	vst v63  }
0xfb: {  	_ =	swait.ge [sflag:s7], $0x2000  }
0xfc: {  	[sflag:s7] =	ssyncset.done $0x0  }
0xfd: {  	s21 =	sadd.s32 $0x2A00, s2;
	[sflag:s7] =	ssyncadd.s32 $0xFFFFE000  }
0xfe: {  	[spmem:s4] =	stream.indirect.scatter.add.f32 [tilespmem:s30], [sflag:$0x5], $0x40, s21, s28, $0xb8;
	[tilespmem:$0x1EEF8] =	vst v63  }
0xff: {  	_ =	swait.ge [sflag:s9], $0x2000  }
0x100: {  	s2 =	sshra.s32 s12, $0x2;
	[sflag:s9] =	ssyncset.done $0x0  }
0x101: {  	s12 =	sadd.s32 $0x180, s2;
	[sflag:s9] =	ssyncadd.s32 $0xFFFFE000  }
0x102: {  	[tilespmem:s29], [sflag:$0x1] =	stream.indirect.gather [spmem:s3], $0x40, s12, s28, $0xb8;
	[tilespmem:$0x1EEF8] =	vst v63  }
0x103: {  	_ =	swait.ge [sflag:s10], $0x2000  }
0x104: {  	[sflag:s10] =	ssyncset.done $0x0  }
0x105: {  	s25 =	sadd.s32 $0x2900, s2;
	[sflag:s10] =	ssyncadd.s32 $0xFFFFE000  }
0x106: {  	[spmem:s4] =	stream.indirect.scatter.add.f32 [tilespmem:s0], [sflag:$0x6], $0x40, s25, s28, $0xb8;
	[tilespmem:$0x1EEF8] =	vst v63  }
0x107: {  	_ =	swait.ge [sflag:s11], $0x2000  }
0x108: {  	[sflag:s11] =	ssyncset.done $0x0  }
0x109: {  	[sflag:s11] =	ssyncadd.s32 $0xFFFFE000  }
0x10a: {  	[tilespmem:s30], [sflag:$0x2] =	stream.indirect.gather [spmem:s3], $0x40, s14, s28, $0xb8;
	[tilespmem:$0x1EEF8] =	vst v63  }
0x10b: {  	_ =	swait.ge [sflag:s31], $0x2000  }
0x10c: {  	[sflag:s31] =	ssyncset.done $0x0  }
0x10d: {  	s2 =	sadd.s32 $0x2980, s2;
	[sflag:s31] =	ssyncadd.s32 $0xFFFFE000  }
0x10e: {  	[spmem:s4] =	stream.indirect.scatter.add.f32 [tilespmem:s29], [sflag:$0x4], $0x40, s2, s28, $0xb8;
	[tilespmem:$0x1EEF8] =	vst v63  }
0x10f: {  	_ =	swait.ge [sflag:s13], $0x2000  }
0x110: {  	[sflag:s13] =	ssyncset.done $0x0  }
0x111: {  	[sflag:s13] =	ssyncadd.s32 $0xFFFFE000  }
0x112: {  	_ =	swait.ge [sflag:s7], $0x2000  }
0x113: {  	[sflag:s7] =	ssyncset.done $0x0  }
0x114: {  	[sflag:s7] =	ssyncadd.s32 $0xFFFFE000  }
0x115: {  	[spmem:s4] =	stream.indirect.scatter.add.f32 [tilespmem:s30], [sflag:$0x5], $0x40, s15, s28, $0xb8;
	[tilespmem:$0x1EEF8] =	vst v63  }
0x116: {  	_ =	swait.ge [sflag:s9], $0x2000  }
0x117: {  	[sflag:s9] =	ssyncset.done $0x0  }
0x118: {  	[sflag:s9] =	ssyncadd.s32 $0xFFFFE000  }
0x119: {  	_ =	swait.ge [sflag:s11], $0x2000  }
0x11a: {  	[sflag:s11] =	ssyncset.done $0x0  }
0x11b: {  	[sflag:s11] =	ssyncadd.s32 $0xFFFFE000  }
0x11c: {  	_ =	swait.ge [sflag:s16], $0x80  }
0x11d: {  	s12 =	simm.s32 $0x4F;
	[sflag:s16] =	ssyncset.done $0x0  }
.LBB2_6:
0x11e: {  	p1 =	sne.s32 s12, $0x1;
	s12 =	sadd.s32 $0xFFFFFFFF, s12;
	[sflag:s16] =	ssyncadd.s32 $0xFFFFFF80  }
.Ltmp2:
0x11f: {  	(pc) =	sbr.rel @p1 .LBB2_6-.Ltmp2, $3  }
0x120: {  	_ =	sdelay $0x1  }
0x121: {  	_ =	swait.ge [sflag:s16], $0x80  }
0x122: {  	[sflag:s16] =	ssyncset.done $0x0  }
0x123: {  	[sflag:s16] =	ssyncadd.s32 $0xFFFFFF80  }
0x124: {  	[bflag:$0x0] =	sbarrier.arrive $0xFFFF  }
0x125: {  	s2 =	rddreg [dreg:$0x13]  }
0x126: {  	[hbm:s2], [sflag:s18] =	dma.local [spmem:s20], $0x13C0  }
0x127: {  	_ =	swait.ge [sflag:s22], $0x13C0  }
0x128: {  	[sflag:s22] =	ssyncset.done $0x0  }
0x129: {  	s24 =	rddreg [dreg:$0x14];
	[sflag:s22] =	ssyncadd.s32 $0xFFFFEC40  }
0x12a: {  	[hbm:s24], [sflag:s18] =	dma.local [spmem:s19], $0x4F  }
0x12b: {  	_ =	swait.ge [sflag:s22], $0x4F  }
0x12c: {  	s17 =	sadd.s32 $0x1, s17;
	s25 =	rddreg [dreg:$0x15]  }
0x12d: {  	p1 =	sne.s32 s17, s25  }
.Ltmp3:
0x12e: {  	_ = 	snop;
	(pc) =	sbr.rel @p1 .LBB2_1-.Ltmp3, $3  }
0x12f: {  	[sflag:s22] =	ssyncset.done $0x0  }
0x130: {  	[sflag:s22] =	ssyncadd.s32 $0xFFFFFFB1  }
0x131: {  	[bflag:$0x0] =	sbarrier.arrive $0xFFFF;
	_ =	sdelay $0x1  }
0x132: {  	_ =	sfence.sel $0x180000  }
0x133: {  	[bflag:$0x0] =	sbarrier.arrive $0xFFFF  }
0x134: {  	_ =	strace $0x90000047  }
0x135: {  	s0 =	stileid.u32;
	[bflag:$0x2] =	sbarrier.arrive $0xFFFF  }
0x136: {  	p0 =	sne.s32 s0, $0x0;
	s0 =	rddreg [dreg:$0x6]  }
0x137: {  	s0 =	sadd.s32 @!p0 $0x100000, s0  }
0x138: {  	[sflag:s0] =	ssyncadd.tile.s32 @!p0 $0x1;
	_ =	shalt  }
.Lfunc_end2:
_tile_overlayer_lowered:
.L_overlay_start_2:
0x139: {  	(tag) =	ssettag $0x2  }
0x13a: {  	s0 =	rddreg [dreg:$0x0];
	s2 =	stileid.u32  }
0x13b: {  	s1 =	rddreg [dreg:$0x1];
	p0 =	sne.s32 s2, $0x0  }
0x13c: {  	s3 =	rddreg [dreg:$0x2];
	[bflag:$0x3] =	sbarrier.arrive $0xFFFF;
	s2 =	simm.s32 @!p0 $0x1C08  }
0x13d: {  	[timem:s3], [sflag:s2] =	dma.local @!p0 [hbm:s0], s1  }
0x13e: {  	s0 =	simm.s32 @!p0 $0x8  }
0x13f: {  	_ =	swait.ge @!p0 [sflag:s0], s1  }
0x140: {  	s1 =	ssub.s32 @!p0 $0x0, s1;
	[sflag:s0] =	ssyncset.done @!p0 $0x0  }
0x141: {  	[sflag:s0] =	ssyncadd.s32 @!p0 s1  }
0x142: {  	[bflag:$0x3] =	sbarrier.arrive $0xFFFF  }
0x143: {  	_ =	shalt  }

// kernel: kernel.9.cloned.1.call-start
scs
__scs_entry_jumppad:
0x0: {  	(pc) =	sbr.rel $0x88, $3  }
0x1: {  	(tag) =	ssettag $0x0;
	lr =	simm.s32 $0x1  }
0x2: {  	[smem:$0x3F99] =	sst lr;
	_ =	strace $0xD0000000  }
0x3: {  	_ = 	snop  }
0x4: {  	_ = 	snop  }
0x5: {  	_ = 	snop  }
0x6: {  	_ = 	snop  }
0x7: {  	_ = 	snop  }
__scs_overlays_trampoline_lowered:
0x8: {  	[smem:$0x3FA8] =	sst s0  }
0x9: {  	[smem:$0x3FA9] =	sst s1  }
0xa: {  	[smem:$0x3FAA] =	sst s2  }
0xb: {  	[smem:$0x3FAB] =	sst s3  }
0xc: {  	[smem:$0x3FAC] =	sst s4  }
0xd: {  	[smem:$0x3FAD] =	sst s5  }
0xe: {  	[smem:$0x3FAE] =	sst s6  }
0xf: {  	[smem:$0x3FAF] =	sst s7  }
0x10: {  	[smem:$0x3FB0] =	sst s8  }
0x11: {  	[smem:$0x3FB1] =	sst s9;
	s0 =	simm.s32 @!p0 $0x0  }
0x12: {  	s1 =	sld [smem:$0x3F97];
	s0 =	simm.s32 @p0 $0x1  }
0x13: {  	[smem:$0x3FB2] =	sst s0;
	s0 =	simm.s32 @!p1 $0x0  }
0x14: {  	s2 =	sld [smem:$0x3F96];
	s0 =	simm.s32 @p1 $0x1  }
0x15: {  	[smem:$0x3FB3] =	sst s0;
	s0 =	simm.s32 @!p2 $0x0  }
0x16: {  	s3 =	sld [smem:$0x3FDB];
	s0 =	simm.s32 @p2 $0x1  }
0x17: {  	s4 =	simm.s32 $0x1BF5;
	[smem:$0x3FB5] =	sst s0  }
0x18: {  	s0 =	sld [smem:$0x3F98];
	_ =	swait.ge [sflag:s4], $0x0  }
0x19: {  	s7 =	sld [smem:$0x3F99]  }
0x1a: {  	s8 =	sadd.s32 $0xFFFFE003, lr  }
0x1b: {  	s9 =	sadd.s32 $0xFFFFFEF7, lr;
	s5 =	simm.s32 $0xFFFFFFFF;
	p2 =	slt.u32 s8, $0xFFFFF086  }
0x1c: {  	p1 =	slt.u32 s9, $0xF7A;
	s5 =	simm.s32 @!p2 $0x0  }
0x1d: {  	s5 =	simm.s32 @p1 $0x1;
	p0 =	seq.s32 s7, s2  }
0x1e: {  	s7 =	smul.u32 @!p0 $0xF7A, s2;
	p2 =	seq.s32 @!p0 s5, $0x0  }
0x1f: {  	s9 =	smul.u32 $0xF7A, s1;
	s8 =	simm.s32 @!p0 $0x1BF5;
	p2 =	por !p2, p0  }
0x20: {  	[sflag:s8] =	ssyncset.s32 @!p0 $0xFFFFF086;
	s6 =	sadd.s32 @!p0 s3, s7;
	s7 =	simm.s32 @!p0 $0x108  }
0x21: {  	s3 =	sadd.s32 s3, s9;
	s6 =	sadd.s32 @!p0 $0x88, s6;
	s7 =	simm.s32 @p2 $0x1082  }
0x22: {  	[simem:s7], [sflag:s8] =	dma.local @!p0 [hbm:s6], $0xF7A  }
0x23: {  	s9 =	sor.u32 $0xD0000000, s2;
	s6 =	simm.s32 $0x108;
	_ =	swait.ge @!p0 [sflag:s8], $0x0  }
0x24: {  	s3 =	sadd.s32 $0x88, s3;
	s6 =	simm.s32 @!p1 $0x1082;
	[sflag:s4] =	ssyncset.s32 $0xFFFFF086  }
0x25: {  	[simem:s6], [sflag:s4] =	dma.local [hbm:s3], $0xF7A  }
0x26: {  	[smem:$0x3F99] =	sst s1;
	(tag) =	ssettag s2;
	_ =	strace s9  }
0x27: {  	s1 =	sld [smem:$0x3FA9]  }
0x28: {  	s2 =	sld [smem:$0x3FAA]  }
0x29: {  	s4 =	sld [smem:$0x3FAC]  }
0x2a: {  	p0 =	seq.s32 s5, $0x0;
	s5 =	sld [smem:$0x3FAD]  }
0x2b: {  	s6 =	sld [smem:$0x3FAE]  }
0x2c: {  	s7 =	sld [smem:$0x3FAF]  }
0x2d: {  	s3 =	simm.s32 $0x108;
	s8 =	sld [smem:$0x3FB0]  }
0x2e: {  	s3 =	simm.s32 @!p0 $0x1082;
	s9 =	sld [smem:$0x3FB1]  }
0x2f: {  	lr =	sadd.s32 s0, s3;
	s0 =	sld [smem:$0x3FA8]  }
0x30: {  	s3 =	sld [smem:$0x3FAB]  }
0x31: {  	[smem:$0x3FB4] =	sst s10  }
0x32: {  	s10 =	sld [smem:$0x3FB2];
	_ =	sdelay $0x3  }
0x33: {  	p0 =	seq.s32 s10, $0x1;
	s10 =	sld [smem:$0x3FB4];
	_ =	sdelay $0x3  }
0x34: {  	[smem:$0x3FB4] =	sst s10  }
0x35: {  	s10 =	sld [smem:$0x3FB3];
	_ =	sdelay $0x3  }
0x36: {  	p1 =	seq.s32 s10, $0x1;
	s10 =	sld [smem:$0x3FB4];
	_ =	sdelay $0x3  }
0x37: {  	[smem:$0x3FB4] =	sst s10  }
0x38: {  	s10 =	sld [smem:$0x3FB5]  }
0x39: {  	_ = 	snop;
	(pc) =	sbr.ind lr, $3  }
0x3a: {  	_ = 	snop  }
0x3b: {  	_ = 	snop  }
0x3c: {  	p2 =	seq.s32 s10, $0x1;
	s10 =	sld [smem:$0x3FB4]  }
0x3d: {  	_ =	shalt  }
0x3e: {  	_ =	shalt  }
0x3f: {  	_ =	shalt  }
0x40: {  	_ =	shalt  }
0x41: {  	_ =	shalt  }
0x42: {  	_ =	shalt  }
0x43: {  	_ =	shalt  }
0x44: {  	_ =	shalt  }
0x45: {  	_ =	shalt  }
0x46: {  	_ =	shalt  }
0x47: {  	_ =	shalt  }
0x48: {  	_ =	shalt  }
0x49: {  	_ =	shalt  }
0x4a: {  	_ =	shalt  }
0x4b: {  	_ =	shalt  }
0x4c: {  	_ =	shalt  }
0x4d: {  	_ =	shalt  }
0x4e: {  	_ =	shalt  }
0x4f: {  	_ =	shalt  }
0x50: {  	_ =	shalt  }
0x51: {  	_ =	shalt  }
0x52: {  	_ =	shalt  }
0x53: {  	_ =	shalt  }
0x54: {  	_ =	shalt  }
0x55: {  	_ =	shalt  }
0x56: {  	_ =	shalt  }
0x57: {  	_ =	shalt  }
0x58: {  	_ =	shalt  }
0x59: {  	_ =	shalt  }
0x5a: {  	_ =	shalt  }
0x5b: {  	_ =	shalt  }
0x5c: {  	_ =	shalt  }
0x5d: {  	_ =	shalt  }
0x5e: {  	_ =	shalt  }
0x5f: {  	_ =	shalt  }
0x60: {  	_ =	shalt  }
0x61: {  	_ =	shalt  }
0x62: {  	_ =	shalt  }
0x63: {  	_ =	shalt  }
0x64: {  	_ =	shalt  }
0x65: {  	_ =	shalt  }
0x66: {  	_ =	shalt  }
0x67: {  	_ =	shalt  }
0x68: {  	_ =	shalt  }
0x69: {  	_ =	shalt  }
0x6a: {  	_ =	shalt  }
0x6b: {  	_ =	shalt  }
0x6c: {  	_ =	shalt  }
0x6d: {  	_ =	shalt  }
0x6e: {  	_ =	shalt  }
0x6f: {  	_ =	shalt  }
0x70: {  	_ =	shalt  }
0x71: {  	_ =	shalt  }
0x72: {  	_ =	shalt  }
0x73: {  	_ =	shalt  }
0x74: {  	_ =	shalt  }
0x75: {  	_ =	shalt  }
0x76: {  	_ =	shalt  }
0x77: {  	_ =	shalt  }
0x78: {  	_ =	shalt  }
0x79: {  	_ =	shalt  }
0x7a: {  	_ =	shalt  }
0x7b: {  	_ =	shalt  }
0x7c: {  	_ =	shalt  }
0x7d: {  	_ =	shalt  }
0x7e: {  	_ =	shalt  }
0x7f: {  	_ =	shalt  }
0x80: {  	_ =	shalt  }
0x81: {  	_ =	shalt  }
0x82: {  	_ =	shalt  }
0x83: {  	_ =	shalt  }
0x84: {  	_ =	shalt  }
0x85: {  	_ =	shalt  }
0x86: {  	_ =	shalt  }
0x87: {  	_ =	shalt  }
.Lfunc_end0:
.L_simem_size_0:
called_computation.1_lowered:
.L_overlay_start_0:
0x88: {  	s2 =	sld [smem:$0x3FD9]  }
0x89: {  	s3 =	sld [smem:$0x3FFE];
	_ =	sdelay $0x1  }
0x8a: {  	s1 =	srdreg.scid  }
0x8b: {  	s0 =	sand.u32 $0x1, s1  }
0x8c: {  	s17 =	sshll.u32 s0, $0xA;
	s2 =	sadd.s32 s3, s2  }
0x8d: {  	s2 =	sadd.s32 s2, s17  }
0x8e: {  	[smem:$0x3FC0] =	sst s2  }
0x8f: {  	_ = 	snop  }
0x90: {  	s2 =	sld [smem:$0x3FD0];
	(tm) =	ssettm $0x1  }
0x91: {  	s18 =	sld [smem:$0x3FFB];
	_ =	sdelay $0x3  }
0x92: {  	_ =	strace s18  }
0x93: {  	s3 =	sld [smem:$0x3FFC];
	_ =	sdelay $0x3  }
0x94: {  	_ =	strace s3  }
0x95: {  	s3 =	sld [smem:$0x3FFD];
	_ =	sdelay $0x3  }
0x96: {  	_ =	strace s3  }
0x97: {  	_ =	strace $0x8FFFFFFF  }
0x98: {  	s19 =	sld [smem:$0x3FDB];
	_ =	sdelay $0x1  }
0x99: {  	s4 =	simm.s32 $_scs_section_size  }
0x9a: {  	s5 =	simm.s32 $_size__tile_overlayer_lowered;
	s6 =	simm.s32 $_tile_overlayer_lowered  }
0x9b: {  	s22 =	simm.s32 $0x1BFF;
	s21 =	sshll.u32 s6, $0x1;
	s3 =	sadd.s32 s4, s19  }
0x9c: {  	s7 =	simm.s32 $0x0;
	s20 =	sshll.u32 s5, $0x1;
	s5 =	sadd.s32 s21, s3  }
0x9d: {  	[timem:s7], [sflag:s22] =	dma.local [hbm:s5], s20  }
0x9e: {  	_ =	swait.ge [sflag:s22], s20  }
0x9f: {  	s4 =	ssub.s32 $0x0, s20;
	[sflag:s22] =	ssyncset.done $0x0  }
0xa0: {  	[sflag:s22] =	ssyncadd.s32 s4;
	_ =	sdelay $0x1  }
0xa1: {  	s23 =	simm.s32 $0x1B8B  }
0xa2: {  	_ =	swait.ge [sflag:s23], $0x1  }
0xa3: {  	[sflag:s23] =	ssyncset.done $0x0  }
0xa4: {  	s25 =	simm.s32 $0x1B8E;
	s24 =	sld [smem:$0x3FFE];
	[sflag:s23] =	ssyncadd.s32 $0xFFFFFFFF  }
0xa5: {  	s26 =	simm.s32 $execute0_lowered;
	[smem:$0x3FD2] =	sst s25  }
0xa6: {  	s5 =	sshll.u32 s26, $0x1;
	_ =	strace $0x80000049;
	[dreg:$0x1] =	wrdreg $0xFFFFFFFF  }
0xa7: {  	s28 =	simm.s32 $_size_execute0_lowered;
	s3 =	sadd.s32 s3, s5;
	[dreg:$0x0] =	wrdreg $0x0  }
0xa8: {  	s5 =	sshll.u32 s28, $0x1;
	[dreg:$0x2] =	wrdreg s3  }
0xa9: {  	[dreg:$0x3] =	wrdreg s5  }
0xaa: {  	[dreg:$0x4] =	wrdreg $0xC0  }
0xab: {  	_ =	task [dreg:s7], $0x5FFFF  }
0xac: {  	[dreg:$0x1] =	wrdreg $0xFFFFFFFF  }
0xad: {  	[dreg:$0x0] =	wrdreg $0x60  }
0xae: {  	[dreg:$0x2] =	wrdreg s2  }
0xaf: {  	[dreg:$0x3] =	wrdreg s24  }
0xb0: {  	[dreg:$0x4] =	wrdreg $0xB0000  }
0xb1: {  	[dreg:$0x5] =	wrdreg $0x14E000  }
0xb2: {  	[dreg:$0x6] =	wrdreg $0x9  }
0xb3: {  	_ =	task.clear_ibuf [dreg:s7], $0x7FFFF;
	_ =	strace $0x90000049  }
0xb4: {  	s29 =	simm.s32 $0x9;
	_ =	strace $0x8000004B  }
0xb5: {  	_ =	swait.ge [sflag:s29], $0x1  }
0xb6: {  	[sflag:s29] =	ssyncadd.s32 $0xFFFFFFFF  }
0xb7: {  	_ =	strace $0x9000004B  }
0xb8: {  	_ =	sfence  }
0xb9: {  	s30 =	sld [smem:$0x0];
	_ =	sdelay $0x2  }
0xba: {  	s31 =	sshll.u32 s1, $0xD;
	s1 =	sshrl.u32 s1, $0x2  }
0xbb: {  	s3 =	sand.u32 $0x4000, s31;
	s1 =	sadd.s32 s1, s30  }
0xbc: {  	s0 =	sor.u32 s3, s0;
	s1 =	sshll.u32 s1, $0x11  }
0xbd: {  	s0 =	sor.u32 s1, s0  }
0xbe: {  	s0 =	sadd.s32 $0x8F2B, s0  }
0xbf: {  	[sflag:s0] =	ssyncadd.remote.s32 $0x1  }
0xc0: {  	_ =	sfence.sel $0xFFFF  }
0xc1: {  	[dreg:$0x0] =	wrdreg $0xFFFFFFFF;
	(pc) =	sbr.abs _section_cstart, $3  }
0xc2: {  	[dreg:$0x1] =	wrdreg $0xFFFFFFFF  }
0xc3: {  	_ =	task.clear_ibuf [dreg:s7], $0x2FFFF;
	_ =	strace $0x9FFFFFFF  }
0xc4: {  	(tm) =	ssettm $0x7FFFFFFF  }
0xc5: {  	_ =	shalt  }
tec
execute0_lowered:
.L_overlay_start_1:
0x0: {  	(tag) =	ssettag $0x1  }
0x1: {  	s1 =	rddreg [dreg:$0x0]  }
0x2: {  	s0 =	srdreg.scid;
	s6 =	rddreg [dreg:$0x1]  }
0x3: {  	s12 =	stileid.u32;
	s2 =	rddreg [dreg:$0x2]  }
0x4: {  	s16 =	simm.s32 $0x7;
	s17 =	simm.s32 $0x2800;
	s28 =	simm.s32 $0x100  }
0x5: {  	s29 =	simm.s32 $0x9000;
	s30 =	simm.s32 $0x2;
	s7 =	smul.u32 $0x9E00, s12  }
0x6: {  	s31 =	simm.s32 $0x2880;
	s0 =	sand.u32 $0x1, s0;
	s11 =	smul.u32 $0x27800, s12  }
0x7: {  	s19 =	smul.u32 $0x2780, s12;
	s22 =	sadd.s32 $0x25080, s1;
	p0 =	seq.s32 s12, $0xF  }
0x8: {  	s26 =	sshll.u32 s12, $0x6;
	s3 =	sshll.u32 s0, $0x4;
	s8 =	smul.u32 $0x13C000, s0  }
0x9: {  	s0 =	ssub.s32 $0x2, s0;
	s4 =	sor.u32 s12, s3;
	s3 =	rddreg [dreg:$0x3]  }
0xa: {  	s10 =	sshrl.u32 s0, $0x1;
	s21 =	sshrl.u32 s11, $0x2;
	s11 =	simm.s32 $0x0  }
0xb: {  	s5 =	smul.u32 $0x500, s4;
	s4 =	simm.s32 $0x0;
	s8 =	sadd.s32 s7, s8  }
0xc: {  	s0 =	ssub.s32 s0, s10;
	s10 =	sadd.s32 $0x94200, s2;
	s23 =	sadd.s32 s7, s3  }
0xd: {  	s7 =	sadd.s32 s7, s2;
	[smem:$0x7FF] =	sst s4;
	s8 =	sshrl.u32 s8, $0x3  }
0xe: {  	s0 =	smax.u32 s0, $0x1;
	s18 =	sshrl.u32 @p0 s10, $0x3;
	s10 =	simm.s32 $0x4F80  }
0xf: {  	_ =	strace $0x8000004A;
	s9 =	sadd.s32 s5, s6;
	[dreg:$0x7] =	wrdreg s22  }
0x10: {  	s5 =	sadd.s32 $0x16000, s6;
	s6 =	sadd.s32 s8, s6;
	[dreg:$0x9] =	wrdreg s23  }
0x11: {  	s8 =	sadd.s32 s1, s19;
	s1 =	sadd.s32 $0x25088, s1;
	[dreg:$0xe] =	wrdreg s0  }
0x12: {  	s0 =	sshll.u32 @!p0 s12, $0x6;
	s22 =	simm.s32 $0x80;
	[dreg:$0x8] =	wrdreg s8  }
0x13: {  	s23 =	simm.s32 $0x5000;
	s20 =	sadd.s32 $0xBC00, s9;
	[dreg:$0xc] =	wrdreg s1  }
0x14: {  	s9 =	sadd.s32 $0x1C00, s9;
	s24 =	sadd.s32 $0x17400, s6;
	[dreg:$0x5] =	wrdreg s20  }
0x15: {  	s8 =	sadd.s32 $0x8, s8;
	s25 =	sadd.s32 $0x2B000, s6;
	[dreg:$0x6] =	wrdreg s9  }
0x16: {  	s19 =	sor.u32 @!p0 $0x1C07, s0;
	s1 =	simm.s32 $0x4;
	[dreg:$0xa] =	wrdreg s24  }
0x17: {  	s0 =	simm.s32 $0x3;
	s6 =	simm.s32 $0x5;
	[dreg:$0xb] =	wrdreg s8  }
0x18: {  	s9 =	sadd.s32 s21, s2;
	[dreg:$0xd] =	wrdreg s25;
	s21 =	sor.u32 $0x1C07, s26  }
0x19: {  	s24 =	simm.s32 $0x7000;
	s25 =	sshrl.u32 @!p0 s7, $0x3;
	s26 =	simm.s32 $0x1  }
0x1a: {  	s7 =	simm.s32 $0x6;
	s20 =	sshrl.u32 @!p0 s9, $0x3;
	s9 =	simm.s32 $0x2780  }
.LBB2_1:
0x1b: {  	s12 =	rddreg [dreg:$0x5]  }
0x1c: {  	[tilespmem:s4], [sflag:$0x7] =	stream.linear.gather [hbm4b:s12+s4], $0x2800, $0x38;
	[tilespmem:$0x1EC00] =	vst v63  }
0x1d: {  	_ =	swait.ge [sflag:s16], $0x2800  }
0x1e: {  	[sflag:s16] =	ssyncset.done $0x0  }
0x1f: {  	s8 =	rddreg [dreg:$0x6];
	[sflag:s16] =	ssyncadd.s32 $0xFFFFD800  }
0x20: {  	[tilespmem:s17], [sflag:$0x7] =	stream.linear.gather [hbm4b:s8+s4], $0x2800, $0x38;
	[tilespmem:$0x1EC00] =	vst v63  }
0x21: {  	s13 =	simm.s32 @p0 $0x8;
	_ =	swait.ge [sflag:s16], $0x2800  }
0x22: {  	s14 =	simm.s32 @p0 $0x10;
	s15 =	simm.s32 @p0 $0x1FC7;
	[sflag:s16] =	ssyncset.done $0x0  }
0x23: {  	s12 =	simm.s32 @p0 $0x1;
	s8 =	rddreg [dreg:$0x7];
	[sflag:s16] =	ssyncadd.s32 $0xFFFFD800  }
0x24: {  	[spmem:s18@s13], [sflag:s15] =	dma.strided @p0 [hbm:s8@s14], $0x1040, s12, $0x8   }
0x25: {  	s12 =	simm.s32 @p0 $0x7  }
0x26: {  	_ =	swait.ge @p0 [sflag:s12], $0x1040  }
0x27: {  	s13 =	simm.s32 @!p0 $0x8;
	s14 =	simm.s32 @!p0 $0x10;
	[sflag:s12] =	ssyncset.done @p0 $0x0  }
0x28: {  	s8 =	rddreg [dreg:$0x8];
	[sflag:s12] =	ssyncadd.s32 @p0 $0xFFFFEFC0;
	s12 =	simm.s32 @!p0 $0x1  }
0x29: {  	[spmem:s20@s13], [sflag:s19] =	dma.strided @!p0 [hbm:s8@s14], $0x13C0, s12, $0x8   }
0x2a: {  	s12 =	simm.s32 @!p0 $0x7  }
0x2b: {  	_ =	swait.ge @!p0 [sflag:s12], $0x13C0  }
0x2c: {  	[sflag:s12] =	ssyncset.done @!p0 $0x0;
	s13 =	rddreg [dreg:$0x9]  }
0x2d: {  	[sflag:s12] =	ssyncadd.s32 @!p0 $0xFFFFEC40;
	s12 =	sshrl.u32 s13, $0x3  }
0x2e: {  	[spmem:s12], [sflag:s21] =	dma.local [hbm:s5], $0x13C0  }
0x2f: {  	_ =	swait.ge [sflag:s16], $0x13C0  }
0x30: {  	[sflag:s16] =	ssyncset.done $0x0  }
0x31: {  	[sflag:s16] =	ssyncadd.s32 $0xFFFFEC40  }
0x32: {  	[bflag:$0x0] =	sbarrier.arrive $0xFFFF  }
0x33: {  	[tilespmem:s23], [sflag:$0x1] =	stream.indirect.gather [spmem:s2], $0x40, s4, s22, $0xb8;
	[tilespmem:$0x1EC00] =	vst v63  }
0x34: {  	_ = 	snop  }
0x35: {  	[tilespmem:s24], [sflag:$0x2] =	stream.indirect.gather [spmem:s2], $0x40, s22, s22, $0xb8;
	[tilespmem:$0x1EC00] =	vst v63  }
0x36: {  	_ =	swait.ge [sflag:s26], $0x2000  }
0x37: {  	[sflag:s26] =	ssyncset.done $0x0  }
0x38: {  	[sflag:s26] =	ssyncadd.s32 $0xFFFFE000  }
0x39: {  	[spmem:s3] =	stream.indirect.scatter.add.f32 [tilespmem:s23], [sflag:$0x4], $0x40, s17, s22, $0xb8;
	[tilespmem:$0x1EC00] =	vst v63  }
0x3a: {  	_ = 	snop  }
0x3b: {  	[tilespmem:s29], [sflag:$0x3] =	stream.indirect.gather [spmem:s2], $0x40, s28, s22, $0xb8;
	[tilespmem:$0x1EC00] =	vst v63  }
0x3c: {  	_ =	swait.ge [sflag:s30], $0x2000  }
0x3d: {  	[sflag:s30] =	ssyncset.done $0x0  }
0x3e: {  	[sflag:s30] =	ssyncadd.s32 $0xFFFFE000  }
0x3f: {  	[spmem:s3] =	stream.indirect.scatter.add.f32 [tilespmem:s24], [sflag:$0x5], $0x40, s31, s22, $0xb8;
	[tilespmem:$0x1EC00] =	vst v63  }
0x40: {  	_ =	swait.ge [sflag:s1], $0x2000  }
0x41: {  	[sflag:s1] =	ssyncset.done $0x0  }
0x42: {  	s14 =	simm.s32 $0x180;
	[sflag:s1] =	ssyncadd.s32 $0xFFFFE000  }
0x43: {  	[tilespmem:s23], [sflag:$0x1] =	stream.indirect.gather [spmem:s2], $0x40, s14, s22, $0xb8;
	[tilespmem:$0x1EC00] =	vst v63  }
0x44: {  	_ =	swait.ge [sflag:s0], $0x2000  }
0x45: {  	[sflag:s0] =	ssyncset.done $0x0  }
0x46: {  	s15 =	simm.s32 $0x2900;
	[sflag:s0] =	ssyncadd.s32 $0xFFFFE000  }
0x47: {  	[spmem:s3] =	stream.indirect.scatter.add.f32 [tilespmem:s29], [sflag:$0x6], $0x40, s15, s22, $0xb8;
	[tilespmem:$0x1EC00] =	vst v63  }
0x48: {  	_ =	swait.ge [sflag:s6], $0x2000  }
0x49: {  	[sflag:s6] =	ssyncset.done $0x0  }
0x4a: {  	s8 =	simm.s32 $0x200;
	[sflag:s6] =	ssyncadd.s32 $0xFFFFE000  }
0x4b: {  	[tilespmem:s24], [sflag:$0x2] =	stream.indirect.gather [spmem:s2], $0x40, s8, s22, $0xb8;
	[tilespmem:$0x1EC00] =	vst v63  }
0x4c: {  	_ =	swait.ge [sflag:s26], $0x2000  }
0x4d: {  	[sflag:s26] =	ssyncset.done $0x0  }
0x4e: {  	s14 =	simm.s32 $0x2980;
	[sflag:s26] =	ssyncadd.s32 $0xFFFFE000  }
0x4f: {  	[spmem:s3] =	stream.indirect.scatter.add.f32 [tilespmem:s23], [sflag:$0x4], $0x40, s14, s22, $0xb8;
	[tilespmem:$0x1EC00] =	vst v63  }
0x50: {  	_ =	swait.ge [sflag:s7], $0x2000  }
0x51: {  	[sflag:s7] =	ssyncset.done $0x0  }
0x52: {  	s15 =	simm.s32 $0x280;
	[sflag:s7] =	ssyncadd.s32 $0xFFFFE000  }
0x53: {  	[tilespmem:s29], [sflag:$0x3] =	stream.indirect.gather [spmem:s2], $0x40, s15, s22, $0xb8;
	[tilespmem:$0x1EC00] =	vst v63  }
0x54: {  	_ =	swait.ge [sflag:s30], $0x2000  }
0x55: {  	[sflag:s30] =	ssyncset.done $0x0  }
0x56: {  	s13 =	simm.s32 $0x600;
	s14 =	simm.s32 $0x2A00;
	[sflag:s30] =	ssyncadd.s32 $0xFFFFE000  }
.LBB2_2:
0x57: {  	[spmem:s3] =	stream.indirect.scatter.add.f32 [tilespmem:s24], [sflag:$0x5], $0x40, s14, s22, $0xb8;
	[tilespmem:$0x1EC00] =	vst v63  }
0x58: {  	s14 =	smov.u32 s13;
	s13 =	sadd.s32 $0x600, s13;
	_ =	swait.ge [sflag:s1], $0x2000  }
0x59: {  	s14 =	sshra.s32 s14, $0x2;
	p1 =	sne.s32 s13, $0x9600;
	[sflag:s1] =	ssyncset.done $0x0  }
0x5a: {  	s15 =	sadd.s32 $0x180, s14;
	[sflag:s1] =	ssyncadd.s32 $0xFFFFE000  }
0x5b: {  	[tilespmem:s23], [sflag:$0x1] =	stream.indirect.gather [spmem:s2], $0x40, s15, s22, $0xb8;
	[tilespmem:$0x1EC00] =	vst v63  }
0x5c: {  	_ =	swait.ge [sflag:s0], $0x2000  }
0x5d: {  	[sflag:s0] =	ssyncset.done $0x0  }
0x5e: {  	s15 =	sadd.s32 $0x2900, s14;
	[sflag:s0] =	ssyncadd.s32 $0xFFFFE000  }
0x5f: {  	[spmem:s3] =	stream.indirect.scatter.add.f32 [tilespmem:s29], [sflag:$0x6], $0x40, s15, s22, $0xb8;
	[tilespmem:$0x1EC00] =	vst v63  }
0x60: {  	_ =	swait.ge [sflag:s6], $0x2000  }
0x61: {  	[sflag:s6] =	ssyncset.done $0x0  }
0x62: {  	s15 =	sadd.s32 $0x200, s14;
	[sflag:s6] =	ssyncadd.s32 $0xFFFFE000  }
0x63: {  	[tilespmem:s24], [sflag:$0x2] =	stream.indirect.gather [spmem:s2], $0x40, s15, s22, $0xb8;
	[tilespmem:$0x1EC00] =	vst v63  }
0x64: {  	_ =	swait.ge [sflag:s26], $0x2000  }
0x65: {  	[sflag:s26] =	ssyncset.done $0x0  }
0x66: {  	s15 =	sadd.s32 $0x2980, s14;
	[sflag:s26] =	ssyncadd.s32 $0xFFFFE000  }
0x67: {  	[spmem:s3] =	stream.indirect.scatter.add.f32 [tilespmem:s23], [sflag:$0x4], $0x40, s15, s22, $0xb8;
	[tilespmem:$0x1EC00] =	vst v63  }
0x68: {  	_ =	swait.ge [sflag:s7], $0x2000  }
0x69: {  	[sflag:s7] =	ssyncset.done $0x0  }
.Ltmp0:
0x6a: {  	s15 =	sadd.s32 $0x280, s14;
	[sflag:s7] =	ssyncadd.s32 $0xFFFFE000;
	(pc) =	sbr.rel @p1 .LBB2_2-.Ltmp0, $4  }
0x6b: {  	[tilespmem:s29], [sflag:$0x3] =	stream.indirect.gather [spmem:s2], $0x40, s15, s22, $0xb8;
	[tilespmem:$0x1EC00] =	vst v63  }
0x6c: {  	_ =	swait.ge [sflag:s30], $0x2000  }
0x6d: {  	[sflag:s30] =	ssyncset.done $0x0  }
0x6e: {  	s14 =	sadd.s32 $0x2A00, s14;
	[sflag:s30] =	ssyncadd.s32 $0xFFFFE000  }
0x6f: {  	[spmem:s3] =	stream.indirect.scatter.add.f32 [tilespmem:s24], [sflag:$0x5], $0x40, s14, s22, $0xb8;
	[tilespmem:$0x1EC00] =	vst v63  }
0x70: {  	_ =	swait.ge [sflag:s1], $0x2000  }
0x71: {  	s13 =	sshra.s32 s13, $0x2;
	[sflag:s1] =	ssyncset.done $0x0  }
0x72: {  	s8 =	sadd.s32 $0x180, s13;
	[sflag:s1] =	ssyncadd.s32 $0xFFFFE000  }
0x73: {  	[tilespmem:s23], [sflag:$0x1] =	stream.indirect.gather [spmem:s2], $0x40, s8, s22, $0xb8;
	[tilespmem:$0x1EC00] =	vst v63  }
0x74: {  	_ =	swait.ge [sflag:s0], $0x2000  }
0x75: {  	[sflag:s0] =	ssyncset.done $0x0  }
0x76: {  	s15 =	sadd.s32 $0x2900, s13;
	[sflag:s0] =	ssyncadd.s32 $0xFFFFE000  }
0x77: {  	[spmem:s3] =	stream.indirect.scatter.add.f32 [tilespmem:s29], [sflag:$0x6], $0x40, s15, s22, $0xb8;
	[tilespmem:$0x1EC00] =	vst v63  }
0x78: {  	_ =	swait.ge [sflag:s6], $0x2000  }
0x79: {  	[sflag:s6] =	ssyncset.done $0x0  }
0x7a: {  	[sflag:s6] =	ssyncadd.s32 $0xFFFFE000  }
0x7b: {  	[tilespmem:s24], [sflag:$0x2] =	stream.indirect.gather [spmem:s2], $0x40, s9, s22, $0xb8;
	[tilespmem:$0x1EC00] =	vst v63  }
0x7c: {  	_ =	swait.ge [sflag:s26], $0x2000  }
0x7d: {  	[sflag:s26] =	ssyncset.done $0x0  }
0x7e: {  	s13 =	sadd.s32 $0x2980, s13;
	[sflag:s26] =	ssyncadd.s32 $0xFFFFE000  }
0x7f: {  	[spmem:s3] =	stream.indirect.scatter.add.f32 [tilespmem:s23], [sflag:$0x4], $0x40, s13, s22, $0xb8;
	[tilespmem:$0x1EC00] =	vst v63  }
0x80: {  	_ =	swait.ge [sflag:s7], $0x2000  }
0x81: {  	[sflag:s7] =	ssyncset.done $0x0  }
0x82: {  	[sflag:s7] =	ssyncadd.s32 $0xFFFFE000  }
0x83: {  	_ =	swait.ge [sflag:s30], $0x2000  }
0x84: {  	[sflag:s30] =	ssyncset.done $0x0  }
0x85: {  	[sflag:s30] =	ssyncadd.s32 $0xFFFFE000  }
0x86: {  	[spmem:s3] =	stream.indirect.scatter.add.f32 [tilespmem:s24], [sflag:$0x5], $0x40, s10, s22, $0xb8;
	[tilespmem:$0x1EC00] =	vst v63  }
0x87: {  	_ =	swait.ge [sflag:s1], $0x2000  }
0x88: {  	[sflag:s1] =	ssyncset.done $0x0  }
0x89: {  	[sflag:s1] =	ssyncadd.s32 $0xFFFFE000  }
0x8a: {  	_ =	swait.ge [sflag:s6], $0x2000  }
0x8b: {  	[sflag:s6] =	ssyncset.done $0x0  }
0x8c: {  	[sflag:s6] =	ssyncadd.s32 $0xFFFFE000  }
0x8d: {  	[bflag:$0x0] =	sbarrier.arrive $0xFFFF  }
0x8e: {  	s8 =	rddreg [dreg:$0xa]  }
0x8f: {  	[hbm:s8], [sflag:s21] =	dma.local [spmem:s12], $0x13C0  }
0x90: {  	_ =	swait.ge [sflag:s16], $0x13C0  }
0x91: {  	[sflag:s16] =	ssyncset.done $0x0  }
0x92: {  	[sflag:s16] =	ssyncadd.s32 $0xFFFFEC40  }
0x93: {  	s14 =	simm.s32 @p0 $0x8;
	[bflag:$0x0] =	sbarrier.arrive $0xFFFF  }
0x94: {  	s15 =	simm.s32 @p0 $0x10;
	s13 =	simm.s32 @p0 $0x1;
	s8 =	rddreg [dreg:$0xc]  }
0x95: {  	[spmem:s18@s14], [sflag:s21] =	dma.strided @p0 [hbm:s8@s15], $0x1040, s13, $0x8   }
0x96: {  	s13 =	simm.s32 @p0 $0x7  }
0x97: {  	_ =	swait.ge @p0 [sflag:s13], $0x1040  }
0x98: {  	s14 =	simm.s32 @!p0 $0x8;
	s15 =	simm.s32 @!p0 $0x10;
	[sflag:s13] =	ssyncset.done @p0 $0x0  }
0x99: {  	s8 =	rddreg [dreg:$0xb];
	[sflag:s13] =	ssyncadd.s32 @p0 $0xFFFFEFC0;
	s13 =	simm.s32 @!p0 $0x1  }
0x9a: {  	[spmem:s25@s14], [sflag:s21] =	dma.strided @!p0 [hbm:s8@s15], $0x13C0, s13, $0x8   }
0x9b: {  	s13 =	simm.s32 @!p0 $0x7  }
0x9c: {  	_ =	swait.ge @!p0 [sflag:s13], $0x13C0  }
0x9d: {  	[sflag:s13] =	ssyncset.done @!p0 $0x0  }
0x9e: {  	[sflag:s13] =	ssyncadd.s32 @!p0 $0xFFFFEC40  }
0x9f: {  	[spmem:s12], [sflag:s21] =	dma.local [hbm:s5], $0x13C0  }
0xa0: {  	_ =	swait.ge [sflag:s16], $0x13C0  }
0xa1: {  	[sflag:s16] =	ssyncset.done $0x0  }
0xa2: {  	[sflag:s16] =	ssyncadd.s32 $0xFFFFEC40  }
0xa3: {  	s8 =	simm.s32 $0x0;
	[bflag:$0x0] =	sbarrier.arrive $0xFFFF  }
0xa4: {  	[tilespmem:s23], [sflag:$0x1] =	stream.indirect.gather [spmem:s2], $0x40, s8, s22, $0xb8;
	[tilespmem:$0x1EC00] =	vst v63  }
0xa5: {  	_ = 	snop  }
0xa6: {  	[tilespmem:s24], [sflag:$0x2] =	stream.indirect.gather [spmem:s2], $0x40, s22, s22, $0xb8;
	[tilespmem:$0x1EC00] =	vst v63  }
0xa7: {  	_ =	swait.ge [sflag:s26], $0x2000  }
0xa8: {  	[sflag:s26] =	ssyncset.done $0x0  }
0xa9: {  	[sflag:s26] =	ssyncadd.s32 $0xFFFFE000  }
0xaa: {  	[spmem:s3] =	stream.indirect.scatter.add.f32 [tilespmem:s23], [sflag:$0x4], $0x40, s17, s22, $0xb8;
	[tilespmem:$0x1EC00] =	vst v63  }
0xab: {  	_ = 	snop  }
0xac: {  	[tilespmem:s29], [sflag:$0x3] =	stream.indirect.gather [spmem:s2], $0x40, s28, s22, $0xb8;
	[tilespmem:$0x1EC00] =	vst v63  }
0xad: {  	_ =	swait.ge [sflag:s30], $0x2000  }
0xae: {  	[sflag:s30] =	ssyncset.done $0x0  }
0xaf: {  	[sflag:s30] =	ssyncadd.s32 $0xFFFFE000  }
0xb0: {  	[spmem:s3] =	stream.indirect.scatter.add.f32 [tilespmem:s24], [sflag:$0x5], $0x40, s31, s22, $0xb8;
	[tilespmem:$0x1EC00] =	vst v63  }
0xb1: {  	_ =	swait.ge [sflag:s1], $0x2000  }
0xb2: {  	[sflag:s1] =	ssyncset.done $0x0  }
0xb3: {  	s14 =	simm.s32 $0x180;
	[sflag:s1] =	ssyncadd.s32 $0xFFFFE000  }
0xb4: {  	[tilespmem:s23], [sflag:$0x1] =	stream.indirect.gather [spmem:s2], $0x40, s14, s22, $0xb8;
	[tilespmem:$0x1EC00] =	vst v63  }
0xb5: {  	_ =	swait.ge [sflag:s0], $0x2000  }
0xb6: {  	[sflag:s0] =	ssyncset.done $0x0  }
0xb7: {  	s15 =	simm.s32 $0x2900;
	[sflag:s0] =	ssyncadd.s32 $0xFFFFE000  }
0xb8: {  	[spmem:s3] =	stream.indirect.scatter.add.f32 [tilespmem:s29], [sflag:$0x6], $0x40, s15, s22, $0xb8;
	[tilespmem:$0x1EC00] =	vst v63  }
0xb9: {  	_ =	swait.ge [sflag:s6], $0x2000  }
0xba: {  	[sflag:s6] =	ssyncset.done $0x0  }
0xbb: {  	s8 =	simm.s32 $0x200;
	[sflag:s6] =	ssyncadd.s32 $0xFFFFE000  }
0xbc: {  	[tilespmem:s24], [sflag:$0x2] =	stream.indirect.gather [spmem:s2], $0x40, s8, s22, $0xb8;
	[tilespmem:$0x1EC00] =	vst v63  }
0xbd: {  	_ =	swait.ge [sflag:s26], $0x2000  }
0xbe: {  	[sflag:s26] =	ssyncset.done $0x0  }
0xbf: {  	s14 =	simm.s32 $0x2980;
	[sflag:s26] =	ssyncadd.s32 $0xFFFFE000  }
0xc0: {  	[spmem:s3] =	stream.indirect.scatter.add.f32 [tilespmem:s23], [sflag:$0x4], $0x40, s14, s22, $0xb8;
	[tilespmem:$0x1EC00] =	vst v63  }
0xc1: {  	_ =	swait.ge [sflag:s7], $0x2000  }
0xc2: {  	[sflag:s7] =	ssyncset.done $0x0  }
0xc3: {  	s15 =	simm.s32 $0x280;
	[sflag:s7] =	ssyncadd.s32 $0xFFFFE000  }
0xc4: {  	[tilespmem:s29], [sflag:$0x3] =	stream.indirect.gather [spmem:s2], $0x40, s15, s22, $0xb8;
	[tilespmem:$0x1EC00] =	vst v63  }
0xc5: {  	_ =	swait.ge [sflag:s30], $0x2000  }
0xc6: {  	[sflag:s30] =	ssyncset.done $0x0  }
0xc7: {  	s13 =	simm.s32 $0x600;
	s14 =	simm.s32 $0x2A00;
	[sflag:s30] =	ssyncadd.s32 $0xFFFFE000  }
.LBB2_4:
0xc8: {  	[spmem:s3] =	stream.indirect.scatter.add.f32 [tilespmem:s24], [sflag:$0x5], $0x40, s14, s22, $0xb8;
	[tilespmem:$0x1EC00] =	vst v63  }
0xc9: {  	s14 =	smov.u32 s13;
	s13 =	sadd.s32 $0x600, s13;
	_ =	swait.ge [sflag:s1], $0x2000  }
0xca: {  	s14 =	sshra.s32 s14, $0x2;
	p1 =	sne.s32 s13, $0x9600;
	[sflag:s1] =	ssyncset.done $0x0  }
0xcb: {  	s15 =	sadd.s32 $0x180, s14;
	[sflag:s1] =	ssyncadd.s32 $0xFFFFE000  }
0xcc: {  	[tilespmem:s23], [sflag:$0x1] =	stream.indirect.gather [spmem:s2], $0x40, s15, s22, $0xb8;
	[tilespmem:$0x1EC00] =	vst v63  }
0xcd: {  	_ =	swait.ge [sflag:s0], $0x2000  }
0xce: {  	[sflag:s0] =	ssyncset.done $0x0  }
0xcf: {  	s15 =	sadd.s32 $0x2900, s14;
	[sflag:s0] =	ssyncadd.s32 $0xFFFFE000  }
0xd0: {  	[spmem:s3] =	stream.indirect.scatter.add.f32 [tilespmem:s29], [sflag:$0x6], $0x40, s15, s22, $0xb8;
	[tilespmem:$0x1EC00] =	vst v63  }
0xd1: {  	_ =	swait.ge [sflag:s6], $0x2000  }
0xd2: {  	[sflag:s6] =	ssyncset.done $0x0  }
0xd3: {  	s15 =	sadd.s32 $0x200, s14;
	[sflag:s6] =	ssyncadd.s32 $0xFFFFE000  }
0xd4: {  	[tilespmem:s24], [sflag:$0x2] =	stream.indirect.gather [spmem:s2], $0x40, s15, s22, $0xb8;
	[tilespmem:$0x1EC00] =	vst v63  }
0xd5: {  	_ =	swait.ge [sflag:s26], $0x2000  }
0xd6: {  	[sflag:s26] =	ssyncset.done $0x0  }
0xd7: {  	s15 =	sadd.s32 $0x2980, s14;
	[sflag:s26] =	ssyncadd.s32 $0xFFFFE000  }
0xd8: {  	[spmem:s3] =	stream.indirect.scatter.add.f32 [tilespmem:s23], [sflag:$0x4], $0x40, s15, s22, $0xb8;
	[tilespmem:$0x1EC00] =	vst v63  }
0xd9: {  	_ =	swait.ge [sflag:s7], $0x2000  }
0xda: {  	[sflag:s7] =	ssyncset.done $0x0  }
.Ltmp1:
0xdb: {  	s15 =	sadd.s32 $0x280, s14;
	[sflag:s7] =	ssyncadd.s32 $0xFFFFE000;
	(pc) =	sbr.rel @p1 .LBB2_4-.Ltmp1, $4  }
0xdc: {  	[tilespmem:s29], [sflag:$0x3] =	stream.indirect.gather [spmem:s2], $0x40, s15, s22, $0xb8;
	[tilespmem:$0x1EC00] =	vst v63  }
0xdd: {  	_ =	swait.ge [sflag:s30], $0x2000  }
0xde: {  	[sflag:s30] =	ssyncset.done $0x0  }
0xdf: {  	s14 =	sadd.s32 $0x2A00, s14;
	[sflag:s30] =	ssyncadd.s32 $0xFFFFE000  }
0xe0: {  	[spmem:s3] =	stream.indirect.scatter.add.f32 [tilespmem:s24], [sflag:$0x5], $0x40, s14, s22, $0xb8;
	[tilespmem:$0x1EC00] =	vst v63  }
0xe1: {  	_ =	swait.ge [sflag:s1], $0x2000  }
0xe2: {  	s13 =	sshra.s32 s13, $0x2;
	[sflag:s1] =	ssyncset.done $0x0  }
0xe3: {  	s15 =	sadd.s32 $0x180, s13;
	[sflag:s1] =	ssyncadd.s32 $0xFFFFE000  }
0xe4: {  	[tilespmem:s23], [sflag:$0x1] =	stream.indirect.gather [spmem:s2], $0x40, s15, s22, $0xb8;
	[tilespmem:$0x1EC00] =	vst v63  }
0xe5: {  	_ =	swait.ge [sflag:s0], $0x2000  }
0xe6: {  	[sflag:s0] =	ssyncset.done $0x0  }
0xe7: {  	s8 =	sadd.s32 $0x2900, s13;
	[sflag:s0] =	ssyncadd.s32 $0xFFFFE000  }
0xe8: {  	[spmem:s3] =	stream.indirect.scatter.add.f32 [tilespmem:s29], [sflag:$0x6], $0x40, s8, s22, $0xb8;
	[tilespmem:$0x1EC00] =	vst v63  }
0xe9: {  	_ =	swait.ge [sflag:s6], $0x2000  }
0xea: {  	[sflag:s6] =	ssyncset.done $0x0  }
0xeb: {  	[sflag:s6] =	ssyncadd.s32 $0xFFFFE000  }
0xec: {  	[tilespmem:s24], [sflag:$0x2] =	stream.indirect.gather [spmem:s2], $0x40, s9, s22, $0xb8;
	[tilespmem:$0x1EC00] =	vst v63  }
0xed: {  	_ =	swait.ge [sflag:s26], $0x2000  }
0xee: {  	[sflag:s26] =	ssyncset.done $0x0  }
0xef: {  	s13 =	sadd.s32 $0x2980, s13;
	[sflag:s26] =	ssyncadd.s32 $0xFFFFE000  }
0xf0: {  	[spmem:s3] =	stream.indirect.scatter.add.f32 [tilespmem:s23], [sflag:$0x4], $0x40, s13, s22, $0xb8;
	[tilespmem:$0x1EC00] =	vst v63  }
0xf1: {  	_ =	swait.ge [sflag:s7], $0x2000  }
0xf2: {  	[sflag:s7] =	ssyncset.done $0x0  }
0xf3: {  	[sflag:s7] =	ssyncadd.s32 $0xFFFFE000  }
0xf4: {  	_ =	swait.ge [sflag:s30], $0x2000  }
0xf5: {  	[sflag:s30] =	ssyncset.done $0x0  }
0xf6: {  	[sflag:s30] =	ssyncadd.s32 $0xFFFFE000  }
0xf7: {  	[spmem:s3] =	stream.indirect.scatter.add.f32 [tilespmem:s24], [sflag:$0x5], $0x40, s10, s22, $0xb8;
	[tilespmem:$0x1EC00] =	vst v63  }
0xf8: {  	_ =	swait.ge [sflag:s1], $0x2000  }
0xf9: {  	[sflag:s1] =	ssyncset.done $0x0  }
0xfa: {  	[sflag:s1] =	ssyncadd.s32 $0xFFFFE000  }
0xfb: {  	_ =	swait.ge [sflag:s6], $0x2000  }
0xfc: {  	[sflag:s6] =	ssyncset.done $0x0  }
0xfd: {  	[sflag:s6] =	ssyncadd.s32 $0xFFFFE000  }
0xfe: {  	[bflag:$0x0] =	sbarrier.arrive $0xFFFF  }
0xff: {  	s8 =	rddreg [dreg:$0xd]  }
0x100: {  	[hbm:s8], [sflag:s21] =	dma.local [spmem:s12], $0x13C0  }
0x101: {  	_ =	swait.ge [sflag:s16], $0x13C0  }
0x102: {  	s11 =	sadd.s32 $0x1, s11;
	s15 =	rddreg [dreg:$0xe]  }
0x103: {  	p1 =	sne.s32 s11, s15  }
.Ltmp2:
0x104: {  	_ = 	snop;
	(pc) =	sbr.rel @p1 .LBB2_1-.Ltmp2, $3  }
0x105: {  	[sflag:s16] =	ssyncset.done $0x0  }
0x106: {  	[sflag:s16] =	ssyncadd.s32 $0xFFFFEC40  }
0x107: {  	[bflag:$0x0] =	sbarrier.arrive $0xFFFF;
	_ =	sdelay $0x1  }
0x108: {  	_ =	sfence.sel $0x180000  }
0x109: {  	[bflag:$0x0] =	sbarrier.arrive $0xFFFF  }
0x10a: {  	_ =	strace $0x9000004A  }
0x10b: {  	s0 =	stileid.u32;
	[bflag:$0x2] =	sbarrier.arrive $0xFFFF  }
0x10c: {  	p0 =	sne.s32 s0, $0x0;
	s0 =	rddreg [dreg:$0x4]  }
0x10d: {  	s0 =	sadd.s32 @!p0 $0x100000, s0  }
0x10e: {  	[sflag:s0] =	ssyncadd.tile.s32 @!p0 $0x1;
	_ =	shalt  }
.Lfunc_end2:
_tile_overlayer_lowered:
.L_overlay_start_2:
0x10f: {  	(tag) =	ssettag $0x2  }
0x110: {  	s0 =	rddreg [dreg:$0x0];
	s2 =	stileid.u32  }
0x111: {  	s1 =	rddreg [dreg:$0x1];
	p0 =	sne.s32 s2, $0x0  }
0x112: {  	s3 =	rddreg [dreg:$0x2];
	[bflag:$0x3] =	sbarrier.arrive $0xFFFF;
	s2 =	simm.s32 @!p0 $0x1C07  }
0x113: {  	[timem:s3], [sflag:s2] =	dma.local @!p0 [hbm:s0], s1  }
0x114: {  	s0 =	simm.s32 @!p0 $0x7  }
0x115: {  	_ =	swait.ge @!p0 [sflag:s0], s1  }
0x116: {  	s1 =	ssub.s32 @!p0 $0x0, s1;
	[sflag:s0] =	ssyncset.done @!p0 $0x0  }
0x117: {  	[sflag:s0] =	ssyncadd.s32 @!p0 s1  }
0x118: {  	[bflag:$0x3] =	sbarrier.arrive $0xFFFF  }
0x119: {  	_ =	shalt  }

</sc_bundles>
